<compile_context>
chip_gen: v7x
topology: tpu7x:2x2x1
jax: 0.10.2.dev20260603
libtpu: 0.0.44.dev20260713+nightly
codegen_flags: <defaults>
</compile_context>

<pallas_src>
import functools

import jax
import jax.numpy as jnp
from jax import lax
from jax.experimental import pallas as pl
from jax.experimental.pallas import tpu as pltpu
from jax.experimental.pallas import tpu_sc as plsc

NC = 2
NS = 16
NW = NC * NS
K = 128

_MESH = plsc.VectorSubcoreMesh(core_axis_name="c", subcore_axis_name="s")


def _make_scatter_col(n_pad, fh, nb):
    rpt = n_pad // NS

    @functools.partial(
        pl.kernel,
        out_type=jax.ShapeDtypeStruct((NC, n_pad, fh), jnp.float32),
        mesh=_MESH,
        compiler_params=pltpu.CompilerParams(needs_layout_passes=False,
                                             use_tc_tiling_on_sc=False),
        scratch_types=[
            pltpu.VMEM_SHARED((n_pad, fh), jnp.float32),
            pltpu.VMEM_SHARED((n_pad, fh), jnp.float32),
            pltpu.VMEM((nb, K), jnp.int32),
            pltpu.VMEM((K,), jnp.int32),
            pltpu.VMEM((K,), jnp.int32),
            pltpu.VMEM((K,), jnp.int32),
            pltpu.VMEM((K,), jnp.int32),
            pltpu.VMEM((K, fh), jnp.float32),
            pltpu.VMEM((K, fh), jnp.float32),
            pltpu.SemaphoreType.DMA,
            pltpu.SemaphoreType.DMA,
        ],
    )
    def scatter_kernel(ta_hbm, tb_hbm, packed_hbm, zeros_hbm, out_hbm,
                       tbl, acc, pk, s0, s1, d0, d1, rows_a, rows_b,
                       sem_a, sem_b):
        c = lax.axis_index("c")
        s = lax.axis_index("s")
        r0 = s * rpt
        sl = pl.ds(r0, rpt)

        @pl.when(c == 0)
        def _():
            pltpu.sync_copy(ta_hbm.at[sl], tbl.at[sl])

        @pl.when(c == 1)
        def _():
            pltpu.sync_copy(tb_hbm.at[sl], tbl.at[sl])

        pltpu.sync_copy(zeros_hbm.at[sl], acc.at[sl])
        pltpu.sync_copy(packed_hbm.at[pl.ds(s * nb, nb)], pk)
        plsc.subcore_barrier()

        def unpack(j, sbuf, dbuf):
            for l in range(K // 16):
                w = pk[j, pl.ds(16 * l, 16)]
                sbuf[pl.ds(16 * l, 16)] = lax.bitwise_and(w, 0xFFFF)
                dbuf[pl.ds(16 * l, 16)] = lax.shift_right_logical(w, 16)

        def start(sbuf, buf, sem):
            pltpu.async_copy(tbl.at[sbuf], buf, sem)

        def wait(buf, sem):
            pltpu.make_async_copy(tbl.at[s0], buf, sem).wait()

        def body(i, carry):
            j = 2 * i
            unpack(j + 1, s1, d1)
            start(s1, rows_b, sem_b)
            wait(rows_a, sem_a)
            pltpu.sync_copy(rows_a, acc.at[d0], add=True)

            @pl.when(j + 2 < nb)
            def _():
                unpack(j + 2, s0, d0)
                start(s0, rows_a, sem_a)

            wait(rows_b, sem_b)
            pltpu.sync_copy(rows_b, acc.at[d1], add=True)
            return carry

        unpack(0, s0, d0)
        start(s0, rows_a, sem_a)
        lax.fori_loop(0, nb // 2, body, 0)
        plsc.subcore_barrier()
        pltpu.sync_copy(acc.at[sl], out_hbm.at[c, sl])

    return scatter_kernel


def _make_degree(n_pad, nb):
    R = n_pad // 128

    @functools.partial(
        pl.kernel,
        out_type=jax.ShapeDtypeStruct((NC, R, 128), jnp.float32),
        mesh=_MESH,
        compiler_params=pltpu.CompilerParams(needs_layout_passes=False),
        scratch_types=[
            pltpu.VMEM_SHARED((R, 128), jnp.float32),
            pltpu.VMEM((nb, K), jnp.int32),
            pltpu.VMEM((R, 128), jnp.float32),
            pltpu.VMEM((R,), jnp.int32),
        ],
    )
    def deg_kernel(packed_hbm, zeros_hbm, out_hbm, acc, dst_v, hist, iota_v):
        c = lax.axis_index("c")
        s = lax.axis_index("s")
        wid = s * NC + c

        @pl.when(s == 0)
        def _():
            pltpu.sync_copy(zeros_hbm, acc)

        pltpu.sync_copy(zeros_hbm, hist)
        pltpu.sync_copy(packed_hbm.at[pl.ds(wid * nb, nb)], dst_v)
        for t in range(R // 16):
            iota_v[pl.ds(16 * t, 16)] = lax.iota(jnp.int32, 16) + 16 * t
        plsc.subcore_barrier()

        def body(j, carry):
            for l in range(K // 16):
                v = lax.shift_right_logical(dst_v[j, pl.ds(16 * l, 16)], 16)
                cnt, last = plsc.scan_count(v)
                row = lax.shift_right_logical(v, 7)
                col = lax.bitwise_and(v, 127)
                plsc.addupdate_scatter(
                    hist, [row, col], cnt.astype(jnp.float32), mask=last)
            return carry

        lax.fori_loop(0, nb, body, 0)
        pltpu.sync_copy(hist, acc.at[iota_v], add=True)
        plsc.subcore_barrier()

        @pl.when(s == 0)
        def _():
            pltpu.sync_copy(acc, out_hbm.at[c])

    return deg_kernel


def _tc_scale(dega, degb, x, block):
    n, f = x.shape
    fh = f // 2

    def body(da_ref, db_ref, x_ref, dinv_ref, lo_ref, hi_ref):
        d = da_ref[...] + db_ref[...] + 1.0
        dinv = 1.0 / jnp.sqrt(jnp.maximum(d, 1.0))
        dinv_ref[...] = dinv
        xs = x_ref[...] * dinv
        lo_ref[...] = xs[:, :fh]
        hi_ref[...] = xs[:, fh:]

    return pl.pallas_call(
        body,
        grid=(n // block,),
        in_specs=[
            pl.BlockSpec((block, 1), lambda i: (i, 0)),
            pl.BlockSpec((block, 1), lambda i: (i, 0)),
            pl.BlockSpec((block, f), lambda i: (i, 0)),
        ],
        out_specs=[
            pl.BlockSpec((block, 1), lambda i: (i, 0)),
            pl.BlockSpec((block, fh), lambda i: (i, 0)),
            pl.BlockSpec((block, fh), lambda i: (i, 0)),
        ],
        out_shape=[
            jax.ShapeDtypeStruct((n, 1), jnp.float32),
            jax.ShapeDtypeStruct((n, fh), jnp.float32),
            jax.ShapeDtypeStruct((n, fh), jnp.float32),
        ],
    )(dega, degb, x)


def _tc_layer1(o1, xs_lo, xs_hi, dinv, W1lo, W1hi, b1r, W2lo, W2hi, block):
    n, fh = xs_lo.shape
    k1 = W1lo.shape[1]

    def body(o_ref, xl_ref, xh_ref, dinv_ref, w1l_ref, w1h_ref, b1_ref,
             w2l_ref, w2h_ref, gl_ref, gh_ref):
        dinv = dinv_ref[...]
        a = o_ref[...]
        p_lo = (a[0] + xl_ref[...]) * dinv
        p_hi = (a[1] + xh_ref[...]) * dinv
        h1 = jnp.dot(p_lo, w1l_ref[...], preferred_element_type=jnp.float32)
        h1 = h1 + jnp.dot(p_hi, w1h_ref[...],
                          preferred_element_type=jnp.float32)
        h1 = h1 + b1_ref[...]
        h1 = jnp.where(h1 > 0, h1, 0.01 * h1)
        gl = jnp.dot(h1, w2l_ref[...], preferred_element_type=jnp.float32)
        gh = jnp.dot(h1, w2h_ref[...], preferred_element_type=jnp.float32)
        gl_ref[...] = gl * dinv
        gh_ref[...] = gh * dinv

    return pl.pallas_call(
        body,
        grid=(n // block,),
        in_specs=[
            pl.BlockSpec((NC, block, fh), lambda i: (0, i, 0)),
            pl.BlockSpec((block, fh), lambda i: (i, 0)),
            pl.BlockSpec((block, fh), lambda i: (i, 0)),
            pl.BlockSpec((block, 1), lambda i: (i, 0)),
            pl.BlockSpec(W1lo.shape, lambda i: (0, 0)),
            pl.BlockSpec(W1hi.shape, lambda i: (0, 0)),
            pl.BlockSpec((1, k1), lambda i: (0, 0)),
            pl.BlockSpec(W2lo.shape, lambda i: (0, 0)),
            pl.BlockSpec(W2hi.shape, lambda i: (0, 0)),
        ],
        out_specs=[
            pl.BlockSpec((block, fh), lambda i: (i, 0)),
            pl.BlockSpec((block, fh), lambda i: (i, 0)),
        ],
        out_shape=[
            jax.ShapeDtypeStruct((n, fh), jnp.float32),
            jax.ShapeDtypeStruct((n, fh), jnp.float32),
        ],
    )(o1, xs_lo, xs_hi, dinv, W1lo, W1hi, b1r, W2lo, W2hi)


def _tc_head(o2, gs_lo, gs_hi, dinv, b2lo, b2hi, W3lo, W3hi, b3r, block):
    n, fh = gs_lo.shape
    ncls = W3lo.shape[1]

    def body(o_ref, gl_ref, gh_ref, dinv_ref, b2l_ref, b2h_ref,
             w3l_ref, w3h_ref, b3_ref, out_ref):
        dinv = dinv_ref[...]
        a = o_ref[...]
        pre_lo = (a[0] + gl_ref[...]) * dinv + b2l_ref[...]
        pre_hi = (a[1] + gh_ref[...]) * dinv + b2h_ref[...]
        h2_lo = jnp.where(pre_lo > 0, pre_lo, 0.01 * pre_lo)
        h2_hi = jnp.where(pre_hi > 0, pre_hi, 0.01 * pre_hi)
        logits = jnp.dot(h2_lo, w3l_ref[...],
                         preferred_element_type=jnp.float32)
        logits = logits + jnp.dot(h2_hi, w3h_ref[...],
                                  preferred_element_type=jnp.float32)
        logits = logits + b3_ref[...]
        m = jnp.max(logits, axis=1, keepdims=True)
        lse = jnp.log(jnp.sum(jnp.exp(logits - m), axis=1, keepdims=True)) + m
        out_ref[...] = logits - lse

    return pl.pallas_call(
        body,
        grid=(n // block,),
        in_specs=[
            pl.BlockSpec((NC, block, fh), lambda i: (0, i, 0)),
            pl.BlockSpec((block, fh), lambda i: (i, 0)),
            pl.BlockSpec((block, fh), lambda i: (i, 0)),
            pl.BlockSpec((block, 1), lambda i: (i, 0)),
            pl.BlockSpec((1, fh), lambda i: (0, 0)),
            pl.BlockSpec((1, fh), lambda i: (0, 0)),
            pl.BlockSpec(W3lo.shape, lambda i: (0, 0)),
            pl.BlockSpec(W3hi.shape, lambda i: (0, 0)),
            pl.BlockSpec((1, ncls), lambda i: (0, 0)),
        ],
        out_specs=pl.BlockSpec((block, ncls), lambda i: (i, 0)),
        out_shape=jax.ShapeDtypeStruct((n, ncls), jnp.float32),
    )(o2, gs_lo, gs_hi, dinv, b2lo, b2hi, W3lo, W3hi, b3r)


def kernel(x, edge_index, W1, b1, W2, b2, W3, b3):
    n, f = x.shape
    fh = f // 2
    e = edge_index.shape[1]
    ei = edge_index.astype(jnp.int32)
    src, dst = ei[0], ei[1]

    chunk = NS * K * 16
    e_pad = ((e + chunk - 1) // chunk) * chunk
    nb = e_pad // (NS * K)
    n_pad = ((n + 1 + 2047) // 2048) * 2048

    if e_pad != e:
        fill = jnp.full((e_pad - e,), n, jnp.int32)
        src = jnp.concatenate([src, fill])
        dst = jnp.concatenate([dst, fill])
    packed = (src | (dst << 16)).reshape(NS * nb, K)

    zeros_h = jnp.zeros((n_pad, fh), jnp.float32)
    zeros_r = jnp.zeros((n_pad // 128, 128), jnp.float32)
    x_p = jnp.concatenate([x, jnp.zeros((n_pad - n, f), jnp.float32)])

    block = 5120 if n_pad % 5120 == 0 else 128
    w1k = W1.shape[1]
    W2p = jnp.pad(W2, ((0, 0), (0, f - W2.shape[1])))
    W3p = jnp.pad(W3, ((0, f - W3.shape[0]), (0, 0)))
    b2p = jnp.pad(b2, (0, f - b2.shape[0]))
    W1lo, W1hi = W1[:fh], W1[fh:]
    W2lo, W2hi = W2p[:, :fh], W2p[:, fh:]
    W3lo, W3hi = W3p[:fh], W3p[fh:]
    b2lo, b2hi = b2p[:fh].reshape(1, fh), b2p[fh:].reshape(1, fh)
    b1r = b1.reshape(1, w1k)
    b3r = b3.reshape(1, W3.shape[1])

    deg_fn = _make_degree(n_pad, nb // 2)
    scat_fn = _make_scatter_col(n_pad, fh, nb)

    degp = deg_fn(packed, zeros_r)
    da = degp[0].reshape(n_pad, 1)
    db = degp[1].reshape(n_pad, 1)
    dinv, xs_lo, xs_hi = _tc_scale(da, db, x_p, block)

    o1 = scat_fn(xs_lo, xs_hi, packed, zeros_h)
    gs_lo, gs_hi = _tc_layer1(o1, xs_lo, xs_hi, dinv,
                              W1lo, W1hi, b1r, W2lo, W2hi, block)

    o2 = scat_fn(gs_lo, gs_hi, packed, zeros_h)
    out = _tc_head(o2, gs_lo, gs_hi, dinv, b2lo, b2hi, W3lo, W3hi, b3r, block)
    return out[:n]

# --- scband reference (transcript-rebuilt; emitter-appended) ---
"""Pipeline reference for scband-attacker-81570018886156 (READ-ONLY COPY).

The authoritative reference and input builder live on the scoring server;
editing this copy changes nothing except your own understanding.
"""

import jax, jax.numpy as jnp
import numpy as np

N_NODES = 10000


def gcn_conv(x, edge_index, W, b):
    n = x.shape[0]
    src = edge_index[0]
    dst = edge_index[1]
    loop = jnp.arange(n, dtype=edge_index.dtype)
    src = jnp.concatenate([src, loop])
    dst = jnp.concatenate([dst, loop])
    deg = jnp.zeros((n,), dtype=x.dtype).at[dst].add(1.0)
    dinv = 1.0 / jnp.sqrt(jnp.clip(deg, 1.0))
    norm = dinv[src] * dinv[dst]
    h = x @ W
    msg = h[src] * norm[:, None]
    out = jax.ops.segment_sum(msg, dst, num_segments=n)
    return out + b


def setup_inputs(seed: int = 0) -> dict:
    key = jax.random.key(seed)
    ks = jax.random.split(key, 8)
    x = jax.random.normal(ks[0], (N_NODES, 128), dtype=jnp.float32)
    edge_index = jax.random.randint(ks[1], (2, 320000), 0, N_NODES, dtype=jnp.int64)
    W1 = jax.random.normal(ks[2], (128, 180), dtype=jnp.float32) * (1.0 / np.sqrt(128))
    b1 = jnp.zeros((180,), dtype=jnp.float32)
    W2 = jax.random.normal(ks[3], (180, 120), dtype=jnp.float32) * (1.0 / np.sqrt(180))
    b2 = jnp.zeros((120,), dtype=jnp.float32)
    W3 = jax.random.normal(ks[4], (120, 40), dtype=jnp.float32) * (1.0 / np.sqrt(120))
    b3 = jnp.zeros((40,), dtype=jnp.float32)
    return {"x": x, "edge_index": edge_index, "W1": W1, "b1": b1, "W2": W2, "b2": b2, "W3": W3, "b3": b3}


def reference(x, edge_index, W1, b1, W2, b2, W3, b3):
    h = gcn_conv(x, edge_index, W1, b1)
    h = jax.nn.leaky_relu(h, negative_slope=0.01)
    h = gcn_conv(h, edge_index, W2, b2)
    h = jax.nn.leaky_relu(h, negative_slope=0.01)
    h = h @ W3 + b3
    return jax.nn.log_softmax(h, axis=1)

if __name__ == "__main__":
    import jax
    _d = setup_inputs()
    print(jax.jit(kernel)(*tuple(_d.values())))

</pallas_src>

<mosaic_0001>
#map = affine_map<(d0, d1) -> (0, 0)>
#map1 = affine_map<(d0, d1) -> (0, 0, 0)>
module attributes {stable_mosaic.version = 14 : i64} {
  func.func @deg_kernel(%arg0: i32, %arg1: i32, %arg2: memref<2560x128xi32, #tpu.memory_space<hbm>>, %arg3: memref<80x128xf32, #tpu.memory_space<hbm>>, %arg4: memref<2x80x128xf32, #tpu.memory_space<hbm>>, %arg5: memref<80x128xf32, #tpu.memory_space<vmem_shared>>, %arg6: memref<80x128xi32, #tpu.memory_space<vmem>>, %arg7: memref<80x128xf32, #tpu.memory_space<vmem>>, %arg8: memref<80xi32, #tpu.memory_space<vmem>>) attributes {dimension_semantics = [#tpu.dimension_semantics<core_parallel>, #tpu.dimension_semantics<subcore_parallel>], iteration_bounds = array<i64: 2, 16>, scalar_prefetch = 0 : i64, scratch_operands = 4 : i64, tpu.core_type = #tpu.core_type<sc_vector_subcore>, window_params = [{transform_indices = #map}, {transform_indices = #map}, {transform_indices = #map1}]} {
    %mul3A = arith.constant 2 : i32
    %mul3A_0 = arith.muli %arg1, %mul3A : i32
    %add3A = arith.addi %mul3A_0, %arg0 : i32
    %eq3A = arith.constant 0 : i32
    %eq3A_1 = arith.cmpi eq, %arg1, %eq3A : i32
    %convert_element_type3A = arith.extui %eq3A_1 : i1 to i32
    %cond3A = arith.constant 0 : i32
    %cond3A_2 = arith.cmpi ne, %convert_element_type3A, %cond3A : i32
    scf.if %cond3A_2 {
      "tpu.region"() ({
        %run_scoped3A = tpu.sem_alloc : memref<!tpu.dma_semaphore, #tpu.memory_space<semaphore_mem>>
        tpu.enqueue_dma source(%arg3 : memref<80x128xf32, #tpu.memory_space<hbm>>) target(%arg5 : memref<80x128xf32, #tpu.memory_space<vmem_shared>>) target_semaphore(%run_scoped3A : memref<!tpu.dma_semaphore, #tpu.memory_space<semaphore_mem>>)
        tpu.wait_dma2 semaphore(%run_scoped3A : memref<!tpu.dma_semaphore, #tpu.memory_space<semaphore_mem>>) src(%arg3 : memref<80x128xf32, #tpu.memory_space<hbm>>) dst(%arg5 : memref<80x128xf32, #tpu.memory_space<vmem_shared>>)
        tpu.yield
      }) : () -> ()
    } else {
    }
    "tpu.region"() ({
      %run_scoped3A = tpu.sem_alloc : memref<!tpu.dma_semaphore, #tpu.memory_space<semaphore_mem>>
      tpu.enqueue_dma source(%arg3 : memref<80x128xf32, #tpu.memory_space<hbm>>) target(%arg7 : memref<80x128xf32, #tpu.memory_space<vmem>>) target_semaphore(%run_scoped3A : memref<!tpu.dma_semaphore, #tpu.memory_space<semaphore_mem>>)
      tpu.wait_dma2 semaphore(%run_scoped3A : memref<!tpu.dma_semaphore, #tpu.memory_space<semaphore_mem>>) src(%arg3 : memref<80x128xf32, #tpu.memory_space<hbm>>) dst(%arg7 : memref<80x128xf32, #tpu.memory_space<vmem>>)
      tpu.yield
    }) : () -> ()
    %mul3A_3 = arith.constant 80 : i32
    %mul3A_4 = arith.muli %add3A, %mul3A_3 : i32
    "tpu.region"() ({
      %run_scoped3A = tpu.sem_alloc : memref<!tpu.dma_semaphore, #tpu.memory_space<semaphore_mem>>
      %dma_start3A = arith.constant 0 : i32
      %dma_start3A_44 = tpu.memref_slice %arg2[%mul3A_4, %dma_start3A] : memref<2560x128xi32, #tpu.memory_space<hbm>> -> memref<80x128xi32, #tpu.memory_space<hbm>>
      %dma_start3A_45 = arith.constant 0 : i32
      %dma_start3A_46 = tpu.memref_slice %arg2[%mul3A_4, %dma_start3A_45] : memref<2560x128xi32, #tpu.memory_space<hbm>> -> memref<80x128xi32, #tpu.memory_space<hbm>>
      tpu.enqueue_dma source(%dma_start3A_46 : memref<80x128xi32, #tpu.memory_space<hbm>>) target(%arg6 : memref<80x128xi32, #tpu.memory_space<vmem>>) target_semaphore(%run_scoped3A : memref<!tpu.dma_semaphore, #tpu.memory_space<semaphore_mem>>)
      %dma_wait3A = arith.constant 0 : i32
      %dma_wait3A_47 = tpu.memref_slice %arg2[%mul3A_4, %dma_wait3A] : memref<2560x128xi32, #tpu.memory_space<hbm>> -> memref<80x128xi32, #tpu.memory_space<hbm>>
      %dma_wait3A_48 = arith.constant 0 : i32
      %dma_wait3A_49 = tpu.memref_slice %arg2[%mul3A_4, %dma_wait3A_48] : memref<2560x128xi32, #tpu.memory_space<hbm>> -> memref<80x128xi32, #tpu.memory_space<hbm>>
      tpu.wait_dma2 semaphore(%run_scoped3A : memref<!tpu.dma_semaphore, #tpu.memory_space<semaphore_mem>>) src(%dma_wait3A_49 : memref<80x128xi32, #tpu.memory_space<hbm>>) dst(%arg6 : memref<80x128xi32, #tpu.memory_space<vmem>>)
      tpu.yield
    }) : () -> ()
    %iota3A = tpu.iota {dimensions = array<i32: 0>} : vector<16xi32>
    %add3A_5 = arith.constant 0 : i32
    %add3A_6 = vector.broadcast %add3A_5 : i32 to vector<16xi32>
    %add3A_7 = arith.addi %iota3A, %add3A_6 : vector<16xi32>
    %swap3A = arith.constant 0 : index
    %swap3A_8 = tpu.vector_load %arg8[%swap3A] {strides = array<i32>} : memref<80xi32, #tpu.memory_space<vmem>>, vector<16xi32>,
    tpu.vector_store %arg8[%swap3A], %add3A_7 {strides = array<i32>} : memref<80xi32, #tpu.memory_space<vmem>>, vector<16xi32>,
    %iota3A_9 = tpu.iota {dimensions = array<i32: 0>} : vector<16xi32>
    %add3A_10 = arith.constant 16 : i32
    %add3A_11 = vector.broadcast %add3A_10 : i32 to vector<16xi32>
    %add3A_12 = arith.addi %iota3A_9, %add3A_11 : vector<16xi32>
    %swap3A_13 = arith.constant 16 : index
    %swap3A_14 = tpu.vector_load %arg8[%swap3A_13] {strides = array<i32>} : memref<80xi32, #tpu.memory_space<vmem>>, vector<16xi32>,
    tpu.vector_store %arg8[%swap3A_13], %add3A_12 {strides = array<i32>} : memref<80xi32, #tpu.memory_space<vmem>>, vector<16xi32>,
    %iota3A_15 = tpu.iota {dimensions = array<i32: 0>} : vector<16xi32>
    %add3A_16 = arith.constant 32 : i32
    %add3A_17 = vector.broadcast %add3A_16 : i32 to vector<16xi32>
    %add3A_18 = arith.addi %iota3A_15, %add3A_17 : vector<16xi32>
    %swap3A_19 = arith.constant 32 : index
    %swap3A_20 = tpu.vector_load %arg8[%swap3A_19] {strides = array<i32>} : memref<80xi32, #tpu.memory_space<vmem>>, vector<16xi32>,
    tpu.vector_store %arg8[%swap3A_19], %add3A_18 {strides = array<i32>} : memref<80xi32, #tpu.memory_space<vmem>>, vector<16xi32>,
    %iota3A_21 = tpu.iota {dimensions = array<i32: 0>} : vector<16xi32>
    %add3A_22 = arith.constant 48 : i32
    %add3A_23 = vector.broadcast %add3A_22 : i32 to vector<16xi32>
    %add3A_24 = arith.addi %iota3A_21, %add3A_23 : vector<16xi32>
    %swap3A_25 = arith.constant 48 : index
    %swap3A_26 = tpu.vector_load %arg8[%swap3A_25] {strides = array<i32>} : memref<80xi32, #tpu.memory_space<vmem>>, vector<16xi32>,
    tpu.vector_store %arg8[%swap3A_25], %add3A_24 {strides = array<i32>} : memref<80xi32, #tpu.memory_space<vmem>>, vector<16xi32>,
    %iota3A_27 = tpu.iota {dimensions = array<i32: 0>} : vector<16xi32>
    %add3A_28 = arith.constant 64 : i32
    %add3A_29 = vector.broadcast %add3A_28 : i32 to vector<16xi32>
    %add3A_30 = arith.addi %iota3A_27, %add3A_29 : vector<16xi32>
    %swap3A_31 = arith.constant 64 : index
    %swap3A_32 = tpu.vector_load %arg8[%swap3A_31] {strides = array<i32>} : memref<80xi32, #tpu.memory_space<vmem>>, vector<16xi32>,
    tpu.vector_store %arg8[%swap3A_31], %add3A_30 {strides = array<i32>} : memref<80xi32, #tpu.memory_space<vmem>>, vector<16xi32>,
    %barrier3A = arith.constant 0 : index
    tpu.barrier barrier_id(%barrier3A)
    %scan3A = arith.constant 0 : i32
    %scan3A_33 = arith.constant 0 : i32
    %scan3A_34 = arith.constant 80 : i32
    %scan3A_35 = arith.addi %scan3A_33, %scan3A_34 : i32
    %scan3A_36 = arith.constant 1 : i32
    scf.for %scan3A_44 = %scan3A_33 to %scan3A_35 step %scan3A_36  : i32 {
      %get3A = arith.index_cast %scan3A_44 : i32 to index
      %get3A_45 = arith.constant 0 : index
      %get3A_46 = tpu.vector_load %arg6[%get3A, %get3A_45] {strides = array<i32>} : memref<80x128xi32, #tpu.memory_space<vmem>>, vector<16xi32>,
      %shift_right_logical3A = arith.constant 16 : i32
      %shift_right_logical3A_47 = vector.broadcast %shift_right_logical3A : i32 to vector<16xi32>
      %shift_right_logical3A_48 = arith.shrui %get3A_46, %shift_right_logical3A_47 : vector<16xi32>
      %broadcast_in_dim3A = arith.constant true
      %broadcast_in_dim3A_49 = vector.broadcast %broadcast_in_dim3A : i1 to vector<16xi1>
      %unique3A, %unique3A_50 = tpu.scan_count mask(%broadcast_in_dim3A_49 : vector<16xi1>) value(%shift_right_logical3A_48 : vector<16xi32>) : vector<16xi1>, vector<16xi32>
      %shift_right_logical3A_51 = arith.constant 7 : i32
      %shift_right_logical3A_52 = vector.broadcast %shift_right_logical3A_51 : i32 to vector<16xi32>
      %shift_right_logical3A_53 = arith.shrui %shift_right_logical3A_48, %shift_right_logical3A_52 : vector<16xi32>
      %and3A = arith.constant 127 : i32
      %and3A_54 = vector.broadcast %and3A : i32 to vector<16xi32>
      %and3A_55 = arith.andi %shift_right_logical3A_48, %and3A_54 : vector<16xi32>
      %convert_element_type3A_56 = arith.sitofp %unique3A_50 : vector<16xi32> to vector<16xf32>
      tpu.vector_store_idx %arg7[%shift_right_logical3A_53, %and3A_55], %convert_element_type3A_56 masked %unique3A {add = true} : memref<80x128xf32, #tpu.memory_space<vmem>>[vector<16xi32>, vector<16xi32>], vector<16xf32>, vector<16xi1>
      %get3A_57 = arith.index_cast %scan3A_44 : i32 to index
      %get3A_58 = arith.constant 16 : index
      %get3A_59 = tpu.vector_load %arg6[%get3A_57, %get3A_58] {strides = array<i32>} : memref<80x128xi32, #tpu.memory_space<vmem>>, vector<16xi32>,
      %shift_right_logical3A_60 = arith.constant 16 : i32
      %shift_right_logical3A_61 = vector.broadcast %shift_right_logical3A_60 : i32 to vector<16xi32>
      %shift_right_logical3A_62 = arith.shrui %get3A_59, %shift_right_logical3A_61 : vector<16xi32>
      %broadcast_in_dim3A_63 = arith.constant true
      %broadcast_in_dim3A_64 = vector.broadcast %broadcast_in_dim3A_63 : i1 to vector<16xi1>
      %unique3A_65, %unique3A_66 = tpu.scan_count mask(%broadcast_in_dim3A_64 : vector<16xi1>) value(%shift_right_logical3A_62 : vector<16xi32>) : vector<16xi1>, vector<16xi32>
      %shift_right_logical3A_67 = arith.constant 7 : i32
      %shift_right_logical3A_68 = vector.broadcast %shift_right_logical3A_67 : i32 to vector<16xi32>
      %shift_right_logical3A_69 = arith.shrui %shift_right_logical3A_62, %shift_right_logical3A_68 : vector<16xi32>
      %and3A_70 = arith.constant 127 : i32
      %and3A_71 = vector.broadcast %and3A_70 : i32 to vector<16xi32>
      %and3A_72 = arith.andi %shift_right_logical3A_62, %and3A_71 : vector<16xi32>
      %convert_element_type3A_73 = arith.sitofp %unique3A_66 : vector<16xi32> to vector<16xf32>
      tpu.vector_store_idx %arg7[%shift_right_logical3A_69, %and3A_72], %convert_element_type3A_73 masked %unique3A_65 {add = true} : memref<80x128xf32, #tpu.memory_space<vmem>>[vector<16xi32>, vector<16xi32>], vector<16xf32>, vector<16xi1>
      %get3A_74 = arith.index_cast %scan3A_44 : i32 to index
      %get3A_75 = arith.constant 32 : index
      %get3A_76 = tpu.vector_load %arg6[%get3A_74, %get3A_75] {strides = array<i32>} : memref<80x128xi32, #tpu.memory_space<vmem>>, vector<16xi32>,
      %shift_right_logical3A_77 = arith.constant 16 : i32
      %shift_right_logical3A_78 = vector.broadcast %shift_right_logical3A_77 : i32 to vector<16xi32>
      %shift_right_logical3A_79 = arith.shrui %get3A_76, %shift_right_logical3A_78 : vector<16xi32>
      %broadcast_in_dim3A_80 = arith.constant true
      %broadcast_in_dim3A_81 = vector.broadcast %broadcast_in_dim3A_80 : i1 to vector<16xi1>
      %unique3A_82, %unique3A_83 = tpu.scan_count mask(%broadcast_in_dim3A_81 : vector<16xi1>) value(%shift_right_logical3A_79 : vector<16xi32>) : vector<16xi1>, vector<16xi32>
      %shift_right_logical3A_84 = arith.constant 7 : i32
      %shift_right_logical3A_85 = vector.broadcast %shift_right_logical3A_84 : i32 to vector<16xi32>
      %shift_right_logical3A_86 = arith.shrui %shift_right_logical3A_79, %shift_right_logical3A_85 : vector<16xi32>
      %and3A_87 = arith.constant 127 : i32
      %and3A_88 = vector.broadcast %and3A_87 : i32 to vector<16xi32>
      %and3A_89 = arith.andi %shift_right_logical3A_79, %and3A_88 : vector<16xi32>
      %convert_element_type3A_90 = arith.sitofp %unique3A_83 : vector<16xi32> to vector<16xf32>
      tpu.vector_store_idx %arg7[%shift_right_logical3A_86, %and3A_89], %convert_element_type3A_90 masked %unique3A_82 {add = true} : memref<80x128xf32, #tpu.memory_space<vmem>>[vector<16xi32>, vector<16xi32>], vector<16xf32>, vector<16xi1>
      %get3A_91 = arith.index_cast %scan3A_44 : i32 to index
      %get3A_92 = arith.constant 48 : index
      %get3A_93 = tpu.vector_load %arg6[%get3A_91, %get3A_92] {strides = array<i32>} : memref<80x128xi32, #tpu.memory_space<vmem>>, vector<16xi32>,
      %shift_right_logical3A_94 = arith.constant 16 : i32
      %shift_right_logical3A_95 = vector.broadcast %shift_right_logical3A_94 : i32 to vector<16xi32>
      %shift_right_logical3A_96 = arith.shrui %get3A_93, %shift_right_logical3A_95 : vector<16xi32>
      %broadcast_in_dim3A_97 = arith.constant true
      %broadcast_in_dim3A_98 = vector.broadcast %broadcast_in_dim3A_97 : i1 to vector<16xi1>
      %unique3A_99, %unique3A_100 = tpu.scan_count mask(%broadcast_in_dim3A_98 : vector<16xi1>) value(%shift_right_logical3A_96 : vector<16xi32>) : vector<16xi1>, vector<16xi32>
      %shift_right_logical3A_101 = arith.constant 7 : i32
      %shift_right_logical3A_102 = vector.broadcast %shift_right_logical3A_101 : i32 to vector<16xi32>
      %shift_right_logical3A_103 = arith.shrui %shift_right_logical3A_96, %shift_right_logical3A_102 : vector<16xi32>
      %and3A_104 = arith.constant 127 : i32
      %and3A_105 = vector.broadcast %and3A_104 : i32 to vector<16xi32>
      %and3A_106 = arith.andi %shift_right_logical3A_96, %and3A_105 : vector<16xi32>
      %convert_element_type3A_107 = arith.sitofp %unique3A_100 : vector<16xi32> to vector<16xf32>
      tpu.vector_store_idx %arg7[%shift_right_logical3A_103, %and3A_106], %convert_element_type3A_107 masked %unique3A_99 {add = true} : memref<80x128xf32, #tpu.memory_space<vmem>>[vector<16xi32>, vector<16xi32>], vector<16xf32>, vector<16xi1>
      %get3A_108 = arith.index_cast %scan3A_44 : i32 to index
      %get3A_109 = arith.constant 64 : index
      %get3A_110 = tpu.vector_load %arg6[%get3A_108, %get3A_109] {strides = array<i32>} : memref<80x128xi32, #tpu.memory_space<vmem>>, vector<16xi32>,
      %shift_right_logical3A_111 = arith.constant 16 : i32
      %shift_right_logical3A_112 = vector.broadcast %shift_right_logical3A_111 : i32 to vector<16xi32>
      %shift_right_logical3A_113 = arith.shrui %get3A_110, %shift_right_logical3A_112 : vector<16xi32>
      %broadcast_in_dim3A_114 = arith.constant true
      %broadcast_in_dim3A_115 = vector.broadcast %broadcast_in_dim3A_114 : i1 to vector<16xi1>
      %unique3A_116, %unique3A_117 = tpu.scan_count mask(%broadcast_in_dim3A_115 : vector<16xi1>) value(%shift_right_logical3A_113 : vector<16xi32>) : vector<16xi1>, vector<16xi32>
      %shift_right_logical3A_118 = arith.constant 7 : i32
      %shift_right_logical3A_119 = vector.broadcast %shift_right_logical3A_118 : i32 to vector<16xi32>
      %shift_right_logical3A_120 = arith.shrui %shift_right_logical3A_113, %shift_right_logical3A_119 : vector<16xi32>
      %and3A_121 = arith.constant 127 : i32
      %and3A_122 = vector.broadcast %and3A_121 : i32 to vector<16xi32>
      %and3A_123 = arith.andi %shift_right_logical3A_113, %and3A_122 : vector<16xi32>
      %convert_element_type3A_124 = arith.sitofp %unique3A_117 : vector<16xi32> to vector<16xf32>
      tpu.vector_store_idx %arg7[%shift_right_logical3A_120, %and3A_123], %convert_element_type3A_124 masked %unique3A_116 {add = true} : memref<80x128xf32, #tpu.memory_space<vmem>>[vector<16xi32>, vector<16xi32>], vector<16xf32>, vector<16xi1>
      %get3A_125 = arith.index_cast %scan3A_44 : i32 to index
      %get3A_126 = arith.constant 80 : index
      %get3A_127 = tpu.vector_load %arg6[%get3A_125, %get3A_126] {strides = array<i32>} : memref<80x128xi32, #tpu.memory_space<vmem>>, vector<16xi32>,
      %shift_right_logical3A_128 = arith.constant 16 : i32
      %shift_right_logical3A_129 = vector.broadcast %shift_right_logical3A_128 : i32 to vector<16xi32>
      %shift_right_logical3A_130 = arith.shrui %get3A_127, %shift_right_logical3A_129 : vector<16xi32>
      %broadcast_in_dim3A_131 = arith.constant true
      %broadcast_in_dim3A_132 = vector.broadcast %broadcast_in_dim3A_131 : i1 to vector<16xi1>
      %unique3A_133, %unique3A_134 = tpu.scan_count mask(%broadcast_in_dim3A_132 : vector<16xi1>) value(%shift_right_logical3A_130 : vector<16xi32>) : vector<16xi1>, vector<16xi32>
      %shift_right_logical3A_135 = arith.constant 7 : i32
      %shift_right_logical3A_136 = vector.broadcast %shift_right_logical3A_135 : i32 to vector<16xi32>
      %shift_right_logical3A_137 = arith.shrui %shift_right_logical3A_130, %shift_right_logical3A_136 : vector<16xi32>
      %and3A_138 = arith.constant 127 : i32
      %and3A_139 = vector.broadcast %and3A_138 : i32 to vector<16xi32>
      %and3A_140 = arith.andi %shift_right_logical3A_130, %and3A_139 : vector<16xi32>
      %convert_element_type3A_141 = arith.sitofp %unique3A_134 : vector<16xi32> to vector<16xf32>
      tpu.vector_store_idx %arg7[%shift_right_logical3A_137, %and3A_140], %convert_element_type3A_141 masked %unique3A_133 {add = true} : memref<80x128xf32, #tpu.memory_space<vmem>>[vector<16xi32>, vector<16xi32>], vector<16xf32>, vector<16xi1>
      %get3A_142 = arith.index_cast %scan3A_44 : i32 to index
      %get3A_143 = arith.constant 96 : index
      %get3A_144 = tpu.vector_load %arg6[%get3A_142, %get3A_143] {strides = array<i32>} : memref<80x128xi32, #tpu.memory_space<vmem>>, vector<16xi32>,
      %shift_right_logical3A_145 = arith.constant 16 : i32
      %shift_right_logical3A_146 = vector.broadcast %shift_right_logical3A_145 : i32 to vector<16xi32>
      %shift_right_logical3A_147 = arith.shrui %get3A_144, %shift_right_logical3A_146 : vector<16xi32>
      %broadcast_in_dim3A_148 = arith.constant true
      %broadcast_in_dim3A_149 = vector.broadcast %broadcast_in_dim3A_148 : i1 to vector<16xi1>
      %unique3A_150, %unique3A_151 = tpu.scan_count mask(%broadcast_in_dim3A_149 : vector<16xi1>) value(%shift_right_logical3A_147 : vector<16xi32>) : vector<16xi1>, vector<16xi32>
      %shift_right_logical3A_152 = arith.constant 7 : i32
      %shift_right_logical3A_153 = vector.broadcast %shift_right_logical3A_152 : i32 to vector<16xi32>
      %shift_right_logical3A_154 = arith.shrui %shift_right_logical3A_147, %shift_right_logical3A_153 : vector<16xi32>
      %and3A_155 = arith.constant 127 : i32
      %and3A_156 = vector.broadcast %and3A_155 : i32 to vector<16xi32>
      %and3A_157 = arith.andi %shift_right_logical3A_147, %and3A_156 : vector<16xi32>
      %convert_element_type3A_158 = arith.sitofp %unique3A_151 : vector<16xi32> to vector<16xf32>
      tpu.vector_store_idx %arg7[%shift_right_logical3A_154, %and3A_157], %convert_element_type3A_158 masked %unique3A_150 {add = true} : memref<80x128xf32, #tpu.memory_space<vmem>>[vector<16xi32>, vector<16xi32>], vector<16xf32>, vector<16xi1>
      %get3A_159 = arith.index_cast %scan3A_44 : i32 to index
      %get3A_160 = arith.constant 112 : index
      %get3A_161 = tpu.vector_load %arg6[%get3A_159, %get3A_160] {strides = array<i32>} : memref<80x128xi32, #tpu.memory_space<vmem>>, vector<16xi32>,
      %shift_right_logical3A_162 = arith.constant 16 : i32
      %shift_right_logical3A_163 = vector.broadcast %shift_right_logical3A_162 : i32 to vector<16xi32>
      %shift_right_logical3A_164 = arith.shrui %get3A_161, %shift_right_logical3A_163 : vector<16xi32>
      %broadcast_in_dim3A_165 = arith.constant true
      %broadcast_in_dim3A_166 = vector.broadcast %broadcast_in_dim3A_165 : i1 to vector<16xi1>
      %unique3A_167, %unique3A_168 = tpu.scan_count mask(%broadcast_in_dim3A_166 : vector<16xi1>) value(%shift_right_logical3A_164 : vector<16xi32>) : vector<16xi1>, vector<16xi32>
      %shift_right_logical3A_169 = arith.constant 7 : i32
      %shift_right_logical3A_170 = vector.broadcast %shift_right_logical3A_169 : i32 to vector<16xi32>
      %shift_right_logical3A_171 = arith.shrui %shift_right_logical3A_164, %shift_right_logical3A_170 : vector<16xi32>
      %and3A_172 = arith.constant 127 : i32
      %and3A_173 = vector.broadcast %and3A_172 : i32 to vector<16xi32>
      %and3A_174 = arith.andi %shift_right_logical3A_164, %and3A_173 : vector<16xi32>
      %convert_element_type3A_175 = arith.sitofp %unique3A_168 : vector<16xi32> to vector<16xf32>
      tpu.vector_store_idx %arg7[%shift_right_logical3A_171, %and3A_174], %convert_element_type3A_175 masked %unique3A_167 {add = true} : memref<80x128xf32, #tpu.memory_space<vmem>>[vector<16xi32>, vector<16xi32>], vector<16xf32>, vector<16xi1>
    }
    %scan3A_37 = arith.constant 80 : i32
    "tpu.region"() ({
      %run_scoped3A = tpu.sem_alloc : memref<!tpu.dma_semaphore, #tpu.memory_space<semaphore_mem>>
      %dma_start3A = arith.constant 0 : i32
      %dma_start3A_44 = arith.constant 0 : i32
      %dma_start3A_45 = tpu.memref_slice %arg5[%dma_start3A, %dma_start3A_44] : memref<80x128xf32, #tpu.memory_space<vmem_shared>> -> memref<80x128xf32, #tpu.memory_space<vmem_shared>>
      tpu.enqueue_indirect_dma source(%arg7 : memref<80x128xf32, #tpu.memory_space<vmem>>) target(%dma_start3A_45 : memref<80x128xf32, #tpu.memory_space<vmem_shared>>) offsets(%arg8 : memref<80xi32, #tpu.memory_space<vmem>>) semaphore(%run_scoped3A : memref<!tpu.dma_semaphore, #tpu.memory_space<semaphore_mem>>) {add = true}
      %dma_wait3A = arith.constant 0 : i32
      %dma_wait3A_46 = arith.constant 0 : i32
      %dma_wait3A_47 = tpu.memref_slice %arg5[%dma_wait3A, %dma_wait3A_46] : memref<80x128xf32, #tpu.memory_space<vmem_shared>> -> memref<80x128xf32, #tpu.memory_space<vmem_shared>>
      tpu.wait_indirect_dma semaphore(%run_scoped3A : memref<!tpu.dma_semaphore, #tpu.memory_space<semaphore_mem>>) src(%arg7 : memref<80x128xf32, #tpu.memory_space<vmem>>) dst(%dma_wait3A_47 : memref<80x128xf32, #tpu.memory_space<vmem_shared>>)
      tpu.yield
    }) : () -> ()
    %barrier3A_38 = arith.constant 0 : index
    tpu.barrier barrier_id(%barrier3A_38)
    %eq3A_39 = arith.constant 0 : i32
    %eq3A_40 = arith.cmpi eq, %arg1, %eq3A_39 : i32
    %convert_element_type3A_41 = arith.extui %eq3A_40 : i1 to i32
    %cond3A_42 = arith.constant 0 : i32
    %cond3A_43 = arith.cmpi ne, %convert_element_type3A_41, %cond3A_42 : i32
    scf.if %cond3A_43 {
      "tpu.region"() ({
        %run_scoped3A = tpu.sem_alloc : memref<!tpu.dma_semaphore, #tpu.memory_space<semaphore_mem>>
        %dma_start3A = arith.constant 0 : i32
        %dma_start3A_44 = arith.constant 0 : i32
        %dma_start3A_45 = tpu.memref_slice %arg4[%arg0, %dma_start3A, %dma_start3A_44] : memref<2x80x128xf32, #tpu.memory_space<hbm>> -> memref<1x80x128xf32, #tpu.memory_space<hbm>>
        %dma_start3A_46 = tpu.memref_squeeze %dma_start3A_45 : memref<1x80x128xf32, #tpu.memory_space<hbm>> -> memref<80x128xf32, #tpu.memory_space<hbm>>
        tpu.enqueue_dma source(%arg5 : memref<80x128xf32, #tpu.memory_space<vmem_shared>>) target(%dma_start3A_46 : memref<80x128xf32, #tpu.memory_space<hbm>>) target_semaphore(%run_scoped3A : memref<!tpu.dma_semaphore, #tpu.memory_space<semaphore_mem>>)
        %dma_wait3A = arith.constant 0 : i32
        %dma_wait3A_47 = arith.constant 0 : i32
        %dma_wait3A_48 = tpu.memref_slice %arg4[%arg0, %dma_wait3A, %dma_wait3A_47] : memref<2x80x128xf32, #tpu.memory_space<hbm>> -> memref<1x80x128xf32, #tpu.memory_space<hbm>>
        %dma_wait3A_49 = tpu.memref_squeeze %dma_wait3A_48 : memref<1x80x128xf32, #tpu.memory_space<hbm>> -> memref<80x128xf32, #tpu.memory_space<hbm>>
        tpu.wait_dma2 semaphore(%run_scoped3A : memref<!tpu.dma_semaphore, #tpu.memory_space<semaphore_mem>>) src(%arg5 : memref<80x128xf32, #tpu.memory_space<vmem_shared>>) dst(%dma_wait3A_49 : memref<80x128xf32, #tpu.memory_space<hbm>>)
        tpu.yield
      }) : () -> ()
    } else {
    }
    return
  }
}

#map = affine_map<(d0, d1) -> (0, 0)>
#map1 = affine_map<(d0, d1) -> (0, 0, 0)>
module attributes {stable_mosaic.version = 14 : i64} {
  func.func @scatter_kernel(%arg0: i32, %arg1: i32, %arg2: memref<10240x64xf32, #tpu.memory_space<hbm>>, %arg3: memref<10240x64xf32, #tpu.memory_space<hbm>>, %arg4: memref<2560x128xi32, #tpu.memory_space<hbm>>, %arg5: memref<10240x64xf32, #tpu.memory_space<hbm>>, %arg6: memref<2x10240x64xf32, #tpu.memory_space<hbm>>, %arg7: memref<10240x64xf32, #tpu.memory_space<vmem_shared>>, %arg8: memref<10240x64xf32, #tpu.memory_space<vmem_shared>>, %arg9: memref<160x128xi32, #tpu.memory_space<vmem>>, %arg10: memref<128xi32, #tpu.memory_space<vmem>>, %arg11: memref<128xi32, #tpu.memory_space<vmem>>, %arg12: memref<128xi32, #tpu.memory_space<vmem>>, %arg13: memref<128xi32, #tpu.memory_space<vmem>>, %arg14: memref<128x64xf32, #tpu.memory_space<vmem>>, %arg15: memref<128x64xf32, #tpu.memory_space<vmem>>, %arg16: memref<!tpu.dma_semaphore, #tpu.memory_space<semaphore_mem>>, %arg17: memref<!tpu.dma_semaphore, #tpu.memory_space<semaphore_mem>>) attributes {dimension_semantics = [#tpu.dimension_semantics<core_parallel>, #tpu.dimension_semantics<subcore_parallel>], iteration_bounds = array<i64: 2, 16>, scalar_prefetch = 0 : i64, scratch_operands = 11 : i64, tpu.core_type = #tpu.core_type<sc_vector_subcore>, window_params = [{transform_indices = #map}, {transform_indices = #map}, {transform_indices = #map}, {transform_indices = #map}, {transform_indices = #map1}]} {
    %mul3A = arith.constant 640 : i32
    %mul3A_0 = arith.muli %arg1, %mul3A : i32
    %eq3A = arith.constant 0 : i32
    %eq3A_1 = arith.cmpi eq, %arg0, %eq3A : i32
    %convert_element_type3A = arith.extui %eq3A_1 : i1 to i32
    %cond3A = arith.constant 0 : i32
    %cond3A_2 = arith.cmpi ne, %convert_element_type3A, %cond3A : i32
    scf.if %cond3A_2 {
      "tpu.region"() ({
        %run_scoped3A = tpu.sem_alloc : memref<!tpu.dma_semaphore, #tpu.memory_space<semaphore_mem>>
        %dma_start3A_126 = arith.constant 0 : i32
        %dma_start3A_127 = tpu.memref_slice %arg7[%mul3A_0, %dma_start3A_126] : memref<10240x64xf32, #tpu.memory_space<vmem_shared>> -> memref<640x64xf32, #tpu.memory_space<vmem_shared>>
        %dma_start3A_128 = arith.constant 0 : i32
        %dma_start3A_129 = tpu.memref_slice %arg2[%mul3A_0, %dma_start3A_128] : memref<10240x64xf32, #tpu.memory_space<hbm>> -> memref<640x64xf32, #tpu.memory_space<hbm>>
        tpu.enqueue_dma source(%dma_start3A_129 : memref<640x64xf32, #tpu.memory_space<hbm>>) target(%dma_start3A_127 : memref<640x64xf32, #tpu.memory_space<vmem_shared>>) target_semaphore(%run_scoped3A : memref<!tpu.dma_semaphore, #tpu.memory_space<semaphore_mem>>)
        %dma_wait3A = arith.constant 0 : i32
        %dma_wait3A_130 = tpu.memref_slice %arg7[%mul3A_0, %dma_wait3A] : memref<10240x64xf32, #tpu.memory_space<vmem_shared>> -> memref<640x64xf32, #tpu.memory_space<vmem_shared>>
        %dma_wait3A_131 = arith.constant 0 : i32
        %dma_wait3A_132 = tpu.memref_slice %arg2[%mul3A_0, %dma_wait3A_131] : memref<10240x64xf32, #tpu.memory_space<hbm>> -> memref<640x64xf32, #tpu.memory_space<hbm>>
        tpu.wait_dma2 semaphore(%run_scoped3A : memref<!tpu.dma_semaphore, #tpu.memory_space<semaphore_mem>>) src(%dma_wait3A_132 : memref<640x64xf32, #tpu.memory_space<hbm>>) dst(%dma_wait3A_130 : memref<640x64xf32, #tpu.memory_space<vmem_shared>>)
        tpu.yield
      }) : () -> ()
    } else {
    }
    %eq3A_3 = arith.constant 1 : i32
    %eq3A_4 = arith.cmpi eq, %arg0, %eq3A_3 : i32
    %convert_element_type3A_5 = arith.extui %eq3A_4 : i1 to i32
    %cond3A_6 = arith.constant 0 : i32
    %cond3A_7 = arith.cmpi ne, %convert_element_type3A_5, %cond3A_6 : i32
    scf.if %cond3A_7 {
      "tpu.region"() ({
        %run_scoped3A = tpu.sem_alloc : memref<!tpu.dma_semaphore, #tpu.memory_space<semaphore_mem>>
        %dma_start3A_126 = arith.constant 0 : i32
        %dma_start3A_127 = tpu.memref_slice %arg7[%mul3A_0, %dma_start3A_126] : memref<10240x64xf32, #tpu.memory_space<vmem_shared>> -> memref<640x64xf32, #tpu.memory_space<vmem_shared>>
        %dma_start3A_128 = arith.constant 0 : i32
        %dma_start3A_129 = tpu.memref_slice %arg3[%mul3A_0, %dma_start3A_128] : memref<10240x64xf32, #tpu.memory_space<hbm>> -> memref<640x64xf32, #tpu.memory_space<hbm>>
        tpu.enqueue_dma source(%dma_start3A_129 : memref<640x64xf32, #tpu.memory_space<hbm>>) target(%dma_start3A_127 : memref<640x64xf32, #tpu.memory_space<vmem_shared>>) target_semaphore(%run_scoped3A : memref<!tpu.dma_semaphore, #tpu.memory_space<semaphore_mem>>)
        %dma_wait3A = arith.constant 0 : i32
        %dma_wait3A_130 = tpu.memref_slice %arg7[%mul3A_0, %dma_wait3A] : memref<10240x64xf32, #tpu.memory_space<vmem_shared>> -> memref<640x64xf32, #tpu.memory_space<vmem_shared>>
        %dma_wait3A_131 = arith.constant 0 : i32
        %dma_wait3A_132 = tpu.memref_slice %arg3[%mul3A_0, %dma_wait3A_131] : memref<10240x64xf32, #tpu.memory_space<hbm>> -> memref<640x64xf32, #tpu.memory_space<hbm>>
        tpu.wait_dma2 semaphore(%run_scoped3A : memref<!tpu.dma_semaphore, #tpu.memory_space<semaphore_mem>>) src(%dma_wait3A_132 : memref<640x64xf32, #tpu.memory_space<hbm>>) dst(%dma_wait3A_130 : memref<640x64xf32, #tpu.memory_space<vmem_shared>>)
        tpu.yield
      }) : () -> ()
    } else {
    }
    "tpu.region"() ({
      %run_scoped3A = tpu.sem_alloc : memref<!tpu.dma_semaphore, #tpu.memory_space<semaphore_mem>>
      %dma_start3A_126 = arith.constant 0 : i32
      %dma_start3A_127 = tpu.memref_slice %arg8[%mul3A_0, %dma_start3A_126] : memref<10240x64xf32, #tpu.memory_space<vmem_shared>> -> memref<640x64xf32, #tpu.memory_space<vmem_shared>>
      %dma_start3A_128 = arith.constant 0 : i32
      %dma_start3A_129 = tpu.memref_slice %arg5[%mul3A_0, %dma_start3A_128] : memref<10240x64xf32, #tpu.memory_space<hbm>> -> memref<640x64xf32, #tpu.memory_space<hbm>>
      tpu.enqueue_dma source(%dma_start3A_129 : memref<640x64xf32, #tpu.memory_space<hbm>>) target(%dma_start3A_127 : memref<640x64xf32, #tpu.memory_space<vmem_shared>>) target_semaphore(%run_scoped3A : memref<!tpu.dma_semaphore, #tpu.memory_space<semaphore_mem>>)
      %dma_wait3A = arith.constant 0 : i32
      %dma_wait3A_130 = tpu.memref_slice %arg8[%mul3A_0, %dma_wait3A] : memref<10240x64xf32, #tpu.memory_space<vmem_shared>> -> memref<640x64xf32, #tpu.memory_space<vmem_shared>>
      %dma_wait3A_131 = arith.constant 0 : i32
      %dma_wait3A_132 = tpu.memref_slice %arg5[%mul3A_0, %dma_wait3A_131] : memref<10240x64xf32, #tpu.memory_space<hbm>> -> memref<640x64xf32, #tpu.memory_space<hbm>>
      tpu.wait_dma2 semaphore(%run_scoped3A : memref<!tpu.dma_semaphore, #tpu.memory_space<semaphore_mem>>) src(%dma_wait3A_132 : memref<640x64xf32, #tpu.memory_space<hbm>>) dst(%dma_wait3A_130 : memref<640x64xf32, #tpu.memory_space<vmem_shared>>)
      tpu.yield
    }) : () -> ()
    %mul3A_8 = arith.constant 160 : i32
    %mul3A_9 = arith.muli %arg1, %mul3A_8 : i32
    "tpu.region"() ({
      %run_scoped3A = tpu.sem_alloc : memref<!tpu.dma_semaphore, #tpu.memory_space<semaphore_mem>>
      %dma_start3A_126 = arith.constant 0 : i32
      %dma_start3A_127 = tpu.memref_slice %arg4[%mul3A_9, %dma_start3A_126] : memref<2560x128xi32, #tpu.memory_space<hbm>> -> memref<160x128xi32, #tpu.memory_space<hbm>>
      %dma_start3A_128 = arith.constant 0 : i32
      %dma_start3A_129 = tpu.memref_slice %arg4[%mul3A_9, %dma_start3A_128] : memref<2560x128xi32, #tpu.memory_space<hbm>> -> memref<160x128xi32, #tpu.memory_space<hbm>>
      tpu.enqueue_dma source(%dma_start3A_129 : memref<160x128xi32, #tpu.memory_space<hbm>>) target(%arg9 : memref<160x128xi32, #tpu.memory_space<vmem>>) target_semaphore(%run_scoped3A : memref<!tpu.dma_semaphore, #tpu.memory_space<semaphore_mem>>)
      %dma_wait3A = arith.constant 0 : i32
      %dma_wait3A_130 = tpu.memref_slice %arg4[%mul3A_9, %dma_wait3A] : memref<2560x128xi32, #tpu.memory_space<hbm>> -> memref<160x128xi32, #tpu.memory_space<hbm>>
      %dma_wait3A_131 = arith.constant 0 : i32
      %dma_wait3A_132 = tpu.memref_slice %arg4[%mul3A_9, %dma_wait3A_131] : memref<2560x128xi32, #tpu.memory_space<hbm>> -> memref<160x128xi32, #tpu.memory_space<hbm>>
      tpu.wait_dma2 semaphore(%run_scoped3A : memref<!tpu.dma_semaphore, #tpu.memory_space<semaphore_mem>>) src(%dma_wait3A_132 : memref<160x128xi32, #tpu.memory_space<hbm>>) dst(%arg9 : memref<160x128xi32, #tpu.memory_space<vmem>>)
      tpu.yield
    }) : () -> ()
    %barrier3A = arith.constant 0 : index
    tpu.barrier barrier_id(%barrier3A)
    %get3A = arith.constant 0 : i32
    %get3A_10 = arith.index_cast %get3A : i32 to index
    %get3A_11 = arith.constant 0 : index
    %get3A_12 = tpu.vector_load %arg9[%get3A_10, %get3A_11] {strides = array<i32>} : memref<160x128xi32, #tpu.memory_space<vmem>>, vector<16xi32>,
    %and3A = arith.constant 65535 : i32
    %and3A_13 = vector.broadcast %and3A : i32 to vector<16xi32>
    %and3A_14 = arith.andi %get3A_12, %and3A_13 : vector<16xi32>
    %swap3A = arith.constant 0 : index
    %swap3A_15 = tpu.vector_load %arg10[%swap3A] {strides = array<i32>} : memref<128xi32, #tpu.memory_space<vmem>>, vector<16xi32>,
    tpu.vector_store %arg10[%swap3A], %and3A_14 {strides = array<i32>} : memref<128xi32, #tpu.memory_space<vmem>>, vector<16xi32>,
    %shift_right_logical3A = arith.constant 16 : i32
    %shift_right_logical3A_16 = vector.broadcast %shift_right_logical3A : i32 to vector<16xi32>
    %shift_right_logical3A_17 = arith.shrui %get3A_12, %shift_right_logical3A_16 : vector<16xi32>
    %swap3A_18 = arith.constant 0 : index
    %swap3A_19 = tpu.vector_load %arg12[%swap3A_18] {strides = array<i32>} : memref<128xi32, #tpu.memory_space<vmem>>, vector<16xi32>,
    tpu.vector_store %arg12[%swap3A_18], %shift_right_logical3A_17 {strides = array<i32>} : memref<128xi32, #tpu.memory_space<vmem>>, vector<16xi32>,
    %get3A_20 = arith.constant 0 : i32
    %get3A_21 = arith.index_cast %get3A_20 : i32 to index
    %get3A_22 = arith.constant 16 : index
    %get3A_23 = tpu.vector_load %arg9[%get3A_21, %get3A_22] {strides = array<i32>} : memref<160x128xi32, #tpu.memory_space<vmem>>, vector<16xi32>,
    %and3A_24 = arith.constant 65535 : i32
    %and3A_25 = vector.broadcast %and3A_24 : i32 to vector<16xi32>
    %and3A_26 = arith.andi %get3A_23, %and3A_25 : vector<16xi32>
    %swap3A_27 = arith.constant 16 : index
    %swap3A_28 = tpu.vector_load %arg10[%swap3A_27] {strides = array<i32>} : memref<128xi32, #tpu.memory_space<vmem>>, vector<16xi32>,
    tpu.vector_store %arg10[%swap3A_27], %and3A_26 {strides = array<i32>} : memref<128xi32, #tpu.memory_space<vmem>>, vector<16xi32>,
    %shift_right_logical3A_29 = arith.constant 16 : i32
    %shift_right_logical3A_30 = vector.broadcast %shift_right_logical3A_29 : i32 to vector<16xi32>
    %shift_right_logical3A_31 = arith.shrui %get3A_23, %shift_right_logical3A_30 : vector<16xi32>
    %swap3A_32 = arith.constant 16 : index
    %swap3A_33 = tpu.vector_load %arg12[%swap3A_32] {strides = array<i32>} : memref<128xi32, #tpu.memory_space<vmem>>, vector<16xi32>,
    tpu.vector_store %arg12[%swap3A_32], %shift_right_logical3A_31 {strides = array<i32>} : memref<128xi32, #tpu.memory_space<vmem>>, vector<16xi32>,
    %get3A_34 = arith.constant 0 : i32
    %get3A_35 = arith.index_cast %get3A_34 : i32 to index
    %get3A_36 = arith.constant 32 : index
    %get3A_37 = tpu.vector_load %arg9[%get3A_35, %get3A_36] {strides = array<i32>} : memref<160x128xi32, #tpu.memory_space<vmem>>, vector<16xi32>,
    %and3A_38 = arith.constant 65535 : i32
    %and3A_39 = vector.broadcast %and3A_38 : i32 to vector<16xi32>
    %and3A_40 = arith.andi %get3A_37, %and3A_39 : vector<16xi32>
    %swap3A_41 = arith.constant 32 : index
    %swap3A_42 = tpu.vector_load %arg10[%swap3A_41] {strides = array<i32>} : memref<128xi32, #tpu.memory_space<vmem>>, vector<16xi32>,
    tpu.vector_store %arg10[%swap3A_41], %and3A_40 {strides = array<i32>} : memref<128xi32, #tpu.memory_space<vmem>>, vector<16xi32>,
    %shift_right_logical3A_43 = arith.constant 16 : i32
    %shift_right_logical3A_44 = vector.broadcast %shift_right_logical3A_43 : i32 to vector<16xi32>
    %shift_right_logical3A_45 = arith.shrui %get3A_37, %shift_right_logical3A_44 : vector<16xi32>
    %swap3A_46 = arith.constant 32 : index
    %swap3A_47 = tpu.vector_load %arg12[%swap3A_46] {strides = array<i32>} : memref<128xi32, #tpu.memory_space<vmem>>, vector<16xi32>,
    tpu.vector_store %arg12[%swap3A_46], %shift_right_logical3A_45 {strides = array<i32>} : memref<128xi32, #tpu.memory_space<vmem>>, vector<16xi32>,
    %get3A_48 = arith.constant 0 : i32
    %get3A_49 = arith.index_cast %get3A_48 : i32 to index
    %get3A_50 = arith.constant 48 : index
    %get3A_51 = tpu.vector_load %arg9[%get3A_49, %get3A_50] {strides = array<i32>} : memref<160x128xi32, #tpu.memory_space<vmem>>, vector<16xi32>,
    %and3A_52 = arith.constant 65535 : i32
    %and3A_53 = vector.broadcast %and3A_52 : i32 to vector<16xi32>
    %and3A_54 = arith.andi %get3A_51, %and3A_53 : vector<16xi32>
    %swap3A_55 = arith.constant 48 : index
    %swap3A_56 = tpu.vector_load %arg10[%swap3A_55] {strides = array<i32>} : memref<128xi32, #tpu.memory_space<vmem>>, vector<16xi32>,
    tpu.vector_store %arg10[%swap3A_55], %and3A_54 {strides = array<i32>} : memref<128xi32, #tpu.memory_space<vmem>>, vector<16xi32>,
    %shift_right_logical3A_57 = arith.constant 16 : i32
    %shift_right_logical3A_58 = vector.broadcast %shift_right_logical3A_57 : i32 to vector<16xi32>
    %shift_right_logical3A_59 = arith.shrui %get3A_51, %shift_right_logical3A_58 : vector<16xi32>
    %swap3A_60 = arith.constant 48 : index
    %swap3A_61 = tpu.vector_load %arg12[%swap3A_60] {strides = array<i32>} : memref<128xi32, #tpu.memory_space<vmem>>, vector<16xi32>,
    tpu.vector_store %arg12[%swap3A_60], %shift_right_logical3A_59 {strides = array<i32>} : memref<128xi32, #tpu.memory_space<vmem>>, vector<16xi32>,
    %get3A_62 = arith.constant 0 : i32
    %get3A_63 = arith.index_cast %get3A_62 : i32 to index
    %get3A_64 = arith.constant 64 : index
    %get3A_65 = tpu.vector_load %arg9[%get3A_63, %get3A_64] {strides = array<i32>} : memref<160x128xi32, #tpu.memory_space<vmem>>, vector<16xi32>,
    %and3A_66 = arith.constant 65535 : i32
    %and3A_67 = vector.broadcast %and3A_66 : i32 to vector<16xi32>
    %and3A_68 = arith.andi %get3A_65, %and3A_67 : vector<16xi32>
    %swap3A_69 = arith.constant 64 : index
    %swap3A_70 = tpu.vector_load %arg10[%swap3A_69] {strides = array<i32>} : memref<128xi32, #tpu.memory_space<vmem>>, vector<16xi32>,
    tpu.vector_store %arg10[%swap3A_69], %and3A_68 {strides = array<i32>} : memref<128xi32, #tpu.memory_space<vmem>>, vector<16xi32>,
    %shift_right_logical3A_71 = arith.constant 16 : i32
    %shift_right_logical3A_72 = vector.broadcast %shift_right_logical3A_71 : i32 to vector<16xi32>
    %shift_right_logical3A_73 = arith.shrui %get3A_65, %shift_right_logical3A_72 : vector<16xi32>
    %swap3A_74 = arith.constant 64 : index
    %swap3A_75 = tpu.vector_load %arg12[%swap3A_74] {strides = array<i32>} : memref<128xi32, #tpu.memory_space<vmem>>, vector<16xi32>,
    tpu.vector_store %arg12[%swap3A_74], %shift_right_logical3A_73 {strides = array<i32>} : memref<128xi32, #tpu.memory_space<vmem>>, vector<16xi32>,
    %get3A_76 = arith.constant 0 : i32
    %get3A_77 = arith.index_cast %get3A_76 : i32 to index
    %get3A_78 = arith.constant 80 : index
    %get3A_79 = tpu.vector_load %arg9[%get3A_77, %get3A_78] {strides = array<i32>} : memref<160x128xi32, #tpu.memory_space<vmem>>, vector<16xi32>,
    %and3A_80 = arith.constant 65535 : i32
    %and3A_81 = vector.broadcast %and3A_80 : i32 to vector<16xi32>
    %and3A_82 = arith.andi %get3A_79, %and3A_81 : vector<16xi32>
    %swap3A_83 = arith.constant 80 : index
    %swap3A_84 = tpu.vector_load %arg10[%swap3A_83] {strides = array<i32>} : memref<128xi32, #tpu.memory_space<vmem>>, vector<16xi32>,
    tpu.vector_store %arg10[%swap3A_83], %and3A_82 {strides = array<i32>} : memref<128xi32, #tpu.memory_space<vmem>>, vector<16xi32>,
    %shift_right_logical3A_85 = arith.constant 16 : i32
    %shift_right_logical3A_86 = vector.broadcast %shift_right_logical3A_85 : i32 to vector<16xi32>
    %shift_right_logical3A_87 = arith.shrui %get3A_79, %shift_right_logical3A_86 : vector<16xi32>
    %swap3A_88 = arith.constant 80 : index
    %swap3A_89 = tpu.vector_load %arg12[%swap3A_88] {strides = array<i32>} : memref<128xi32, #tpu.memory_space<vmem>>, vector<16xi32>,
    tpu.vector_store %arg12[%swap3A_88], %shift_right_logical3A_87 {strides = array<i32>} : memref<128xi32, #tpu.memory_space<vmem>>, vector<16xi32>,
    %get3A_90 = arith.constant 0 : i32
    %get3A_91 = arith.index_cast %get3A_90 : i32 to index
    %get3A_92 = arith.constant 96 : index
    %get3A_93 = tpu.vector_load %arg9[%get3A_91, %get3A_92] {strides = array<i32>} : memref<160x128xi32, #tpu.memory_space<vmem>>, vector<16xi32>,
    %and3A_94 = arith.constant 65535 : i32
    %and3A_95 = vector.broadcast %and3A_94 : i32 to vector<16xi32>
    %and3A_96 = arith.andi %get3A_93, %and3A_95 : vector<16xi32>
    %swap3A_97 = arith.constant 96 : index
    %swap3A_98 = tpu.vector_load %arg10[%swap3A_97] {strides = array<i32>} : memref<128xi32, #tpu.memory_space<vmem>>, vector<16xi32>,
    tpu.vector_store %arg10[%swap3A_97], %and3A_96 {strides = array<i32>} : memref<128xi32, #tpu.memory_space<vmem>>, vector<16xi32>,
    %shift_right_logical3A_99 = arith.constant 16 : i32
    %shift_right_logical3A_100 = vector.broadcast %shift_right_logical3A_99 : i32 to vector<16xi32>
    %shift_right_logical3A_101 = arith.shrui %get3A_93, %shift_right_logical3A_100 : vector<16xi32>
    %swap3A_102 = arith.constant 96 : index
    %swap3A_103 = tpu.vector_load %arg12[%swap3A_102] {strides = array<i32>} : memref<128xi32, #tpu.memory_space<vmem>>, vector<16xi32>,
    tpu.vector_store %arg12[%swap3A_102], %shift_right_logical3A_101 {strides = array<i32>} : memref<128xi32, #tpu.memory_space<vmem>>, vector<16xi32>,
    %get3A_104 = arith.constant 0 : i32
    %get3A_105 = arith.index_cast %get3A_104 : i32 to index
    %get3A_106 = arith.constant 112 : index
    %get3A_107 = tpu.vector_load %arg9[%get3A_105, %get3A_106] {strides = array<i32>} : memref<160x128xi32, #tpu.memory_space<vmem>>, vector<16xi32>,
    %and3A_108 = arith.constant 65535 : i32
    %and3A_109 = vector.broadcast %and3A_108 : i32 to vector<16xi32>
    %and3A_110 = arith.andi %get3A_107, %and3A_109 : vector<16xi32>
    %swap3A_111 = arith.constant 112 : index
    %swap3A_112 = tpu.vector_load %arg10[%swap3A_111] {strides = array<i32>} : memref<128xi32, #tpu.memory_space<vmem>>, vector<16xi32>,
    tpu.vector_store %arg10[%swap3A_111], %and3A_110 {strides = array<i32>} : memref<128xi32, #tpu.memory_space<vmem>>, vector<16xi32>,
    %shift_right_logical3A_113 = arith.constant 16 : i32
    %shift_right_logical3A_114 = vector.broadcast %shift_right_logical3A_113 : i32 to vector<16xi32>
    %shift_right_logical3A_115 = arith.shrui %get3A_107, %shift_right_logical3A_114 : vector<16xi32>
    %swap3A_116 = arith.constant 112 : index
    %swap3A_117 = tpu.vector_load %arg12[%swap3A_116] {strides = array<i32>} : memref<128xi32, #tpu.memory_space<vmem>>, vector<16xi32>,
    tpu.vector_store %arg12[%swap3A_116], %shift_right_logical3A_115 {strides = array<i32>} : memref<128xi32, #tpu.memory_space<vmem>>, vector<16xi32>,
    %dma_start3A = arith.constant 0 : i32
    %dma_start3A_118 = arith.constant 0 : i32
    %dma_start3A_119 = tpu.memref_slice %arg7[%dma_start3A, %dma_start3A_118] : memref<10240x64xf32, #tpu.memory_space<vmem_shared>> -> memref<10240x64xf32, #tpu.memory_space<vmem_shared>>
    tpu.enqueue_indirect_dma source(%dma_start3A_119 : memref<10240x64xf32, #tpu.memory_space<vmem_shared>>) target(%arg14 : memref<128x64xf32, #tpu.memory_space<vmem>>) offsets(%arg10 : memref<128xi32, #tpu.memory_space<vmem>>) semaphore(%arg16 : memref<!tpu.dma_semaphore, #tpu.memory_space<semaphore_mem>>)
    %scan3A = arith.constant 0 : i32
    %scan3A_120 = arith.constant 0 : i32
    %scan3A_121 = arith.constant 80 : i32
    %scan3A_122 = arith.addi %scan3A_120, %scan3A_121 : i32
    %scan3A_123 = arith.constant 1 : i32
    scf.for %scan3A_126 = %scan3A_120 to %scan3A_122 step %scan3A_123  : i32 {
      %mul3A_127 = arith.constant 2 : i32
      %mul3A_128 = arith.muli %mul3A_127, %scan3A_126 : i32
      %add3A = arith.constant 1 : i32
      %add3A_129 = arith.addi %mul3A_128, %add3A : i32
      %get3A_130 = arith.index_cast %add3A_129 : i32 to index
      %get3A_131 = arith.constant 0 : index
      %get3A_132 = tpu.vector_load %arg9[%get3A_130, %get3A_131] {strides = array<i32>} : memref<160x128xi32, #tpu.memory_space<vmem>>, vector<16xi32>,
      %and3A_133 = arith.constant 65535 : i32
      %and3A_134 = vector.broadcast %and3A_133 : i32 to vector<16xi32>
      %and3A_135 = arith.andi %get3A_132, %and3A_134 : vector<16xi32>
      %swap3A_136 = arith.constant 0 : index
      %swap3A_137 = tpu.vector_load %arg11[%swap3A_136] {strides = array<i32>} : memref<128xi32, #tpu.memory_space<vmem>>, vector<16xi32>,
      tpu.vector_store %arg11[%swap3A_136], %and3A_135 {strides = array<i32>} : memref<128xi32, #tpu.memory_space<vmem>>, vector<16xi32>,
      %shift_right_logical3A_138 = arith.constant 16 : i32
      %shift_right_logical3A_139 = vector.broadcast %shift_right_logical3A_138 : i32 to vector<16xi32>
      %shift_right_logical3A_140 = arith.shrui %get3A_132, %shift_right_logical3A_139 : vector<16xi32>
      %swap3A_141 = arith.constant 0 : index
      %swap3A_142 = tpu.vector_load %arg13[%swap3A_141] {strides = array<i32>} : memref<128xi32, #tpu.memory_space<vmem>>, vector<16xi32>,
      tpu.vector_store %arg13[%swap3A_141], %shift_right_logical3A_140 {strides = array<i32>} : memref<128xi32, #tpu.memory_space<vmem>>, vector<16xi32>,
      %get3A_143 = arith.index_cast %add3A_129 : i32 to index
      %get3A_144 = arith.constant 16 : index
      %get3A_145 = tpu.vector_load %arg9[%get3A_143, %get3A_144] {strides = array<i32>} : memref<160x128xi32, #tpu.memory_space<vmem>>, vector<16xi32>,
      %and3A_146 = arith.constant 65535 : i32
      %and3A_147 = vector.broadcast %and3A_146 : i32 to vector<16xi32>
      %and3A_148 = arith.andi %get3A_145, %and3A_147 : vector<16xi32>
      %swap3A_149 = arith.constant 16 : index
      %swap3A_150 = tpu.vector_load %arg11[%swap3A_149] {strides = array<i32>} : memref<128xi32, #tpu.memory_space<vmem>>, vector<16xi32>,
      tpu.vector_store %arg11[%swap3A_149], %and3A_148 {strides = array<i32>} : memref<128xi32, #tpu.memory_space<vmem>>, vector<16xi32>,
      %shift_right_logical3A_151 = arith.constant 16 : i32
      %shift_right_logical3A_152 = vector.broadcast %shift_right_logical3A_151 : i32 to vector<16xi32>
      %shift_right_logical3A_153 = arith.shrui %get3A_145, %shift_right_logical3A_152 : vector<16xi32>
      %swap3A_154 = arith.constant 16 : index
      %swap3A_155 = tpu.vector_load %arg13[%swap3A_154] {strides = array<i32>} : memref<128xi32, #tpu.memory_space<vmem>>, vector<16xi32>,
      tpu.vector_store %arg13[%swap3A_154], %shift_right_logical3A_153 {strides = array<i32>} : memref<128xi32, #tpu.memory_space<vmem>>, vector<16xi32>,
      %get3A_156 = arith.index_cast %add3A_129 : i32 to index
      %get3A_157 = arith.constant 32 : index
      %get3A_158 = tpu.vector_load %arg9[%get3A_156, %get3A_157] {strides = array<i32>} : memref<160x128xi32, #tpu.memory_space<vmem>>, vector<16xi32>,
      %and3A_159 = arith.constant 65535 : i32
      %and3A_160 = vector.broadcast %and3A_159 : i32 to vector<16xi32>
      %and3A_161 = arith.andi %get3A_158, %and3A_160 : vector<16xi32>
      %swap3A_162 = arith.constant 32 : index
      %swap3A_163 = tpu.vector_load %arg11[%swap3A_162] {strides = array<i32>} : memref<128xi32, #tpu.memory_space<vmem>>, vector<16xi32>,
      tpu.vector_store %arg11[%swap3A_162], %and3A_161 {strides = array<i32>} : memref<128xi32, #tpu.memory_space<vmem>>, vector<16xi32>,
      %shift_right_logical3A_164 = arith.constant 16 : i32
      %shift_right_logical3A_165 = vector.broadcast %shift_right_logical3A_164 : i32 to vector<16xi32>
      %shift_right_logical3A_166 = arith.shrui %get3A_158, %shift_right_logical3A_165 : vector<16xi32>
      %swap3A_167 = arith.constant 32 : index
      %swap3A_168 = tpu.vector_load %arg13[%swap3A_167] {strides = array<i32>} : memref<128xi32, #tpu.memory_space<vmem>>, vector<16xi32>,
      tpu.vector_store %arg13[%swap3A_167], %shift_right_logical3A_166 {strides = array<i32>} : memref<128xi32, #tpu.memory_space<vmem>>, vector<16xi32>,
      %get3A_169 = arith.index_cast %add3A_129 : i32 to index
      %get3A_170 = arith.constant 48 : index
      %get3A_171 = tpu.vector_load %arg9[%get3A_169, %get3A_170] {strides = array<i32>} : memref<160x128xi32, #tpu.memory_space<vmem>>, vector<16xi32>,
      %and3A_172 = arith.constant 65535 : i32
      %and3A_173 = vector.broadcast %and3A_172 : i32 to vector<16xi32>
      %and3A_174 = arith.andi %get3A_171, %and3A_173 : vector<16xi32>
      %swap3A_175 = arith.constant 48 : index
      %swap3A_176 = tpu.vector_load %arg11[%swap3A_175] {strides = array<i32>} : memref<128xi32, #tpu.memory_space<vmem>>, vector<16xi32>,
      tpu.vector_store %arg11[%swap3A_175], %and3A_174 {strides = array<i32>} : memref<128xi32, #tpu.memory_space<vmem>>, vector<16xi32>,
      %shift_right_logical3A_177 = arith.constant 16 : i32
      %shift_right_logical3A_178 = vector.broadcast %shift_right_logical3A_177 : i32 to vector<16xi32>
      %shift_right_logical3A_179 = arith.shrui %get3A_171, %shift_right_logical3A_178 : vector<16xi32>
      %swap3A_180 = arith.constant 48 : index
      %swap3A_181 = tpu.vector_load %arg13[%swap3A_180] {strides = array<i32>} : memref<128xi32, #tpu.memory_space<vmem>>, vector<16xi32>,
      tpu.vector_store %arg13[%swap3A_180], %shift_right_logical3A_179 {strides = array<i32>} : memref<128xi32, #tpu.memory_space<vmem>>, vector<16xi32>,
      %get3A_182 = arith.index_cast %add3A_129 : i32 to index
      %get3A_183 = arith.constant 64 : index
      %get3A_184 = tpu.vector_load %arg9[%get3A_182, %get3A_183] {strides = array<i32>} : memref<160x128xi32, #tpu.memory_space<vmem>>, vector<16xi32>,
      %and3A_185 = arith.constant 65535 : i32
      %and3A_186 = vector.broadcast %and3A_185 : i32 to vector<16xi32>
      %and3A_187 = arith.andi %get3A_184, %and3A_186 : vector<16xi32>
      %swap3A_188 = arith.constant 64 : index
      %swap3A_189 = tpu.vector_load %arg11[%swap3A_188] {strides = array<i32>} : memref<128xi32, #tpu.memory_space<vmem>>, vector<16xi32>,
      tpu.vector_store %arg11[%swap3A_188], %and3A_187 {strides = array<i32>} : memref<128xi32, #tpu.memory_space<vmem>>, vector<16xi32>,
      %shift_right_logical3A_190 = arith.constant 16 : i32
      %shift_right_logical3A_191 = vector.broadcast %shift_right_logical3A_190 : i32 to vector<16xi32>
      %shift_right_logical3A_192 = arith.shrui %get3A_184, %shift_right_logical3A_191 : vector<16xi32>
      %swap3A_193 = arith.constant 64 : index
      %swap3A_194 = tpu.vector_load %arg13[%swap3A_193] {strides = array<i32>} : memref<128xi32, #tpu.memory_space<vmem>>, vector<16xi32>,
      tpu.vector_store %arg13[%swap3A_193], %shift_right_logical3A_192 {strides = array<i32>} : memref<128xi32, #tpu.memory_space<vmem>>, vector<16xi32>,
      %get3A_195 = arith.index_cast %add3A_129 : i32 to index
      %get3A_196 = arith.constant 80 : index
      %get3A_197 = tpu.vector_load %arg9[%get3A_195, %get3A_196] {strides = array<i32>} : memref<160x128xi32, #tpu.memory_space<vmem>>, vector<16xi32>,
      %and3A_198 = arith.constant 65535 : i32
      %and3A_199 = vector.broadcast %and3A_198 : i32 to vector<16xi32>
      %and3A_200 = arith.andi %get3A_197, %and3A_199 : vector<16xi32>
      %swap3A_201 = arith.constant 80 : index
      %swap3A_202 = tpu.vector_load %arg11[%swap3A_201] {strides = array<i32>} : memref<128xi32, #tpu.memory_space<vmem>>, vector<16xi32>,
      tpu.vector_store %arg11[%swap3A_201], %and3A_200 {strides = array<i32>} : memref<128xi32, #tpu.memory_space<vmem>>, vector<16xi32>,
      %shift_right_logical3A_203 = arith.constant 16 : i32
      %shift_right_logical3A_204 = vector.broadcast %shift_right_logical3A_203 : i32 to vector<16xi32>
      %shift_right_logical3A_205 = arith.shrui %get3A_197, %shift_right_logical3A_204 : vector<16xi32>
      %swap3A_206 = arith.constant 80 : index
      %swap3A_207 = tpu.vector_load %arg13[%swap3A_206] {strides = array<i32>} : memref<128xi32, #tpu.memory_space<vmem>>, vector<16xi32>,
      tpu.vector_store %arg13[%swap3A_206], %shift_right_logical3A_205 {strides = array<i32>} : memref<128xi32, #tpu.memory_space<vmem>>, vector<16xi32>,
      %get3A_208 = arith.index_cast %add3A_129 : i32 to index
      %get3A_209 = arith.constant 96 : index
      %get3A_210 = tpu.vector_load %arg9[%get3A_208, %get3A_209] {strides = array<i32>} : memref<160x128xi32, #tpu.memory_space<vmem>>, vector<16xi32>,
      %and3A_211 = arith.constant 65535 : i32
      %and3A_212 = vector.broadcast %and3A_211 : i32 to vector<16xi32>
      %and3A_213 = arith.andi %get3A_210, %and3A_212 : vector<16xi32>
      %swap3A_214 = arith.constant 96 : index
      %swap3A_215 = tpu.vector_load %arg11[%swap3A_214] {strides = array<i32>} : memref<128xi32, #tpu.memory_space<vmem>>, vector<16xi32>,
      tpu.vector_store %arg11[%swap3A_214], %and3A_213 {strides = array<i32>} : memref<128xi32, #tpu.memory_space<vmem>>, vector<16xi32>,
      %shift_right_logical3A_216 = arith.constant 16 : i32
      %shift_right_logical3A_217 = vector.broadcast %shift_right_logical3A_216 : i32 to vector<16xi32>
      %shift_right_logical3A_218 = arith.shrui %get3A_210, %shift_right_logical3A_217 : vector<16xi32>
      %swap3A_219 = arith.constant 96 : index
      %swap3A_220 = tpu.vector_load %arg13[%swap3A_219] {strides = array<i32>} : memref<128xi32, #tpu.memory_space<vmem>>, vector<16xi32>,
      tpu.vector_store %arg13[%swap3A_219], %shift_right_logical3A_218 {strides = array<i32>} : memref<128xi32, #tpu.memory_space<vmem>>, vector<16xi32>,
      %get3A_221 = arith.index_cast %add3A_129 : i32 to index
      %get3A_222 = arith.constant 112 : index
      %get3A_223 = tpu.vector_load %arg9[%get3A_221, %get3A_222] {strides = array<i32>} : memref<160x128xi32, #tpu.memory_space<vmem>>, vector<16xi32>,
      %and3A_224 = arith.constant 65535 : i32
      %and3A_225 = vector.broadcast %and3A_224 : i32 to vector<16xi32>
      %and3A_226 = arith.andi %get3A_223, %and3A_225 : vector<16xi32>
      %swap3A_227 = arith.constant 112 : index
      %swap3A_228 = tpu.vector_load %arg11[%swap3A_227] {strides = array<i32>} : memref<128xi32, #tpu.memory_space<vmem>>, vector<16xi32>,
      tpu.vector_store %arg11[%swap3A_227], %and3A_226 {strides = array<i32>} : memref<128xi32, #tpu.memory_space<vmem>>, vector<16xi32>,
      %shift_right_logical3A_229 = arith.constant 16 : i32
      %shift_right_logical3A_230 = vector.broadcast %shift_right_logical3A_229 : i32 to vector<16xi32>
      %shift_right_logical3A_231 = arith.shrui %get3A_223, %shift_right_logical3A_230 : vector<16xi32>
      %swap3A_232 = arith.constant 112 : index
      %swap3A_233 = tpu.vector_load %arg13[%swap3A_232] {strides = array<i32>} : memref<128xi32, #tpu.memory_space<vmem>>, vector<16xi32>,
      tpu.vector_store %arg13[%swap3A_232], %shift_right_logical3A_231 {strides = array<i32>} : memref<128xi32, #tpu.memory_space<vmem>>, vector<16xi32>,
      %dma_start3A_234 = arith.constant 0 : i32
      %dma_start3A_235 = arith.constant 0 : i32
      %dma_start3A_236 = tpu.memref_slice %arg7[%dma_start3A_234, %dma_start3A_235] : memref<10240x64xf32, #tpu.memory_space<vmem_shared>> -> memref<10240x64xf32, #tpu.memory_space<vmem_shared>>
      tpu.enqueue_indirect_dma source(%dma_start3A_236 : memref<10240x64xf32, #tpu.memory_space<vmem_shared>>) target(%arg15 : memref<128x64xf32, #tpu.memory_space<vmem>>) offsets(%arg11 : memref<128xi32, #tpu.memory_space<vmem>>) semaphore(%arg17 : memref<!tpu.dma_semaphore, #tpu.memory_space<semaphore_mem>>)
      %dma_wait3A = arith.constant 0 : i32
      %dma_wait3A_237 = arith.constant 0 : i32
      %dma_wait3A_238 = tpu.memref_slice %arg7[%dma_wait3A, %dma_wait3A_237] : memref<10240x64xf32, #tpu.memory_space<vmem_shared>> -> memref<10240x64xf32, #tpu.memory_space<vmem_shared>>
      tpu.wait_indirect_dma semaphore(%arg16 : memref<!tpu.dma_semaphore, #tpu.memory_space<semaphore_mem>>) src(%dma_wait3A_238 : memref<10240x64xf32, #tpu.memory_space<vmem_shared>>) dst(%arg14 : memref<128x64xf32, #tpu.memory_space<vmem>>)
      "tpu.region"() ({
        %run_scoped3A = tpu.sem_alloc : memref<!tpu.dma_semaphore, #tpu.memory_space<semaphore_mem>>
        %dma_start3A_248 = arith.constant 0 : i32
        %dma_start3A_249 = arith.constant 0 : i32
        %dma_start3A_250 = tpu.memref_slice %arg8[%dma_start3A_248, %dma_start3A_249] : memref<10240x64xf32, #tpu.memory_space<vmem_shared>> -> memref<10240x64xf32, #tpu.memory_space<vmem_shared>>
        tpu.enqueue_indirect_dma source(%arg14 : memref<128x64xf32, #tpu.memory_space<vmem>>) target(%dma_start3A_250 : memref<10240x64xf32, #tpu.memory_space<vmem_shared>>) offsets(%arg12 : memref<128xi32, #tpu.memory_space<vmem>>) semaphore(%run_scoped3A : memref<!tpu.dma_semaphore, #tpu.memory_space<semaphore_mem>>) {add = true}
        %dma_wait3A_251 = arith.constant 0 : i32
        %dma_wait3A_252 = arith.constant 0 : i32
        %dma_wait3A_253 = tpu.memref_slice %arg8[%dma_wait3A_251, %dma_wait3A_252] : memref<10240x64xf32, #tpu.memory_space<vmem_shared>> -> memref<10240x64xf32, #tpu.memory_space<vmem_shared>>
        tpu.wait_indirect_dma semaphore(%run_scoped3A : memref<!tpu.dma_semaphore, #tpu.memory_space<semaphore_mem>>) src(%arg14 : memref<128x64xf32, #tpu.memory_space<vmem>>) dst(%dma_wait3A_253 : memref<10240x64xf32, #tpu.memory_space<vmem_shared>>)
        tpu.yield
      }) : () -> ()
      %add3A_239 = arith.constant 2 : i32
      %add3A_240 = arith.addi %mul3A_128, %add3A_239 : i32
      %lt3A = arith.constant 160 : i32
      %lt3A_241 = arith.cmpi slt, %add3A_240, %lt3A : i32
      %convert_element_type3A_242 = arith.extui %lt3A_241 : i1 to i32
      %cond3A_243 = arith.constant 0 : i32
      %cond3A_244 = arith.cmpi ne, %convert_element_type3A_242, %cond3A_243 : i32
      scf.if %cond3A_244 {
        %add3A_248 = arith.constant 2 : i32
        %add3A_249 = arith.addi %mul3A_128, %add3A_248 : i32
        %get3A_250 = arith.index_cast %add3A_249 : i32 to index
        %get3A_251 = arith.constant 0 : index
        %get3A_252 = tpu.vector_load %arg9[%get3A_250, %get3A_251] {strides = array<i32>} : memref<160x128xi32, #tpu.memory_space<vmem>>, vector<16xi32>,
        %and3A_253 = arith.constant 65535 : i32
        %and3A_254 = vector.broadcast %and3A_253 : i32 to vector<16xi32>
        %and3A_255 = arith.andi %get3A_252, %and3A_254 : vector<16xi32>
        %swap3A_256 = arith.constant 0 : index
        %swap3A_257 = tpu.vector_load %arg10[%swap3A_256] {strides = array<i32>} : memref<128xi32, #tpu.memory_space<vmem>>, vector<16xi32>,
        tpu.vector_store %arg10[%swap3A_256], %and3A_255 {strides = array<i32>} : memref<128xi32, #tpu.memory_space<vmem>>, vector<16xi32>,
        %shift_right_logical3A_258 = arith.constant 16 : i32
        %shift_right_logical3A_259 = vector.broadcast %shift_right_logical3A_258 : i32 to vector<16xi32>
        %shift_right_logical3A_260 = arith.shrui %get3A_252, %shift_right_logical3A_259 : vector<16xi32>
        %swap3A_261 = arith.constant 0 : index
        %swap3A_262 = tpu.vector_load %arg12[%swap3A_261] {strides = array<i32>} : memref<128xi32, #tpu.memory_space<vmem>>, vector<16xi32>,
        tpu.vector_store %arg12[%swap3A_261], %shift_right_logical3A_260 {strides = array<i32>} : memref<128xi32, #tpu.memory_space<vmem>>, vector<16xi32>,
        %get3A_263 = arith.index_cast %add3A_249 : i32 to index
        %get3A_264 = arith.constant 16 : index
        %get3A_265 = tpu.vector_load %arg9[%get3A_263, %get3A_264] {strides = array<i32>} : memref<160x128xi32, #tpu.memory_space<vmem>>, vector<16xi32>,
        %and3A_266 = arith.constant 65535 : i32
        %and3A_267 = vector.broadcast %and3A_266 : i32 to vector<16xi32>
        %and3A_268 = arith.andi %get3A_265, %and3A_267 : vector<16xi32>
        %swap3A_269 = arith.constant 16 : index
        %swap3A_270 = tpu.vector_load %arg10[%swap3A_269] {strides = array<i32>} : memref<128xi32, #tpu.memory_space<vmem>>, vector<16xi32>,
        tpu.vector_store %arg10[%swap3A_269], %and3A_268 {strides = array<i32>} : memref<128xi32, #tpu.memory_space<vmem>>, vector<16xi32>,
        %shift_right_logical3A_271 = arith.constant 16 : i32
        %shift_right_logical3A_272 = vector.broadcast %shift_right_logical3A_271 : i32 to vector<16xi32>
        %shift_right_logical3A_273 = arith.shrui %get3A_265, %shift_right_logical3A_272 : vector<16xi32>
        %swap3A_274 = arith.constant 16 : index
        %swap3A_275 = tpu.vector_load %arg12[%swap3A_274] {strides = array<i32>} : memref<128xi32, #tpu.memory_space<vmem>>, vector<16xi32>,
        tpu.vector_store %arg12[%swap3A_274], %shift_right_logical3A_273 {strides = array<i32>} : memref<128xi32, #tpu.memory_space<vmem>>, vector<16xi32>,
        %get3A_276 = arith.index_cast %add3A_249 : i32 to index
        %get3A_277 = arith.constant 32 : index
        %get3A_278 = tpu.vector_load %arg9[%get3A_276, %get3A_277] {strides = array<i32>} : memref<160x128xi32, #tpu.memory_space<vmem>>, vector<16xi32>,
        %and3A_279 = arith.constant 65535 : i32
        %and3A_280 = vector.broadcast %and3A_279 : i32 to vector<16xi32>
        %and3A_281 = arith.andi %get3A_278, %and3A_280 : vector<16xi32>
        %swap3A_282 = arith.constant 32 : index
        %swap3A_283 = tpu.vector_load %arg10[%swap3A_282] {strides = array<i32>} : memref<128xi32, #tpu.memory_space<vmem>>, vector<16xi32>,
        tpu.vector_store %arg10[%swap3A_282], %and3A_281 {strides = array<i32>} : memref<128xi32, #tpu.memory_space<vmem>>, vector<16xi32>,
        %shift_right_logical3A_284 = arith.constant 16 : i32
        %shift_right_logical3A_285 = vector.broadcast %shift_right_logical3A_284 : i32 to vector<16xi32>
        %shift_right_logical3A_286 = arith.shrui %get3A_278, %shift_right_logical3A_285 : vector<16xi32>
        %swap3A_287 = arith.constant 32 : index
        %swap3A_288 = tpu.vector_load %arg12[%swap3A_287] {strides = array<i32>} : memref<128xi32, #tpu.memory_space<vmem>>, vector<16xi32>,
        tpu.vector_store %arg12[%swap3A_287], %shift_right_logical3A_286 {strides = array<i32>} : memref<128xi32, #tpu.memory_space<vmem>>, vector<16xi32>,
        %get3A_289 = arith.index_cast %add3A_249 : i32 to index
        %get3A_290 = arith.constant 48 : index
        %get3A_291 = tpu.vector_load %arg9[%get3A_289, %get3A_290] {strides = array<i32>} : memref<160x128xi32, #tpu.memory_space<vmem>>, vector<16xi32>,
        %and3A_292 = arith.constant 65535 : i32
        %and3A_293 = vector.broadcast %and3A_292 : i32 to vector<16xi32>
        %and3A_294 = arith.andi %get3A_291, %and3A_293 : vector<16xi32>
        %swap3A_295 = arith.constant 48 : index
        %swap3A_296 = tpu.vector_load %arg10[%swap3A_295] {strides = array<i32>} : memref<128xi32, #tpu.memory_space<vmem>>, vector<16xi32>,
        tpu.vector_store %arg10[%swap3A_295], %and3A_294 {strides = array<i32>} : memref<128xi32, #tpu.memory_space<vmem>>, vector<16xi32>,
        %shift_right_logical3A_297 = arith.constant 16 : i32
        %shift_right_logical3A_298 = vector.broadcast %shift_right_logical3A_297 : i32 to vector<16xi32>
        %shift_right_logical3A_299 = arith.shrui %get3A_291, %shift_right_logical3A_298 : vector<16xi32>
        %swap3A_300 = arith.constant 48 : index
        %swap3A_301 = tpu.vector_load %arg12[%swap3A_300] {strides = array<i32>} : memref<128xi32, #tpu.memory_space<vmem>>, vector<16xi32>,
        tpu.vector_store %arg12[%swap3A_300], %shift_right_logical3A_299 {strides = array<i32>} : memref<128xi32, #tpu.memory_space<vmem>>, vector<16xi32>,
        %get3A_302 = arith.index_cast %add3A_249 : i32 to index
        %get3A_303 = arith.constant 64 : index
        %get3A_304 = tpu.vector_load %arg9[%get3A_302, %get3A_303] {strides = array<i32>} : memref<160x128xi32, #tpu.memory_space<vmem>>, vector<16xi32>,
        %and3A_305 = arith.constant 65535 : i32
        %and3A_306 = vector.broadcast %and3A_305 : i32 to vector<16xi32>
        %and3A_307 = arith.andi %get3A_304, %and3A_306 : vector<16xi32>
        %swap3A_308 = arith.constant 64 : index
        %swap3A_309 = tpu.vector_load %arg10[%swap3A_308] {strides = array<i32>} : memref<128xi32, #tpu.memory_space<vmem>>, vector<16xi32>,
        tpu.vector_store %arg10[%swap3A_308], %and3A_307 {strides = array<i32>} : memref<128xi32, #tpu.memory_space<vmem>>, vector<16xi32>,
        %shift_right_logical3A_310 = arith.constant 16 : i32
        %shift_right_logical3A_311 = vector.broadcast %shift_right_logical3A_310 : i32 to vector<16xi32>
        %shift_right_logical3A_312 = arith.shrui %get3A_304, %shift_right_logical3A_311 : vector<16xi32>
        %swap3A_313 = arith.constant 64 : index
        %swap3A_314 = tpu.vector_load %arg12[%swap3A_313] {strides = array<i32>} : memref<128xi32, #tpu.memory_space<vmem>>, vector<16xi32>,
        tpu.vector_store %arg12[%swap3A_313], %shift_right_logical3A_312 {strides = array<i32>} : memref<128xi32, #tpu.memory_space<vmem>>, vector<16xi32>,
        %get3A_315 = arith.index_cast %add3A_249 : i32 to index
        %get3A_316 = arith.constant 80 : index
        %get3A_317 = tpu.vector_load %arg9[%get3A_315, %get3A_316] {strides = array<i32>} : memref<160x128xi32, #tpu.memory_space<vmem>>, vector<16xi32>,
        %and3A_318 = arith.constant 65535 : i32
        %and3A_319 = vector.broadcast %and3A_318 : i32 to vector<16xi32>
        %and3A_320 = arith.andi %get3A_317, %and3A_319 : vector<16xi32>
        %swap3A_321 = arith.constant 80 : index
        %swap3A_322 = tpu.vector_load %arg10[%swap3A_321] {strides = array<i32>} : memref<128xi32, #tpu.memory_space<vmem>>, vector<16xi32>,
        tpu.vector_store %arg10[%swap3A_321], %and3A_320 {strides = array<i32>} : memref<128xi32, #tpu.memory_space<vmem>>, vector<16xi32>,
        %shift_right_logical3A_323 = arith.constant 16 : i32
        %shift_right_logical3A_324 = vector.broadcast %shift_right_logical3A_323 : i32 to vector<16xi32>
        %shift_right_logical3A_325 = arith.shrui %get3A_317, %shift_right_logical3A_324 : vector<16xi32>
        %swap3A_326 = arith.constant 80 : index
        %swap3A_327 = tpu.vector_load %arg12[%swap3A_326] {strides = array<i32>} : memref<128xi32, #tpu.memory_space<vmem>>, vector<16xi32>,
        tpu.vector_store %arg12[%swap3A_326], %shift_right_logical3A_325 {strides = array<i32>} : memref<128xi32, #tpu.memory_space<vmem>>, vector<16xi32>,
        %get3A_328 = arith.index_cast %add3A_249 : i32 to index
        %get3A_329 = arith.constant 96 : index
        %get3A_330 = tpu.vector_load %arg9[%get3A_328, %get3A_329] {strides = array<i32>} : memref<160x128xi32, #tpu.memory_space<vmem>>, vector<16xi32>,
        %and3A_331 = arith.constant 65535 : i32
        %and3A_332 = vector.broadcast %and3A_331 : i32 to vector<16xi32>
        %and3A_333 = arith.andi %get3A_330, %and3A_332 : vector<16xi32>
        %swap3A_334 = arith.constant 96 : index
        %swap3A_335 = tpu.vector_load %arg10[%swap3A_334] {strides = array<i32>} : memref<128xi32, #tpu.memory_space<vmem>>, vector<16xi32>,
        tpu.vector_store %arg10[%swap3A_334], %and3A_333 {strides = array<i32>} : memref<128xi32, #tpu.memory_space<vmem>>, vector<16xi32>,
        %shift_right_logical3A_336 = arith.constant 16 : i32
        %shift_right_logical3A_337 = vector.broadcast %shift_right_logical3A_336 : i32 to vector<16xi32>
        %shift_right_logical3A_338 = arith.shrui %get3A_330, %shift_right_logical3A_337 : vector<16xi32>
        %swap3A_339 = arith.constant 96 : index
        %swap3A_340 = tpu.vector_load %arg12[%swap3A_339] {strides = array<i32>} : memref<128xi32, #tpu.memory_space<vmem>>, vector<16xi32>,
        tpu.vector_store %arg12[%swap3A_339], %shift_right_logical3A_338 {strides = array<i32>} : memref<128xi32, #tpu.memory_space<vmem>>, vector<16xi32>,
        %get3A_341 = arith.index_cast %add3A_249 : i32 to index
        %get3A_342 = arith.constant 112 : index
        %get3A_343 = tpu.vector_load %arg9[%get3A_341, %get3A_342] {strides = array<i32>} : memref<160x128xi32, #tpu.memory_space<vmem>>, vector<16xi32>,
        %and3A_344 = arith.constant 65535 : i32
        %and3A_345 = vector.broadcast %and3A_344 : i32 to vector<16xi32>
        %and3A_346 = arith.andi %get3A_343, %and3A_345 : vector<16xi32>
        %swap3A_347 = arith.constant 112 : index
        %swap3A_348 = tpu.vector_load %arg10[%swap3A_347] {strides = array<i32>} : memref<128xi32, #tpu.memory_space<vmem>>, vector<16xi32>,
        tpu.vector_store %arg10[%swap3A_347], %and3A_346 {strides = array<i32>} : memref<128xi32, #tpu.memory_space<vmem>>, vector<16xi32>,
        %shift_right_logical3A_349 = arith.constant 16 : i32
        %shift_right_logical3A_350 = vector.broadcast %shift_right_logical3A_349 : i32 to vector<16xi32>
        %shift_right_logical3A_351 = arith.shrui %get3A_343, %shift_right_logical3A_350 : vector<16xi32>
        %swap3A_352 = arith.constant 112 : index
        %swap3A_353 = tpu.vector_load %arg12[%swap3A_352] {strides = array<i32>} : memref<128xi32, #tpu.memory_space<vmem>>, vector<16xi32>,
        tpu.vector_store %arg12[%swap3A_352], %shift_right_logical3A_351 {strides = array<i32>} : memref<128xi32, #tpu.memory_space<vmem>>, vector<16xi32>,
        %dma_start3A_354 = arith.constant 0 : i32
        %dma_start3A_355 = arith.constant 0 : i32
        %dma_start3A_356 = tpu.memref_slice %arg7[%dma_start3A_354, %dma_start3A_355] : memref<10240x64xf32, #tpu.memory_space<vmem_shared>> -> memref<10240x64xf32, #tpu.memory_space<vmem_shared>>
        tpu.enqueue_indirect_dma source(%dma_start3A_356 : memref<10240x64xf32, #tpu.memory_space<vmem_shared>>) target(%arg14 : memref<128x64xf32, #tpu.memory_space<vmem>>) offsets(%arg10 : memref<128xi32, #tpu.memory_space<vmem>>) semaphore(%arg16 : memref<!tpu.dma_semaphore, #tpu.memory_space<semaphore_mem>>)
      } else {
      }
      %dma_wait3A_245 = arith.constant 0 : i32
      %dma_wait3A_246 = arith.constant 0 : i32
      %dma_wait3A_247 = tpu.memref_slice %arg7[%dma_wait3A_245, %dma_wait3A_246] : memref<10240x64xf32, #tpu.memory_space<vmem_shared>> -> memref<10240x64xf32, #tpu.memory_space<vmem_shared>>
      tpu.wait_indirect_dma semaphore(%arg17 : memref<!tpu.dma_semaphore, #tpu.memory_space<semaphore_mem>>) src(%dma_wait3A_247 : memref<10240x64xf32, #tpu.memory_space<vmem_shared>>) dst(%arg15 : memref<128x64xf32, #tpu.memory_space<vmem>>)
      "tpu.region"() ({
        %run_scoped3A = tpu.sem_alloc : memref<!tpu.dma_semaphore, #tpu.memory_space<semaphore_mem>>
        %dma_start3A_248 = arith.constant 0 : i32
        %dma_start3A_249 = arith.constant 0 : i32
        %dma_start3A_250 = tpu.memref_slice %arg8[%dma_start3A_248, %dma_start3A_249] : memref<10240x64xf32, #tpu.memory_space<vmem_shared>> -> memref<10240x64xf32, #tpu.memory_space<vmem_shared>>
        tpu.enqueue_indirect_dma source(%arg15 : memref<128x64xf32, #tpu.memory_space<vmem>>) target(%dma_start3A_250 : memref<10240x64xf32, #tpu.memory_space<vmem_shared>>) offsets(%arg13 : memref<128xi32, #tpu.memory_space<vmem>>) semaphore(%run_scoped3A : memref<!tpu.dma_semaphore, #tpu.memory_space<semaphore_mem>>) {add = true}
        %dma_wait3A_251 = arith.constant 0 : i32
        %dma_wait3A_252 = arith.constant 0 : i32
        %dma_wait3A_253 = tpu.memref_slice %arg8[%dma_wait3A_251, %dma_wait3A_252] : memref<10240x64xf32, #tpu.memory_space<vmem_shared>> -> memref<10240x64xf32, #tpu.memory_space<vmem_shared>>
        tpu.wait_indirect_dma semaphore(%run_scoped3A : memref<!tpu.dma_semaphore, #tpu.memory_space<semaphore_mem>>) src(%arg15 : memref<128x64xf32, #tpu.memory_space<vmem>>) dst(%dma_wait3A_253 : memref<10240x64xf32, #tpu.memory_space<vmem_shared>>)
        tpu.yield
      }) : () -> ()
    }
    %scan3A_124 = arith.constant 80 : i32
    %barrier3A_125 = arith.constant 0 : index
    tpu.barrier barrier_id(%barrier3A_125)
    "tpu.region"() ({
      %run_scoped3A = tpu.sem_alloc : memref<!tpu.dma_semaphore, #tpu.memory_space<semaphore_mem>>
      %dma_start3A_126 = arith.constant 0 : i32
      %dma_start3A_127 = tpu.memref_slice %arg6[%arg0, %mul3A_0, %dma_start3A_126] : memref<2x10240x64xf32, #tpu.memory_space<hbm>> -> memref<1x640x64xf32, #tpu.memory_space<hbm>>
      %dma_start3A_128 = tpu.memref_squeeze %dma_start3A_127 : memref<1x640x64xf32, #tpu.memory_space<hbm>> -> memref<640x64xf32, #tpu.memory_space<hbm>>
      %dma_start3A_129 = arith.constant 0 : i32
      %dma_start3A_130 = tpu.memref_slice %arg8[%mul3A_0, %dma_start3A_129] : memref<10240x64xf32, #tpu.memory_space<vmem_shared>> -> memref<640x64xf32, #tpu.memory_space<vmem_shared>>
      tpu.enqueue_dma source(%dma_start3A_130 : memref<640x64xf32, #tpu.memory_space<vmem_shared>>) target(%dma_start3A_128 : memref<640x64xf32, #tpu.memory_space<hbm>>) target_semaphore(%run_scoped3A : memref<!tpu.dma_semaphore, #tpu.memory_space<semaphore_mem>>)
      %dma_wait3A = arith.constant 0 : i32
      %dma_wait3A_131 = tpu.memref_slice %arg6[%arg0, %mul3A_0, %dma_wait3A] : memref<2x10240x64xf32, #tpu.memory_space<hbm>> -> memref<1x640x64xf32, #tpu.memory_space<hbm>>
      %dma_wait3A_132 = tpu.memref_squeeze %dma_wait3A_131 : memref<1x640x64xf32, #tpu.memory_space<hbm>> -> memref<640x64xf32, #tpu.memory_space<hbm>>
      %dma_wait3A_133 = arith.constant 0 : i32
      %dma_wait3A_134 = tpu.memref_slice %arg8[%mul3A_0, %dma_wait3A_133] : memref<10240x64xf32, #tpu.memory_space<vmem_shared>> -> memref<640x64xf32, #tpu.memory_space<vmem_shared>>
      tpu.wait_dma2 semaphore(%run_scoped3A : memref<!tpu.dma_semaphore, #tpu.memory_space<semaphore_mem>>) src(%dma_wait3A_134 : memref<640x64xf32, #tpu.memory_space<vmem_shared>>) dst(%dma_wait3A_132 : memref<640x64xf32, #tpu.memory_space<hbm>>)
      tpu.yield
    }) : () -> ()
    return
  }
}

#map = affine_map<(d0, d1) -> (0, 0)>
#map1 = affine_map<(d0, d1) -> (0, 0, 0)>
module attributes {stable_mosaic.version = 14 : i64} {
  func.func @scatter_kernel(%arg0: i32, %arg1: i32, %arg2: memref<10240x64xf32, #tpu.memory_space<hbm>>, %arg3: memref<10240x64xf32, #tpu.memory_space<hbm>>, %arg4: memref<2560x128xi32, #tpu.memory_space<hbm>>, %arg5: memref<10240x64xf32, #tpu.memory_space<hbm>>, %arg6: memref<2x10240x64xf32, #tpu.memory_space<hbm>>, %arg7: memref<10240x64xf32, #tpu.memory_space<vmem_shared>>, %arg8: memref<10240x64xf32, #tpu.memory_space<vmem_shared>>, %arg9: memref<160x128xi32, #tpu.memory_space<vmem>>, %arg10: memref<128xi32, #tpu.memory_space<vmem>>, %arg11: memref<128xi32, #tpu.memory_space<vmem>>, %arg12: memref<128xi32, #tpu.memory_space<vmem>>, %arg13: memref<128xi32, #tpu.memory_space<vmem>>, %arg14: memref<128x64xf32, #tpu.memory_space<vmem>>, %arg15: memref<128x64xf32, #tpu.memory_space<vmem>>, %arg16: memref<!tpu.dma_semaphore, #tpu.memory_space<semaphore_mem>>, %arg17: memref<!tpu.dma_semaphore, #tpu.memory_space<semaphore_mem>>) attributes {dimension_semantics = [#tpu.dimension_semantics<core_parallel>, #tpu.dimension_semantics<subcore_parallel>], iteration_bounds = array<i64: 2, 16>, scalar_prefetch = 0 : i64, scratch_operands = 11 : i64, tpu.core_type = #tpu.core_type<sc_vector_subcore>, window_params = [{transform_indices = #map}, {transform_indices = #map}, {transform_indices = #map}, {transform_indices = #map}, {transform_indices = #map1}]} {
    %mul3A = arith.constant 640 : i32
    %mul3A_0 = arith.muli %arg1, %mul3A : i32
    %eq3A = arith.constant 0 : i32
    %eq3A_1 = arith.cmpi eq, %arg0, %eq3A : i32
    %convert_element_type3A = arith.extui %eq3A_1 : i1 to i32
    %cond3A = arith.constant 0 : i32
    %cond3A_2 = arith.cmpi ne, %convert_element_type3A, %cond3A : i32
    scf.if %cond3A_2 {
      "tpu.region"() ({
        %run_scoped3A = tpu.sem_alloc : memref<!tpu.dma_semaphore, #tpu.memory_space<semaphore_mem>>
        %dma_start3A_126 = arith.constant 0 : i32
        %dma_start3A_127 = tpu.memref_slice %arg7[%mul3A_0, %dma_start3A_126] : memref<10240x64xf32, #tpu.memory_space<vmem_shared>> -> memref<640x64xf32, #tpu.memory_space<vmem_shared>>
        %dma_start3A_128 = arith.constant 0 : i32
        %dma_start3A_129 = tpu.memref_slice %arg2[%mul3A_0, %dma_start3A_128] : memref<10240x64xf32, #tpu.memory_space<hbm>> -> memref<640x64xf32, #tpu.memory_space<hbm>>
        tpu.enqueue_dma source(%dma_start3A_129 : memref<640x64xf32, #tpu.memory_space<hbm>>) target(%dma_start3A_127 : memref<640x64xf32, #tpu.memory_space<vmem_shared>>) target_semaphore(%run_scoped3A : memref<!tpu.dma_semaphore, #tpu.memory_space<semaphore_mem>>)
        %dma_wait3A = arith.constant 0 : i32
        %dma_wait3A_130 = tpu.memref_slice %arg7[%mul3A_0, %dma_wait3A] : memref<10240x64xf32, #tpu.memory_space<vmem_shared>> -> memref<640x64xf32, #tpu.memory_space<vmem_shared>>
        %dma_wait3A_131 = arith.constant 0 : i32
        %dma_wait3A_132 = tpu.memref_slice %arg2[%mul3A_0, %dma_wait3A_131] : memref<10240x64xf32, #tpu.memory_space<hbm>> -> memref<640x64xf32, #tpu.memory_space<hbm>>
        tpu.wait_dma2 semaphore(%run_scoped3A : memref<!tpu.dma_semaphore, #tpu.memory_space<semaphore_mem>>) src(%dma_wait3A_132 : memref<640x64xf32, #tpu.memory_space<hbm>>) dst(%dma_wait3A_130 : memref<640x64xf32, #tpu.memory_space<vmem_shared>>)
        tpu.yield
      }) : () -> ()
    } else {
    }
    %eq3A_3 = arith.constant 1 : i32
    %eq3A_4 = arith.cmpi eq, %arg0, %eq3A_3 : i32
    %convert_element_type3A_5 = arith.extui %eq3A_4 : i1 to i32
    %cond3A_6 = arith.constant 0 : i32
    %cond3A_7 = arith.cmpi ne, %convert_element_type3A_5, %cond3A_6 : i32
    scf.if %cond3A_7 {
      "tpu.region"() ({
        %run_scoped3A = tpu.sem_alloc : memref<!tpu.dma_semaphore, #tpu.memory_space<semaphore_mem>>
        %dma_start3A_126 = arith.constant 0 : i32
        %dma_start3A_127 = tpu.memref_slice %arg7[%mul3A_0, %dma_start3A_126] : memref<10240x64xf32, #tpu.memory_space<vmem_shared>> -> memref<640x64xf32, #tpu.memory_space<vmem_shared>>
        %dma_start3A_128 = arith.constant 0 : i32
        %dma_start3A_129 = tpu.memref_slice %arg3[%mul3A_0, %dma_start3A_128] : memref<10240x64xf32, #tpu.memory_space<hbm>> -> memref<640x64xf32, #tpu.memory_space<hbm>>
        tpu.enqueue_dma source(%dma_start3A_129 : memref<640x64xf32, #tpu.memory_space<hbm>>) target(%dma_start3A_127 : memref<640x64xf32, #tpu.memory_space<vmem_shared>>) target_semaphore(%run_scoped3A : memref<!tpu.dma_semaphore, #tpu.memory_space<semaphore_mem>>)
        %dma_wait3A = arith.constant 0 : i32
        %dma_wait3A_130 = tpu.memref_slice %arg7[%mul3A_0, %dma_wait3A] : memref<10240x64xf32, #tpu.memory_space<vmem_shared>> -> memref<640x64xf32, #tpu.memory_space<vmem_shared>>
        %dma_wait3A_131 = arith.constant 0 : i32
        %dma_wait3A_132 = tpu.memref_slice %arg3[%mul3A_0, %dma_wait3A_131] : memref<10240x64xf32, #tpu.memory_space<hbm>> -> memref<640x64xf32, #tpu.memory_space<hbm>>
        tpu.wait_dma2 semaphore(%run_scoped3A : memref<!tpu.dma_semaphore, #tpu.memory_space<semaphore_mem>>) src(%dma_wait3A_132 : memref<640x64xf32, #tpu.memory_space<hbm>>) dst(%dma_wait3A_130 : memref<640x64xf32, #tpu.memory_space<vmem_shared>>)
        tpu.yield
      }) : () -> ()
    } else {
    }
    "tpu.region"() ({
      %run_scoped3A = tpu.sem_alloc : memref<!tpu.dma_semaphore, #tpu.memory_space<semaphore_mem>>
      %dma_start3A_126 = arith.constant 0 : i32
      %dma_start3A_127 = tpu.memref_slice %arg8[%mul3A_0, %dma_start3A_126] : memref<10240x64xf32, #tpu.memory_space<vmem_shared>> -> memref<640x64xf32, #tpu.memory_space<vmem_shared>>
      %dma_start3A_128 = arith.constant 0 : i32
      %dma_start3A_129 = tpu.memref_slice %arg5[%mul3A_0, %dma_start3A_128] : memref<10240x64xf32, #tpu.memory_space<hbm>> -> memref<640x64xf32, #tpu.memory_space<hbm>>
      tpu.enqueue_dma source(%dma_start3A_129 : memref<640x64xf32, #tpu.memory_space<hbm>>) target(%dma_start3A_127 : memref<640x64xf32, #tpu.memory_space<vmem_shared>>) target_semaphore(%run_scoped3A : memref<!tpu.dma_semaphore, #tpu.memory_space<semaphore_mem>>)
      %dma_wait3A = arith.constant 0 : i32
      %dma_wait3A_130 = tpu.memref_slice %arg8[%mul3A_0, %dma_wait3A] : memref<10240x64xf32, #tpu.memory_space<vmem_shared>> -> memref<640x64xf32, #tpu.memory_space<vmem_shared>>
      %dma_wait3A_131 = arith.constant 0 : i32
      %dma_wait3A_132 = tpu.memref_slice %arg5[%mul3A_0, %dma_wait3A_131] : memref<10240x64xf32, #tpu.memory_space<hbm>> -> memref<640x64xf32, #tpu.memory_space<hbm>>
      tpu.wait_dma2 semaphore(%run_scoped3A : memref<!tpu.dma_semaphore, #tpu.memory_space<semaphore_mem>>) src(%dma_wait3A_132 : memref<640x64xf32, #tpu.memory_space<hbm>>) dst(%dma_wait3A_130 : memref<640x64xf32, #tpu.memory_space<vmem_shared>>)
      tpu.yield
    }) : () -> ()
    %mul3A_8 = arith.constant 160 : i32
    %mul3A_9 = arith.muli %arg1, %mul3A_8 : i32
    "tpu.region"() ({
      %run_scoped3A = tpu.sem_alloc : memref<!tpu.dma_semaphore, #tpu.memory_space<semaphore_mem>>
      %dma_start3A_126 = arith.constant 0 : i32
      %dma_start3A_127 = tpu.memref_slice %arg4[%mul3A_9, %dma_start3A_126] : memref<2560x128xi32, #tpu.memory_space<hbm>> -> memref<160x128xi32, #tpu.memory_space<hbm>>
      %dma_start3A_128 = arith.constant 0 : i32
      %dma_start3A_129 = tpu.memref_slice %arg4[%mul3A_9, %dma_start3A_128] : memref<2560x128xi32, #tpu.memory_space<hbm>> -> memref<160x128xi32, #tpu.memory_space<hbm>>
      tpu.enqueue_dma source(%dma_start3A_129 : memref<160x128xi32, #tpu.memory_space<hbm>>) target(%arg9 : memref<160x128xi32, #tpu.memory_space<vmem>>) target_semaphore(%run_scoped3A : memref<!tpu.dma_semaphore, #tpu.memory_space<semaphore_mem>>)
      %dma_wait3A = arith.constant 0 : i32
      %dma_wait3A_130 = tpu.memref_slice %arg4[%mul3A_9, %dma_wait3A] : memref<2560x128xi32, #tpu.memory_space<hbm>> -> memref<160x128xi32, #tpu.memory_space<hbm>>
      %dma_wait3A_131 = arith.constant 0 : i32
      %dma_wait3A_132 = tpu.memref_slice %arg4[%mul3A_9, %dma_wait3A_131] : memref<2560x128xi32, #tpu.memory_space<hbm>> -> memref<160x128xi32, #tpu.memory_space<hbm>>
      tpu.wait_dma2 semaphore(%run_scoped3A : memref<!tpu.dma_semaphore, #tpu.memory_space<semaphore_mem>>) src(%dma_wait3A_132 : memref<160x128xi32, #tpu.memory_space<hbm>>) dst(%arg9 : memref<160x128xi32, #tpu.memory_space<vmem>>)
      tpu.yield
    }) : () -> ()
    %barrier3A = arith.constant 0 : index
    tpu.barrier barrier_id(%barrier3A)
    %get3A = arith.constant 0 : i32
    %get3A_10 = arith.index_cast %get3A : i32 to index
    %get3A_11 = arith.constant 0 : index
    %get3A_12 = tpu.vector_load %arg9[%get3A_10, %get3A_11] {strides = array<i32>} : memref<160x128xi32, #tpu.memory_space<vmem>>, vector<16xi32>,
    %and3A = arith.constant 65535 : i32
    %and3A_13 = vector.broadcast %and3A : i32 to vector<16xi32>
    %and3A_14 = arith.andi %get3A_12, %and3A_13 : vector<16xi32>
    %swap3A = arith.constant 0 : index
    %swap3A_15 = tpu.vector_load %arg10[%swap3A] {strides = array<i32>} : memref<128xi32, #tpu.memory_space<vmem>>, vector<16xi32>,
    tpu.vector_store %arg10[%swap3A], %and3A_14 {strides = array<i32>} : memref<128xi32, #tpu.memory_space<vmem>>, vector<16xi32>,
    %shift_right_logical3A = arith.constant 16 : i32
    %shift_right_logical3A_16 = vector.broadcast %shift_right_logical3A : i32 to vector<16xi32>
    %shift_right_logical3A_17 = arith.shrui %get3A_12, %shift_right_logical3A_16 : vector<16xi32>
    %swap3A_18 = arith.constant 0 : index
    %swap3A_19 = tpu.vector_load %arg12[%swap3A_18] {strides = array<i32>} : memref<128xi32, #tpu.memory_space<vmem>>, vector<16xi32>,
    tpu.vector_store %arg12[%swap3A_18], %shift_right_logical3A_17 {strides = array<i32>} : memref<128xi32, #tpu.memory_space<vmem>>, vector<16xi32>,
    %get3A_20 = arith.constant 0 : i32
    %get3A_21 = arith.index_cast %get3A_20 : i32 to index
    %get3A_22 = arith.constant 16 : index
    %get3A_23 = tpu.vector_load %arg9[%get3A_21, %get3A_22] {strides = array<i32>} : memref<160x128xi32, #tpu.memory_space<vmem>>, vector<16xi32>,
    %and3A_24 = arith.constant 65535 : i32
    %and3A_25 = vector.broadcast %and3A_24 : i32 to vector<16xi32>
    %and3A_26 = arith.andi %get3A_23, %and3A_25 : vector<16xi32>
    %swap3A_27 = arith.constant 16 : index
    %swap3A_28 = tpu.vector_load %arg10[%swap3A_27] {strides = array<i32>} : memref<128xi32, #tpu.memory_space<vmem>>, vector<16xi32>,
    tpu.vector_store %arg10[%swap3A_27], %and3A_26 {strides = array<i32>} : memref<128xi32, #tpu.memory_space<vmem>>, vector<16xi32>,
    %shift_right_logical3A_29 = arith.constant 16 : i32
    %shift_right_logical3A_30 = vector.broadcast %shift_right_logical3A_29 : i32 to vector<16xi32>
    %shift_right_logical3A_31 = arith.shrui %get3A_23, %shift_right_logical3A_30 : vector<16xi32>
    %swap3A_32 = arith.constant 16 : index
    %swap3A_33 = tpu.vector_load %arg12[%swap3A_32] {strides = array<i32>} : memref<128xi32, #tpu.memory_space<vmem>>, vector<16xi32>,
    tpu.vector_store %arg12[%swap3A_32], %shift_right_logical3A_31 {strides = array<i32>} : memref<128xi32, #tpu.memory_space<vmem>>, vector<16xi32>,
    %get3A_34 = arith.constant 0 : i32
    %get3A_35 = arith.index_cast %get3A_34 : i32 to index
    %get3A_36 = arith.constant 32 : index
    %get3A_37 = tpu.vector_load %arg9[%get3A_35, %get3A_36] {strides = array<i32>} : memref<160x128xi32, #tpu.memory_space<vmem>>, vector<16xi32>,
    %and3A_38 = arith.constant 65535 : i32
    %and3A_39 = vector.broadcast %and3A_38 : i32 to vector<16xi32>
    %and3A_40 = arith.andi %get3A_37, %and3A_39 : vector<16xi32>
    %swap3A_41 = arith.constant 32 : index
    %swap3A_42 = tpu.vector_load %arg10[%swap3A_41] {strides = array<i32>} : memref<128xi32, #tpu.memory_space<vmem>>, vector<16xi32>,
    tpu.vector_store %arg10[%swap3A_41], %and3A_40 {strides = array<i32>} : memref<128xi32, #tpu.memory_space<vmem>>, vector<16xi32>,
    %shift_right_logical3A_43 = arith.constant 16 : i32
    %shift_right_logical3A_44 = vector.broadcast %shift_right_logical3A_43 : i32 to vector<16xi32>
    %shift_right_logical3A_45 = arith.shrui %get3A_37, %shift_right_logical3A_44 : vector<16xi32>
    %swap3A_46 = arith.constant 32 : index
    %swap3A_47 = tpu.vector_load %arg12[%swap3A_46] {strides = array<i32>} : memref<128xi32, #tpu.memory_space<vmem>>, vector<16xi32>,
    tpu.vector_store %arg12[%swap3A_46], %shift_right_logical3A_45 {strides = array<i32>} : memref<128xi32, #tpu.memory_space<vmem>>, vector<16xi32>,
    %get3A_48 = arith.constant 0 : i32
    %get3A_49 = arith.index_cast %get3A_48 : i32 to index
    %get3A_50 = arith.constant 48 : index
    %get3A_51 = tpu.vector_load %arg9[%get3A_49, %get3A_50] {strides = array<i32>} : memref<160x128xi32, #tpu.memory_space<vmem>>, vector<16xi32>,
    %and3A_52 = arith.constant 65535 : i32
    %and3A_53 = vector.broadcast %and3A_52 : i32 to vector<16xi32>
    %and3A_54 = arith.andi %get3A_51, %and3A_53 : vector<16xi32>
    %swap3A_55 = arith.constant 48 : index
    %swap3A_56 = tpu.vector_load %arg10[%swap3A_55] {strides = array<i32>} : memref<128xi32, #tpu.memory_space<vmem>>, vector<16xi32>,
    tpu.vector_store %arg10[%swap3A_55], %and3A_54 {strides = array<i32>} : memref<128xi32, #tpu.memory_space<vmem>>, vector<16xi32>,
    %shift_right_logical3A_57 = arith.constant 16 : i32
    %shift_right_logical3A_58 = vector.broadcast %shift_right_logical3A_57 : i32 to vector<16xi32>
    %shift_right_logical3A_59 = arith.shrui %get3A_51, %shift_right_logical3A_58 : vector<16xi32>
    %swap3A_60 = arith.constant 48 : index
    %swap3A_61 = tpu.vector_load %arg12[%swap3A_60] {strides = array<i32>} : memref<128xi32, #tpu.memory_space<vmem>>, vector<16xi32>,
    tpu.vector_store %arg12[%swap3A_60], %shift_right_logical3A_59 {strides = array<i32>} : memref<128xi32, #tpu.memory_space<vmem>>, vector<16xi32>,
    %get3A_62 = arith.constant 0 : i32
    %get3A_63 = arith.index_cast %get3A_62 : i32 to index
    %get3A_64 = arith.constant 64 : index
    %get3A_65 = tpu.vector_load %arg9[%get3A_63, %get3A_64] {strides = array<i32>} : memref<160x128xi32, #tpu.memory_space<vmem>>, vector<16xi32>,
    %and3A_66 = arith.constant 65535 : i32
    %and3A_67 = vector.broadcast %and3A_66 : i32 to vector<16xi32>
    %and3A_68 = arith.andi %get3A_65, %and3A_67 : vector<16xi32>
    %swap3A_69 = arith.constant 64 : index
    %swap3A_70 = tpu.vector_load %arg10[%swap3A_69] {strides = array<i32>} : memref<128xi32, #tpu.memory_space<vmem>>, vector<16xi32>,
    tpu.vector_store %arg10[%swap3A_69], %and3A_68 {strides = array<i32>} : memref<128xi32, #tpu.memory_space<vmem>>, vector<16xi32>,
    %shift_right_logical3A_71 = arith.constant 16 : i32
    %shift_right_logical3A_72 = vector.broadcast %shift_right_logical3A_71 : i32 to vector<16xi32>
    %shift_right_logical3A_73 = arith.shrui %get3A_65, %shift_right_logical3A_72 : vector<16xi32>
    %swap3A_74 = arith.constant 64 : index
    %swap3A_75 = tpu.vector_load %arg12[%swap3A_74] {strides = array<i32>} : memref<128xi32, #tpu.memory_space<vmem>>, vector<16xi32>,
    tpu.vector_store %arg12[%swap3A_74], %shift_right_logical3A_73 {strides = array<i32>} : memref<128xi32, #tpu.memory_space<vmem>>, vector<16xi32>,
    %get3A_76 = arith.constant 0 : i32
    %get3A_77 = arith.index_cast %get3A_76 : i32 to index
    %get3A_78 = arith.constant 80 : index
    %get3A_79 = tpu.vector_load %arg9[%get3A_77, %get3A_78] {strides = array<i32>} : memref<160x128xi32, #tpu.memory_space<vmem>>, vector<16xi32>,
    %and3A_80 = arith.constant 65535 : i32
    %and3A_81 = vector.broadcast %and3A_80 : i32 to vector<16xi32>
    %and3A_82 = arith.andi %get3A_79, %and3A_81 : vector<16xi32>
    %swap3A_83 = arith.constant 80 : index
    %swap3A_84 = tpu.vector_load %arg10[%swap3A_83] {strides = array<i32>} : memref<128xi32, #tpu.memory_space<vmem>>, vector<16xi32>,
    tpu.vector_store %arg10[%swap3A_83], %and3A_82 {strides = array<i32>} : memref<128xi32, #tpu.memory_space<vmem>>, vector<16xi32>,
    %shift_right_logical3A_85 = arith.constant 16 : i32
    %shift_right_logical3A_86 = vector.broadcast %shift_right_logical3A_85 : i32 to vector<16xi32>
    %shift_right_logical3A_87 = arith.shrui %get3A_79, %shift_right_logical3A_86 : vector<16xi32>
    %swap3A_88 = arith.constant 80 : index
    %swap3A_89 = tpu.vector_load %arg12[%swap3A_88] {strides = array<i32>} : memref<128xi32, #tpu.memory_space<vmem>>, vector<16xi32>,
    tpu.vector_store %arg12[%swap3A_88], %shift_right_logical3A_87 {strides = array<i32>} : memref<128xi32, #tpu.memory_space<vmem>>, vector<16xi32>,
    %get3A_90 = arith.constant 0 : i32
    %get3A_91 = arith.index_cast %get3A_90 : i32 to index
    %get3A_92 = arith.constant 96 : index
    %get3A_93 = tpu.vector_load %arg9[%get3A_91, %get3A_92] {strides = array<i32>} : memref<160x128xi32, #tpu.memory_space<vmem>>, vector<16xi32>,
    %and3A_94 = arith.constant 65535 : i32
    %and3A_95 = vector.broadcast %and3A_94 : i32 to vector<16xi32>
    %and3A_96 = arith.andi %get3A_93, %and3A_95 : vector<16xi32>
    %swap3A_97 = arith.constant 96 : index
    %swap3A_98 = tpu.vector_load %arg10[%swap3A_97] {strides = array<i32>} : memref<128xi32, #tpu.memory_space<vmem>>, vector<16xi32>,
    tpu.vector_store %arg10[%swap3A_97], %and3A_96 {strides = array<i32>} : memref<128xi32, #tpu.memory_space<vmem>>, vector<16xi32>,
    %shift_right_logical3A_99 = arith.constant 16 : i32
    %shift_right_logical3A_100 = vector.broadcast %shift_right_logical3A_99 : i32 to vector<16xi32>
    %shift_right_logical3A_101 = arith.shrui %get3A_93, %shift_right_logical3A_100 : vector<16xi32>
    %swap3A_102 = arith.constant 96 : index
    %swap3A_103 = tpu.vector_load %arg12[%swap3A_102] {strides = array<i32>} : memref<128xi32, #tpu.memory_space<vmem>>, vector<16xi32>,
    tpu.vector_store %arg12[%swap3A_102], %shift_right_logical3A_101 {strides = array<i32>} : memref<128xi32, #tpu.memory_space<vmem>>, vector<16xi32>,
    %get3A_104 = arith.constant 0 : i32
    %get3A_105 = arith.index_cast %get3A_104 : i32 to index
    %get3A_106 = arith.constant 112 : index
    %get3A_107 = tpu.vector_load %arg9[%get3A_105, %get3A_106] {strides = array<i32>} : memref<160x128xi32, #tpu.memory_space<vmem>>, vector<16xi32>,
    %and3A_108 = arith.constant 65535 : i32
    %and3A_109 = vector.broadcast %and3A_108 : i32 to vector<16xi32>
    %and3A_110 = arith.andi %get3A_107, %and3A_109 : vector<16xi32>
    %swap3A_111 = arith.constant 112 : index
    %swap3A_112 = tpu.vector_load %arg10[%swap3A_111] {strides = array<i32>} : memref<128xi32, #tpu.memory_space<vmem>>, vector<16xi32>,
    tpu.vector_store %arg10[%swap3A_111], %and3A_110 {strides = array<i32>} : memref<128xi32, #tpu.memory_space<vmem>>, vector<16xi32>,
    %shift_right_logical3A_113 = arith.constant 16 : i32
    %shift_right_logical3A_114 = vector.broadcast %shift_right_logical3A_113 : i32 to vector<16xi32>
    %shift_right_logical3A_115 = arith.shrui %get3A_107, %shift_right_logical3A_114 : vector<16xi32>
    %swap3A_116 = arith.constant 112 : index
    %swap3A_117 = tpu.vector_load %arg12[%swap3A_116] {strides = array<i32>} : memref<128xi32, #tpu.memory_space<vmem>>, vector<16xi32>,
    tpu.vector_store %arg12[%swap3A_116], %shift_right_logical3A_115 {strides = array<i32>} : memref<128xi32, #tpu.memory_space<vmem>>, vector<16xi32>,
    %dma_start3A = arith.constant 0 : i32
    %dma_start3A_118 = arith.constant 0 : i32
    %dma_start3A_119 = tpu.memref_slice %arg7[%dma_start3A, %dma_start3A_118] : memref<10240x64xf32, #tpu.memory_space<vmem_shared>> -> memref<10240x64xf32, #tpu.memory_space<vmem_shared>>
    tpu.enqueue_indirect_dma source(%dma_start3A_119 : memref<10240x64xf32, #tpu.memory_space<vmem_shared>>) target(%arg14 : memref<128x64xf32, #tpu.memory_space<vmem>>) offsets(%arg10 : memref<128xi32, #tpu.memory_space<vmem>>) semaphore(%arg16 : memref<!tpu.dma_semaphore, #tpu.memory_space<semaphore_mem>>)
    %scan3A = arith.constant 0 : i32
    %scan3A_120 = arith.constant 0 : i32
    %scan3A_121 = arith.constant 80 : i32
    %scan3A_122 = arith.addi %scan3A_120, %scan3A_121 : i32
    %scan3A_123 = arith.constant 1 : i32
    scf.for %scan3A_126 = %scan3A_120 to %scan3A_122 step %scan3A_123  : i32 {
      %mul3A_127 = arith.constant 2 : i32
      %mul3A_128 = arith.muli %mul3A_127, %scan3A_126 : i32
      %add3A = arith.constant 1 : i32
      %add3A_129 = arith.addi %mul3A_128, %add3A : i32
      %get3A_130 = arith.index_cast %add3A_129 : i32 to index
      %get3A_131 = arith.constant 0 : index
      %get3A_132 = tpu.vector_load %arg9[%get3A_130, %get3A_131] {strides = array<i32>} : memref<160x128xi32, #tpu.memory_space<vmem>>, vector<16xi32>,
      %and3A_133 = arith.constant 65535 : i32
      %and3A_134 = vector.broadcast %and3A_133 : i32 to vector<16xi32>
      %and3A_135 = arith.andi %get3A_132, %and3A_134 : vector<16xi32>
      %swap3A_136 = arith.constant 0 : index
      %swap3A_137 = tpu.vector_load %arg11[%swap3A_136] {strides = array<i32>} : memref<128xi32, #tpu.memory_space<vmem>>, vector<16xi32>,
      tpu.vector_store %arg11[%swap3A_136], %and3A_135 {strides = array<i32>} : memref<128xi32, #tpu.memory_space<vmem>>, vector<16xi32>,
      %shift_right_logical3A_138 = arith.constant 16 : i32
      %shift_right_logical3A_139 = vector.broadcast %shift_right_logical3A_138 : i32 to vector<16xi32>
      %shift_right_logical3A_140 = arith.shrui %get3A_132, %shift_right_logical3A_139 : vector<16xi32>
      %swap3A_141 = arith.constant 0 : index
      %swap3A_142 = tpu.vector_load %arg13[%swap3A_141] {strides = array<i32>} : memref<128xi32, #tpu.memory_space<vmem>>, vector<16xi32>,
      tpu.vector_store %arg13[%swap3A_141], %shift_right_logical3A_140 {strides = array<i32>} : memref<128xi32, #tpu.memory_space<vmem>>, vector<16xi32>,
      %get3A_143 = arith.index_cast %add3A_129 : i32 to index
      %get3A_144 = arith.constant 16 : index
      %get3A_145 = tpu.vector_load %arg9[%get3A_143, %get3A_144] {strides = array<i32>} : memref<160x128xi32, #tpu.memory_space<vmem>>, vector<16xi32>,
      %and3A_146 = arith.constant 65535 : i32
      %and3A_147 = vector.broadcast %and3A_146 : i32 to vector<16xi32>
      %and3A_148 = arith.andi %get3A_145, %and3A_147 : vector<16xi32>
      %swap3A_149 = arith.constant 16 : index
      %swap3A_150 = tpu.vector_load %arg11[%swap3A_149] {strides = array<i32>} : memref<128xi32, #tpu.memory_space<vmem>>, vector<16xi32>,
      tpu.vector_store %arg11[%swap3A_149], %and3A_148 {strides = array<i32>} : memref<128xi32, #tpu.memory_space<vmem>>, vector<16xi32>,
      %shift_right_logical3A_151 = arith.constant 16 : i32
      %shift_right_logical3A_152 = vector.broadcast %shift_right_logical3A_151 : i32 to vector<16xi32>
      %shift_right_logical3A_153 = arith.shrui %get3A_145, %shift_right_logical3A_152 : vector<16xi32>
      %swap3A_154 = arith.constant 16 : index
      %swap3A_155 = tpu.vector_load %arg13[%swap3A_154] {strides = array<i32>} : memref<128xi32, #tpu.memory_space<vmem>>, vector<16xi32>,
      tpu.vector_store %arg13[%swap3A_154], %shift_right_logical3A_153 {strides = array<i32>} : memref<128xi32, #tpu.memory_space<vmem>>, vector<16xi32>,
      %get3A_156 = arith.index_cast %add3A_129 : i32 to index
      %get3A_157 = arith.constant 32 : index
      %get3A_158 = tpu.vector_load %arg9[%get3A_156, %get3A_157] {strides = array<i32>} : memref<160x128xi32, #tpu.memory_space<vmem>>, vector<16xi32>,
      %and3A_159 = arith.constant 65535 : i32
      %and3A_160 = vector.broadcast %and3A_159 : i32 to vector<16xi32>
      %and3A_161 = arith.andi %get3A_158, %and3A_160 : vector<16xi32>
      %swap3A_162 = arith.constant 32 : index
      %swap3A_163 = tpu.vector_load %arg11[%swap3A_162] {strides = array<i32>} : memref<128xi32, #tpu.memory_space<vmem>>, vector<16xi32>,
      tpu.vector_store %arg11[%swap3A_162], %and3A_161 {strides = array<i32>} : memref<128xi32, #tpu.memory_space<vmem>>, vector<16xi32>,
      %shift_right_logical3A_164 = arith.constant 16 : i32
      %shift_right_logical3A_165 = vector.broadcast %shift_right_logical3A_164 : i32 to vector<16xi32>
      %shift_right_logical3A_166 = arith.shrui %get3A_158, %shift_right_logical3A_165 : vector<16xi32>
      %swap3A_167 = arith.constant 32 : index
      %swap3A_168 = tpu.vector_load %arg13[%swap3A_167] {strides = array<i32>} : memref<128xi32, #tpu.memory_space<vmem>>, vector<16xi32>,
      tpu.vector_store %arg13[%swap3A_167], %shift_right_logical3A_166 {strides = array<i32>} : memref<128xi32, #tpu.memory_space<vmem>>, vector<16xi32>,
      %get3A_169 = arith.index_cast %add3A_129 : i32 to index
      %get3A_170 = arith.constant 48 : index
      %get3A_171 = tpu.vector_load %arg9[%get3A_169, %get3A_170] {strides = array<i32>} : memref<160x128xi32, #tpu.memory_space<vmem>>, vector<16xi32>,
      %and3A_172 = arith.constant 65535 : i32
      %and3A_173 = vector.broadcast %and3A_172 : i32 to vector<16xi32>
      %and3A_174 = arith.andi %get3A_171, %and3A_173 : vector<16xi32>
      %swap3A_175 = arith.constant 48 : index
      %swap3A_176 = tpu.vector_load %arg11[%swap3A_175] {strides = array<i32>} : memref<128xi32, #tpu.memory_space<vmem>>, vector<16xi32>,
      tpu.vector_store %arg11[%swap3A_175], %and3A_174 {strides = array<i32>} : memref<128xi32, #tpu.memory_space<vmem>>, vector<16xi32>,
      %shift_right_logical3A_177 = arith.constant 16 : i32
      %shift_right_logical3A_178 = vector.broadcast %shift_right_logical3A_177 : i32 to vector<16xi32>
      %shift_right_logical3A_179 = arith.shrui %get3A_171, %shift_right_logical3A_178 : vector<16xi32>
      %swap3A_180 = arith.constant 48 : index
      %swap3A_181 = tpu.vector_load %arg13[%swap3A_180] {strides = array<i32>} : memref<128xi32, #tpu.memory_space<vmem>>, vector<16xi32>,
      tpu.vector_store %arg13[%swap3A_180], %shift_right_logical3A_179 {strides = array<i32>} : memref<128xi32, #tpu.memory_space<vmem>>, vector<16xi32>,
      %get3A_182 = arith.index_cast %add3A_129 : i32 to index
      %get3A_183 = arith.constant 64 : index
      %get3A_184 = tpu.vector_load %arg9[%get3A_182, %get3A_183] {strides = array<i32>} : memref<160x128xi32, #tpu.memory_space<vmem>>, vector<16xi32>,
      %and3A_185 = arith.constant 65535 : i32
      %and3A_186 = vector.broadcast %and3A_185 : i32 to vector<16xi32>
      %and3A_187 = arith.andi %get3A_184, %and3A_186 : vector<16xi32>
      %swap3A_188 = arith.constant 64 : index
      %swap3A_189 = tpu.vector_load %arg11[%swap3A_188] {strides = array<i32>} : memref<128xi32, #tpu.memory_space<vmem>>, vector<16xi32>,
      tpu.vector_store %arg11[%swap3A_188], %and3A_187 {strides = array<i32>} : memref<128xi32, #tpu.memory_space<vmem>>, vector<16xi32>,
      %shift_right_logical3A_190 = arith.constant 16 : i32
      %shift_right_logical3A_191 = vector.broadcast %shift_right_logical3A_190 : i32 to vector<16xi32>
      %shift_right_logical3A_192 = arith.shrui %get3A_184, %shift_right_logical3A_191 : vector<16xi32>
      %swap3A_193 = arith.constant 64 : index
      %swap3A_194 = tpu.vector_load %arg13[%swap3A_193] {strides = array<i32>} : memref<128xi32, #tpu.memory_space<vmem>>, vector<16xi32>,
      tpu.vector_store %arg13[%swap3A_193], %shift_right_logical3A_192 {strides = array<i32>} : memref<128xi32, #tpu.memory_space<vmem>>, vector<16xi32>,
      %get3A_195 = arith.index_cast %add3A_129 : i32 to index
      %get3A_196 = arith.constant 80 : index
      %get3A_197 = tpu.vector_load %arg9[%get3A_195, %get3A_196] {strides = array<i32>} : memref<160x128xi32, #tpu.memory_space<vmem>>, vector<16xi32>,
      %and3A_198 = arith.constant 65535 : i32
      %and3A_199 = vector.broadcast %and3A_198 : i32 to vector<16xi32>
      %and3A_200 = arith.andi %get3A_197, %and3A_199 : vector<16xi32>
      %swap3A_201 = arith.constant 80 : index
      %swap3A_202 = tpu.vector_load %arg11[%swap3A_201] {strides = array<i32>} : memref<128xi32, #tpu.memory_space<vmem>>, vector<16xi32>,
      tpu.vector_store %arg11[%swap3A_201], %and3A_200 {strides = array<i32>} : memref<128xi32, #tpu.memory_space<vmem>>, vector<16xi32>,
      %shift_right_logical3A_203 = arith.constant 16 : i32
      %shift_right_logical3A_204 = vector.broadcast %shift_right_logical3A_203 : i32 to vector<16xi32>
      %shift_right_logical3A_205 = arith.shrui %get3A_197, %shift_right_logical3A_204 : vector<16xi32>
      %swap3A_206 = arith.constant 80 : index
      %swap3A_207 = tpu.vector_load %arg13[%swap3A_206] {strides = array<i32>} : memref<128xi32, #tpu.memory_space<vmem>>, vector<16xi32>,
      tpu.vector_store %arg13[%swap3A_206], %shift_right_logical3A_205 {strides = array<i32>} : memref<128xi32, #tpu.memory_space<vmem>>, vector<16xi32>,
      %get3A_208 = arith.index_cast %add3A_129 : i32 to index
      %get3A_209 = arith.constant 96 : index
      %get3A_210 = tpu.vector_load %arg9[%get3A_208, %get3A_209] {strides = array<i32>} : memref<160x128xi32, #tpu.memory_space<vmem>>, vector<16xi32>,
      %and3A_211 = arith.constant 65535 : i32
      %and3A_212 = vector.broadcast %and3A_211 : i32 to vector<16xi32>
      %and3A_213 = arith.andi %get3A_210, %and3A_212 : vector<16xi32>
      %swap3A_214 = arith.constant 96 : index
      %swap3A_215 = tpu.vector_load %arg11[%swap3A_214] {strides = array<i32>} : memref<128xi32, #tpu.memory_space<vmem>>, vector<16xi32>,
      tpu.vector_store %arg11[%swap3A_214], %and3A_213 {strides = array<i32>} : memref<128xi32, #tpu.memory_space<vmem>>, vector<16xi32>,
      %shift_right_logical3A_216 = arith.constant 16 : i32
      %shift_right_logical3A_217 = vector.broadcast %shift_right_logical3A_216 : i32 to vector<16xi32>
      %shift_right_logical3A_218 = arith.shrui %get3A_210, %shift_right_logical3A_217 : vector<16xi32>
      %swap3A_219 = arith.constant 96 : index
      %swap3A_220 = tpu.vector_load %arg13[%swap3A_219] {strides = array<i32>} : memref<128xi32, #tpu.memory_space<vmem>>, vector<16xi32>,
      tpu.vector_store %arg13[%swap3A_219], %shift_right_logical3A_218 {strides = array<i32>} : memref<128xi32, #tpu.memory_space<vmem>>, vector<16xi32>,
      %get3A_221 = arith.index_cast %add3A_129 : i32 to index
      %get3A_222 = arith.constant 112 : index
      %get3A_223 = tpu.vector_load %arg9[%get3A_221, %get3A_222] {strides = array<i32>} : memref<160x128xi32, #tpu.memory_space<vmem>>, vector<16xi32>,
      %and3A_224 = arith.constant 65535 : i32
      %and3A_225 = vector.broadcast %and3A_224 : i32 to vector<16xi32>
      %and3A_226 = arith.andi %get3A_223, %and3A_225 : vector<16xi32>
      %swap3A_227 = arith.constant 112 : index
      %swap3A_228 = tpu.vector_load %arg11[%swap3A_227] {strides = array<i32>} : memref<128xi32, #tpu.memory_space<vmem>>, vector<16xi32>,
      tpu.vector_store %arg11[%swap3A_227], %and3A_226 {strides = array<i32>} : memref<128xi32, #tpu.memory_space<vmem>>, vector<16xi32>,
      %shift_right_logical3A_229 = arith.constant 16 : i32
      %shift_right_logical3A_230 = vector.broadcast %shift_right_logical3A_229 : i32 to vector<16xi32>
      %shift_right_logical3A_231 = arith.shrui %get3A_223, %shift_right_logical3A_230 : vector<16xi32>
      %swap3A_232 = arith.constant 112 : index
      %swap3A_233 = tpu.vector_load %arg13[%swap3A_232] {strides = array<i32>} : memref<128xi32, #tpu.memory_space<vmem>>, vector<16xi32>,
      tpu.vector_store %arg13[%swap3A_232], %shift_right_logical3A_231 {strides = array<i32>} : memref<128xi32, #tpu.memory_space<vmem>>, vector<16xi32>,
      %dma_start3A_234 = arith.constant 0 : i32
      %dma_start3A_235 = arith.constant 0 : i32
      %dma_start3A_236 = tpu.memref_slice %arg7[%dma_start3A_234, %dma_start3A_235] : memref<10240x64xf32, #tpu.memory_space<vmem_shared>> -> memref<10240x64xf32, #tpu.memory_space<vmem_shared>>
      tpu.enqueue_indirect_dma source(%dma_start3A_236 : memref<10240x64xf32, #tpu.memory_space<vmem_shared>>) target(%arg15 : memref<128x64xf32, #tpu.memory_space<vmem>>) offsets(%arg11 : memref<128xi32, #tpu.memory_space<vmem>>) semaphore(%arg17 : memref<!tpu.dma_semaphore, #tpu.memory_space<semaphore_mem>>)
      %dma_wait3A = arith.constant 0 : i32
      %dma_wait3A_237 = arith.constant 0 : i32
      %dma_wait3A_238 = tpu.memref_slice %arg7[%dma_wait3A, %dma_wait3A_237] : memref<10240x64xf32, #tpu.memory_space<vmem_shared>> -> memref<10240x64xf32, #tpu.memory_space<vmem_shared>>
      tpu.wait_indirect_dma semaphore(%arg16 : memref<!tpu.dma_semaphore, #tpu.memory_space<semaphore_mem>>) src(%dma_wait3A_238 : memref<10240x64xf32, #tpu.memory_space<vmem_shared>>) dst(%arg14 : memref<128x64xf32, #tpu.memory_space<vmem>>)
      "tpu.region"() ({
        %run_scoped3A = tpu.sem_alloc : memref<!tpu.dma_semaphore, #tpu.memory_space<semaphore_mem>>
        %dma_start3A_248 = arith.constant 0 : i32
        %dma_start3A_249 = arith.constant 0 : i32
        %dma_start3A_250 = tpu.memref_slice %arg8[%dma_start3A_248, %dma_start3A_249] : memref<10240x64xf32, #tpu.memory_space<vmem_shared>> -> memref<10240x64xf32, #tpu.memory_space<vmem_shared>>
        tpu.enqueue_indirect_dma source(%arg14 : memref<128x64xf32, #tpu.memory_space<vmem>>) target(%dma_start3A_250 : memref<10240x64xf32, #tpu.memory_space<vmem_shared>>) offsets(%arg12 : memref<128xi32, #tpu.memory_space<vmem>>) semaphore(%run_scoped3A : memref<!tpu.dma_semaphore, #tpu.memory_space<semaphore_mem>>) {add = true}
        %dma_wait3A_251 = arith.constant 0 : i32
        %dma_wait3A_252 = arith.constant 0 : i32
        %dma_wait3A_253 = tpu.memref_slice %arg8[%dma_wait3A_251, %dma_wait3A_252] : memref<10240x64xf32, #tpu.memory_space<vmem_shared>> -> memref<10240x64xf32, #tpu.memory_space<vmem_shared>>
        tpu.wait_indirect_dma semaphore(%run_scoped3A : memref<!tpu.dma_semaphore, #tpu.memory_space<semaphore_mem>>) src(%arg14 : memref<128x64xf32, #tpu.memory_space<vmem>>) dst(%dma_wait3A_253 : memref<10240x64xf32, #tpu.memory_space<vmem_shared>>)
        tpu.yield
      }) : () -> ()
      %add3A_239 = arith.constant 2 : i32
      %add3A_240 = arith.addi %mul3A_128, %add3A_239 : i32
      %lt3A = arith.constant 160 : i32
      %lt3A_241 = arith.cmpi slt, %add3A_240, %lt3A : i32
      %convert_element_type3A_242 = arith.extui %lt3A_241 : i1 to i32
      %cond3A_243 = arith.constant 0 : i32
      %cond3A_244 = arith.cmpi ne, %convert_element_type3A_242, %cond3A_243 : i32
      scf.if %cond3A_244 {
        %add3A_248 = arith.constant 2 : i32
        %add3A_249 = arith.addi %mul3A_128, %add3A_248 : i32
        %get3A_250 = arith.index_cast %add3A_249 : i32 to index
        %get3A_251 = arith.constant 0 : index
        %get3A_252 = tpu.vector_load %arg9[%get3A_250, %get3A_251] {strides = array<i32>} : memref<160x128xi32, #tpu.memory_space<vmem>>, vector<16xi32>,
        %and3A_253 = arith.constant 65535 : i32
        %and3A_254 = vector.broadcast %and3A_253 : i32 to vector<16xi32>
        %and3A_255 = arith.andi %get3A_252, %and3A_254 : vector<16xi32>
        %swap3A_256 = arith.constant 0 : index
        %swap3A_257 = tpu.vector_load %arg10[%swap3A_256] {strides = array<i32>} : memref<128xi32, #tpu.memory_space<vmem>>, vector<16xi32>,
        tpu.vector_store %arg10[%swap3A_256], %and3A_255 {strides = array<i32>} : memref<128xi32, #tpu.memory_space<vmem>>, vector<16xi32>,
        %shift_right_logical3A_258 = arith.constant 16 : i32
        %shift_right_logical3A_259 = vector.broadcast %shift_right_logical3A_258 : i32 to vector<16xi32>
        %shift_right_logical3A_260 = arith.shrui %get3A_252, %shift_right_logical3A_259 : vector<16xi32>
        %swap3A_261 = arith.constant 0 : index
        %swap3A_262 = tpu.vector_load %arg12[%swap3A_261] {strides = array<i32>} : memref<128xi32, #tpu.memory_space<vmem>>, vector<16xi32>,
        tpu.vector_store %arg12[%swap3A_261], %shift_right_logical3A_260 {strides = array<i32>} : memref<128xi32, #tpu.memory_space<vmem>>, vector<16xi32>,
        %get3A_263 = arith.index_cast %add3A_249 : i32 to index
        %get3A_264 = arith.constant 16 : index
        %get3A_265 = tpu.vector_load %arg9[%get3A_263, %get3A_264] {strides = array<i32>} : memref<160x128xi32, #tpu.memory_space<vmem>>, vector<16xi32>,
        %and3A_266 = arith.constant 65535 : i32
        %and3A_267 = vector.broadcast %and3A_266 : i32 to vector<16xi32>
        %and3A_268 = arith.andi %get3A_265, %and3A_267 : vector<16xi32>
        %swap3A_269 = arith.constant 16 : index
        %swap3A_270 = tpu.vector_load %arg10[%swap3A_269] {strides = array<i32>} : memref<128xi32, #tpu.memory_space<vmem>>, vector<16xi32>,
        tpu.vector_store %arg10[%swap3A_269], %and3A_268 {strides = array<i32>} : memref<128xi32, #tpu.memory_space<vmem>>, vector<16xi32>,
        %shift_right_logical3A_271 = arith.constant 16 : i32
        %shift_right_logical3A_272 = vector.broadcast %shift_right_logical3A_271 : i32 to vector<16xi32>
        %shift_right_logical3A_273 = arith.shrui %get3A_265, %shift_right_logical3A_272 : vector<16xi32>
        %swap3A_274 = arith.constant 16 : index
        %swap3A_275 = tpu.vector_load %arg12[%swap3A_274] {strides = array<i32>} : memref<128xi32, #tpu.memory_space<vmem>>, vector<16xi32>,
        tpu.vector_store %arg12[%swap3A_274], %shift_right_logical3A_273 {strides = array<i32>} : memref<128xi32, #tpu.memory_space<vmem>>, vector<16xi32>,
        %get3A_276 = arith.index_cast %add3A_249 : i32 to index
        %get3A_277 = arith.constant 32 : index
        %get3A_278 = tpu.vector_load %arg9[%get3A_276, %get3A_277] {strides = array<i32>} : memref<160x128xi32, #tpu.memory_space<vmem>>, vector<16xi32>,
        %and3A_279 = arith.constant 65535 : i32
        %and3A_280 = vector.broadcast %and3A_279 : i32 to vector<16xi32>
        %and3A_281 = arith.andi %get3A_278, %and3A_280 : vector<16xi32>
        %swap3A_282 = arith.constant 32 : index
        %swap3A_283 = tpu.vector_load %arg10[%swap3A_282] {strides = array<i32>} : memref<128xi32, #tpu.memory_space<vmem>>, vector<16xi32>,
        tpu.vector_store %arg10[%swap3A_282], %and3A_281 {strides = array<i32>} : memref<128xi32, #tpu.memory_space<vmem>>, vector<16xi32>,
        %shift_right_logical3A_284 = arith.constant 16 : i32
        %shift_right_logical3A_285 = vector.broadcast %shift_right_logical3A_284 : i32 to vector<16xi32>
        %shift_right_logical3A_286 = arith.shrui %get3A_278, %shift_right_logical3A_285 : vector<16xi32>
        %swap3A_287 = arith.constant 32 : index
        %swap3A_288 = tpu.vector_load %arg12[%swap3A_287] {strides = array<i32>} : memref<128xi32, #tpu.memory_space<vmem>>, vector<16xi32>,
        tpu.vector_store %arg12[%swap3A_287], %shift_right_logical3A_286 {strides = array<i32>} : memref<128xi32, #tpu.memory_space<vmem>>, vector<16xi32>,
        %get3A_289 = arith.index_cast %add3A_249 : i32 to index
        %get3A_290 = arith.constant 48 : index
        %get3A_291 = tpu.vector_load %arg9[%get3A_289, %get3A_290] {strides = array<i32>} : memref<160x128xi32, #tpu.memory_space<vmem>>, vector<16xi32>,
        %and3A_292 = arith.constant 65535 : i32
        %and3A_293 = vector.broadcast %and3A_292 : i32 to vector<16xi32>
        %and3A_294 = arith.andi %get3A_291, %and3A_293 : vector<16xi32>
        %swap3A_295 = arith.constant 48 : index
        %swap3A_296 = tpu.vector_load %arg10[%swap3A_295] {strides = array<i32>} : memref<128xi32, #tpu.memory_space<vmem>>, vector<16xi32>,
        tpu.vector_store %arg10[%swap3A_295], %and3A_294 {strides = array<i32>} : memref<128xi32, #tpu.memory_space<vmem>>, vector<16xi32>,
        %shift_right_logical3A_297 = arith.constant 16 : i32
        %shift_right_logical3A_298 = vector.broadcast %shift_right_logical3A_297 : i32 to vector<16xi32>
        %shift_right_logical3A_299 = arith.shrui %get3A_291, %shift_right_logical3A_298 : vector<16xi32>
        %swap3A_300 = arith.constant 48 : index
        %swap3A_301 = tpu.vector_load %arg12[%swap3A_300] {strides = array<i32>} : memref<128xi32, #tpu.memory_space<vmem>>, vector<16xi32>,
        tpu.vector_store %arg12[%swap3A_300], %shift_right_logical3A_299 {strides = array<i32>} : memref<128xi32, #tpu.memory_space<vmem>>, vector<16xi32>,
        %get3A_302 = arith.index_cast %add3A_249 : i32 to index
        %get3A_303 = arith.constant 64 : index
        %get3A_304 = tpu.vector_load %arg9[%get3A_302, %get3A_303] {strides = array<i32>} : memref<160x128xi32, #tpu.memory_space<vmem>>, vector<16xi32>,
        %and3A_305 = arith.constant 65535 : i32
        %and3A_306 = vector.broadcast %and3A_305 : i32 to vector<16xi32>
        %and3A_307 = arith.andi %get3A_304, %and3A_306 : vector<16xi32>
        %swap3A_308 = arith.constant 64 : index
        %swap3A_309 = tpu.vector_load %arg10[%swap3A_308] {strides = array<i32>} : memref<128xi32, #tpu.memory_space<vmem>>, vector<16xi32>,
        tpu.vector_store %arg10[%swap3A_308], %and3A_307 {strides = array<i32>} : memref<128xi32, #tpu.memory_space<vmem>>, vector<16xi32>,
        %shift_right_logical3A_310 = arith.constant 16 : i32
        %shift_right_logical3A_311 = vector.broadcast %shift_right_logical3A_310 : i32 to vector<16xi32>
        %shift_right_logical3A_312 = arith.shrui %get3A_304, %shift_right_logical3A_311 : vector<16xi32>
        %swap3A_313 = arith.constant 64 : index
        %swap3A_314 = tpu.vector_load %arg12[%swap3A_313] {strides = array<i32>} : memref<128xi32, #tpu.memory_space<vmem>>, vector<16xi32>,
        tpu.vector_store %arg12[%swap3A_313], %shift_right_logical3A_312 {strides = array<i32>} : memref<128xi32, #tpu.memory_space<vmem>>, vector<16xi32>,
        %get3A_315 = arith.index_cast %add3A_249 : i32 to index
        %get3A_316 = arith.constant 80 : index
        %get3A_317 = tpu.vector_load %arg9[%get3A_315, %get3A_316] {strides = array<i32>} : memref<160x128xi32, #tpu.memory_space<vmem>>, vector<16xi32>,
        %and3A_318 = arith.constant 65535 : i32
        %and3A_319 = vector.broadcast %and3A_318 : i32 to vector<16xi32>
        %and3A_320 = arith.andi %get3A_317, %and3A_319 : vector<16xi32>
        %swap3A_321 = arith.constant 80 : index
        %swap3A_322 = tpu.vector_load %arg10[%swap3A_321] {strides = array<i32>} : memref<128xi32, #tpu.memory_space<vmem>>, vector<16xi32>,
        tpu.vector_store %arg10[%swap3A_321], %and3A_320 {strides = array<i32>} : memref<128xi32, #tpu.memory_space<vmem>>, vector<16xi32>,
        %shift_right_logical3A_323 = arith.constant 16 : i32
        %shift_right_logical3A_324 = vector.broadcast %shift_right_logical3A_323 : i32 to vector<16xi32>
        %shift_right_logical3A_325 = arith.shrui %get3A_317, %shift_right_logical3A_324 : vector<16xi32>
        %swap3A_326 = arith.constant 80 : index
        %swap3A_327 = tpu.vector_load %arg12[%swap3A_326] {strides = array<i32>} : memref<128xi32, #tpu.memory_space<vmem>>, vector<16xi32>,
        tpu.vector_store %arg12[%swap3A_326], %shift_right_logical3A_325 {strides = array<i32>} : memref<128xi32, #tpu.memory_space<vmem>>, vector<16xi32>,
        %get3A_328 = arith.index_cast %add3A_249 : i32 to index
        %get3A_329 = arith.constant 96 : index
        %get3A_330 = tpu.vector_load %arg9[%get3A_328, %get3A_329] {strides = array<i32>} : memref<160x128xi32, #tpu.memory_space<vmem>>, vector<16xi32>,
        %and3A_331 = arith.constant 65535 : i32
        %and3A_332 = vector.broadcast %and3A_331 : i32 to vector<16xi32>
        %and3A_333 = arith.andi %get3A_330, %and3A_332 : vector<16xi32>
        %swap3A_334 = arith.constant 96 : index
        %swap3A_335 = tpu.vector_load %arg10[%swap3A_334] {strides = array<i32>} : memref<128xi32, #tpu.memory_space<vmem>>, vector<16xi32>,
        tpu.vector_store %arg10[%swap3A_334], %and3A_333 {strides = array<i32>} : memref<128xi32, #tpu.memory_space<vmem>>, vector<16xi32>,
        %shift_right_logical3A_336 = arith.constant 16 : i32
        %shift_right_logical3A_337 = vector.broadcast %shift_right_logical3A_336 : i32 to vector<16xi32>
        %shift_right_logical3A_338 = arith.shrui %get3A_330, %shift_right_logical3A_337 : vector<16xi32>
        %swap3A_339 = arith.constant 96 : index
        %swap3A_340 = tpu.vector_load %arg12[%swap3A_339] {strides = array<i32>} : memref<128xi32, #tpu.memory_space<vmem>>, vector<16xi32>,
        tpu.vector_store %arg12[%swap3A_339], %shift_right_logical3A_338 {strides = array<i32>} : memref<128xi32, #tpu.memory_space<vmem>>, vector<16xi32>,
        %get3A_341 = arith.index_cast %add3A_249 : i32 to index
        %get3A_342 = arith.constant 112 : index
        %get3A_343 = tpu.vector_load %arg9[%get3A_341, %get3A_342] {strides = array<i32>} : memref<160x128xi32, #tpu.memory_space<vmem>>, vector<16xi32>,
        %and3A_344 = arith.constant 65535 : i32
        %and3A_345 = vector.broadcast %and3A_344 : i32 to vector<16xi32>
        %and3A_346 = arith.andi %get3A_343, %and3A_345 : vector<16xi32>
        %swap3A_347 = arith.constant 112 : index
        %swap3A_348 = tpu.vector_load %arg10[%swap3A_347] {strides = array<i32>} : memref<128xi32, #tpu.memory_space<vmem>>, vector<16xi32>,
        tpu.vector_store %arg10[%swap3A_347], %and3A_346 {strides = array<i32>} : memref<128xi32, #tpu.memory_space<vmem>>, vector<16xi32>,
        %shift_right_logical3A_349 = arith.constant 16 : i32
        %shift_right_logical3A_350 = vector.broadcast %shift_right_logical3A_349 : i32 to vector<16xi32>
        %shift_right_logical3A_351 = arith.shrui %get3A_343, %shift_right_logical3A_350 : vector<16xi32>
        %swap3A_352 = arith.constant 112 : index
        %swap3A_353 = tpu.vector_load %arg12[%swap3A_352] {strides = array<i32>} : memref<128xi32, #tpu.memory_space<vmem>>, vector<16xi32>,
        tpu.vector_store %arg12[%swap3A_352], %shift_right_logical3A_351 {strides = array<i32>} : memref<128xi32, #tpu.memory_space<vmem>>, vector<16xi32>,
        %dma_start3A_354 = arith.constant 0 : i32
        %dma_start3A_355 = arith.constant 0 : i32
        %dma_start3A_356 = tpu.memref_slice %arg7[%dma_start3A_354, %dma_start3A_355] : memref<10240x64xf32, #tpu.memory_space<vmem_shared>> -> memref<10240x64xf32, #tpu.memory_space<vmem_shared>>
        tpu.enqueue_indirect_dma source(%dma_start3A_356 : memref<10240x64xf32, #tpu.memory_space<vmem_shared>>) target(%arg14 : memref<128x64xf32, #tpu.memory_space<vmem>>) offsets(%arg10 : memref<128xi32, #tpu.memory_space<vmem>>) semaphore(%arg16 : memref<!tpu.dma_semaphore, #tpu.memory_space<semaphore_mem>>)
      } else {
      }
      %dma_wait3A_245 = arith.constant 0 : i32
      %dma_wait3A_246 = arith.constant 0 : i32
      %dma_wait3A_247 = tpu.memref_slice %arg7[%dma_wait3A_245, %dma_wait3A_246] : memref<10240x64xf32, #tpu.memory_space<vmem_shared>> -> memref<10240x64xf32, #tpu.memory_space<vmem_shared>>
      tpu.wait_indirect_dma semaphore(%arg17 : memref<!tpu.dma_semaphore, #tpu.memory_space<semaphore_mem>>) src(%dma_wait3A_247 : memref<10240x64xf32, #tpu.memory_space<vmem_shared>>) dst(%arg15 : memref<128x64xf32, #tpu.memory_space<vmem>>)
      "tpu.region"() ({
        %run_scoped3A = tpu.sem_alloc : memref<!tpu.dma_semaphore, #tpu.memory_space<semaphore_mem>>
        %dma_start3A_248 = arith.constant 0 : i32
        %dma_start3A_249 = arith.constant 0 : i32
        %dma_start3A_250 = tpu.memref_slice %arg8[%dma_start3A_248, %dma_start3A_249] : memref<10240x64xf32, #tpu.memory_space<vmem_shared>> -> memref<10240x64xf32, #tpu.memory_space<vmem_shared>>
        tpu.enqueue_indirect_dma source(%arg15 : memref<128x64xf32, #tpu.memory_space<vmem>>) target(%dma_start3A_250 : memref<10240x64xf32, #tpu.memory_space<vmem_shared>>) offsets(%arg13 : memref<128xi32, #tpu.memory_space<vmem>>) semaphore(%run_scoped3A : memref<!tpu.dma_semaphore, #tpu.memory_space<semaphore_mem>>) {add = true}
        %dma_wait3A_251 = arith.constant 0 : i32
        %dma_wait3A_252 = arith.constant 0 : i32
        %dma_wait3A_253 = tpu.memref_slice %arg8[%dma_wait3A_251, %dma_wait3A_252] : memref<10240x64xf32, #tpu.memory_space<vmem_shared>> -> memref<10240x64xf32, #tpu.memory_space<vmem_shared>>
        tpu.wait_indirect_dma semaphore(%run_scoped3A : memref<!tpu.dma_semaphore, #tpu.memory_space<semaphore_mem>>) src(%arg15 : memref<128x64xf32, #tpu.memory_space<vmem>>) dst(%dma_wait3A_253 : memref<10240x64xf32, #tpu.memory_space<vmem_shared>>)
        tpu.yield
      }) : () -> ()
    }
    %scan3A_124 = arith.constant 80 : i32
    %barrier3A_125 = arith.constant 0 : index
    tpu.barrier barrier_id(%barrier3A_125)
    "tpu.region"() ({
      %run_scoped3A = tpu.sem_alloc : memref<!tpu.dma_semaphore, #tpu.memory_space<semaphore_mem>>
      %dma_start3A_126 = arith.constant 0 : i32
      %dma_start3A_127 = tpu.memref_slice %arg6[%arg0, %mul3A_0, %dma_start3A_126] : memref<2x10240x64xf32, #tpu.memory_space<hbm>> -> memref<1x640x64xf32, #tpu.memory_space<hbm>>
      %dma_start3A_128 = tpu.memref_squeeze %dma_start3A_127 : memref<1x640x64xf32, #tpu.memory_space<hbm>> -> memref<640x64xf32, #tpu.memory_space<hbm>>
      %dma_start3A_129 = arith.constant 0 : i32
      %dma_start3A_130 = tpu.memref_slice %arg8[%mul3A_0, %dma_start3A_129] : memref<10240x64xf32, #tpu.memory_space<vmem_shared>> -> memref<640x64xf32, #tpu.memory_space<vmem_shared>>
      tpu.enqueue_dma source(%dma_start3A_130 : memref<640x64xf32, #tpu.memory_space<vmem_shared>>) target(%dma_start3A_128 : memref<640x64xf32, #tpu.memory_space<hbm>>) target_semaphore(%run_scoped3A : memref<!tpu.dma_semaphore, #tpu.memory_space<semaphore_mem>>)
      %dma_wait3A = arith.constant 0 : i32
      %dma_wait3A_131 = tpu.memref_slice %arg6[%arg0, %mul3A_0, %dma_wait3A] : memref<2x10240x64xf32, #tpu.memory_space<hbm>> -> memref<1x640x64xf32, #tpu.memory_space<hbm>>
      %dma_wait3A_132 = tpu.memref_squeeze %dma_wait3A_131 : memref<1x640x64xf32, #tpu.memory_space<hbm>> -> memref<640x64xf32, #tpu.memory_space<hbm>>
      %dma_wait3A_133 = arith.constant 0 : i32
      %dma_wait3A_134 = tpu.memref_slice %arg8[%mul3A_0, %dma_wait3A_133] : memref<10240x64xf32, #tpu.memory_space<vmem_shared>> -> memref<640x64xf32, #tpu.memory_space<vmem_shared>>
      tpu.wait_dma2 semaphore(%run_scoped3A : memref<!tpu.dma_semaphore, #tpu.memory_space<semaphore_mem>>) src(%dma_wait3A_134 : memref<640x64xf32, #tpu.memory_space<vmem_shared>>) dst(%dma_wait3A_132 : memref<640x64xf32, #tpu.memory_space<hbm>>)
      tpu.yield
    }) : () -> ()
    return
  }
}

module attributes {stable_mosaic.version = 14 : i64} {
  func.func @body(%arg0: i32, %arg1: memref<5120x1xf32, #tpu.memory_space<vmem>>, %arg2: memref<5120x1xf32, #tpu.memory_space<vmem>>, %arg3: memref<5120x128xf32, #tpu.memory_space<vmem>>, %arg4: memref<5120x1xf32, #tpu.memory_space<vmem>>, %arg5: memref<5120x64xf32, #tpu.memory_space<vmem>>, %arg6: memref<5120x64xf32, #tpu.memory_space<vmem>>) attributes {dimension_semantics = [#tpu.dimension_semantics<arbitrary>], iteration_bounds = array<i64: 2>, scalar_prefetch = 0 : i64, scratch_operands = 0 : i64, tpu.core_type = #tpu.core_type<tc>, window_params = [{transform_indices = @transform_0, window_bounds = array<i64: 5120, 1>}, {transform_indices = @transform_1, window_bounds = array<i64: 5120, 1>}, {transform_indices = @transform_2, window_bounds = array<i64: 5120, 128>}, {transform_indices = @transform_3, window_bounds = array<i64: 5120, 1>}, {transform_indices = @transform_4, window_bounds = array<i64: 5120, 64>}, {transform_indices = @transform_5, window_bounds = array<i64: 5120, 64>}]} {
    %get3A = arith.constant 0 : index
    %get3A_0 = arith.constant 0 : index
    %get3A_1 = vector.load %arg1[%get3A, %get3A_0] : memref<5120x1xf32, #tpu.memory_space<vmem>>, vector<5120x1xf32>
    %get3A_2 = arith.constant 0 : index
    %get3A_3 = arith.constant 0 : index
    %get3A_4 = vector.load %arg2[%get3A_2, %get3A_3] : memref<5120x1xf32, #tpu.memory_space<vmem>>, vector<5120x1xf32>
    %add3A = arith.addf %get3A_1, %get3A_4 : vector<5120x1xf32>
    %add3A_5 = arith.constant 1.000000e+00 : f32
    %add3A_6 = vector.broadcast %add3A_5 : f32 to vector<5120x1xf32>
    %add3A_7 = arith.addf %add3A, %add3A_6 : vector<5120x1xf32>
    %max3A = arith.constant 1.000000e+00 : f32
    %max3A_8 = vector.broadcast %max3A : f32 to vector<5120x1xf32>
    %max3A_9 = arith.maximumf %add3A_7, %max3A_8 : vector<5120x1xf32>
    %sqrt3A = math.sqrt %max3A_9 : vector<5120x1xf32>
    %div3A = arith.constant 1.000000e+00 : f32
    %div3A_10 = vector.broadcast %div3A : f32 to vector<5120x1xf32>
    %div3A_11 = arith.divf %div3A_10, %sqrt3A : vector<5120x1xf32>
    %swap3A = arith.constant 0 : index
    %swap3A_12 = arith.constant 0 : index
    %swap3A_13 = vector.load %arg4[%swap3A, %swap3A_12] : memref<5120x1xf32, #tpu.memory_space<vmem>>, vector<5120x1xf32>
    tpu.vector_store %arg4[%swap3A, %swap3A_12], %div3A_11 {strides = array<i32>} : memref<5120x1xf32, #tpu.memory_space<vmem>>, vector<5120x1xf32>,
    %get3A_14 = arith.constant 0 : index
    %get3A_15 = arith.constant 0 : index
    %get3A_16 = vector.load %arg3[%get3A_14, %get3A_15] : memref<5120x128xf32, #tpu.memory_space<vmem>>, vector<5120x128xf32>
    %mul3A = vector.broadcast %div3A_11 : vector<5120x1xf32> to vector<5120x128xf32>
    %mul3A_17 = arith.mulf %get3A_16, %mul3A : vector<5120x128xf32>
    %slice3A = vector.extract_strided_slice %mul3A_17 {offsets = [0, 0], sizes = [5120, 64], strides = [1, 1]} : vector<5120x128xf32> to vector<5120x64xf32>
    %swap3A_18 = arith.constant 0 : index
    %swap3A_19 = arith.constant 0 : index
    %swap3A_20 = vector.load %arg5[%swap3A_18, %swap3A_19] : memref<5120x64xf32, #tpu.memory_space<vmem>>, vector<5120x64xf32>
    tpu.vector_store %arg5[%swap3A_18, %swap3A_19], %slice3A {strides = array<i32>} : memref<5120x64xf32, #tpu.memory_space<vmem>>, vector<5120x64xf32>,
    %slice3A_21 = vector.extract_strided_slice %mul3A_17 {offsets = [0, 64], sizes = [5120, 64], strides = [1, 1]} : vector<5120x128xf32> to vector<5120x64xf32>
    %swap3A_22 = arith.constant 0 : index
    %swap3A_23 = arith.constant 0 : index
    %swap3A_24 = vector.load %arg6[%swap3A_22, %swap3A_23] : memref<5120x64xf32, #tpu.memory_space<vmem>>, vector<5120x64xf32>
    tpu.vector_store %arg6[%swap3A_22, %swap3A_23], %slice3A_21 {strides = array<i32>} : memref<5120x64xf32, #tpu.memory_space<vmem>>, vector<5120x64xf32>,
    return
  }
  func.func @transform_0(%arg0: i32) -> (i32, i32) {
    %c0_i32 = arith.constant 0 : i32
    %c0_i32_0 = arith.constant 0 : i32
    return %arg0, %c0_i32 : i32, i32
  }
  func.func @transform_1(%arg0: i32) -> (i32, i32) {
    %c0_i32 = arith.constant 0 : i32
    %c0_i32_0 = arith.constant 0 : i32
    return %arg0, %c0_i32 : i32, i32
  }
  func.func @transform_2(%arg0: i32) -> (i32, i32) {
    %c0_i32 = arith.constant 0 : i32
    %c0_i32_0 = arith.constant 0 : i32
    return %arg0, %c0_i32 : i32, i32
  }
  func.func @transform_3(%arg0: i32) -> (i32, i32) {
    %c0_i32 = arith.constant 0 : i32
    %c0_i32_0 = arith.constant 0 : i32
    return %arg0, %c0_i32 : i32, i32
  }
  func.func @transform_4(%arg0: i32) -> (i32, i32) {
    %c0_i32 = arith.constant 0 : i32
    %c0_i32_0 = arith.constant 0 : i32
    return %arg0, %c0_i32 : i32, i32
  }
  func.func @transform_5(%arg0: i32) -> (i32, i32) {
    %c0_i32 = arith.constant 0 : i32
    %c0_i32_0 = arith.constant 0 : i32
    return %arg0, %c0_i32 : i32, i32
  }
}

module attributes {stable_mosaic.version = 14 : i64} {
  func.func @body(%arg0: i32, %arg1: memref<2x5120x64xf32, #tpu.memory_space<vmem>>, %arg2: memref<5120x64xf32, #tpu.memory_space<vmem>>, %arg3: memref<5120x64xf32, #tpu.memory_space<vmem>>, %arg4: memref<5120x1xf32, #tpu.memory_space<vmem>>, %arg5: memref<64x180xf32, #tpu.memory_space<vmem>>, %arg6: memref<64x180xf32, #tpu.memory_space<vmem>>, %arg7: memref<1x180xf32, #tpu.memory_space<vmem>>, %arg8: memref<180x64xf32, #tpu.memory_space<vmem>>, %arg9: memref<180x64xf32, #tpu.memory_space<vmem>>, %arg10: memref<5120x64xf32, #tpu.memory_space<vmem>>, %arg11: memref<5120x64xf32, #tpu.memory_space<vmem>>) attributes {dimension_semantics = [#tpu.dimension_semantics<arbitrary>], iteration_bounds = array<i64: 2>, scalar_prefetch = 0 : i64, scratch_operands = 0 : i64, tpu.core_type = #tpu.core_type<tc>, window_params = [{transform_indices = @transform_0, window_bounds = array<i64: 2, 5120, 64>}, {transform_indices = @transform_1, window_bounds = array<i64: 5120, 64>}, {transform_indices = @transform_2, window_bounds = array<i64: 5120, 64>}, {transform_indices = @transform_3, window_bounds = array<i64: 5120, 1>}, {pipeline_mode = #tpu.pipeline_mode<synchronous>, transform_indices = @transform_4, window_bounds = array<i64: 64, 180>}, {pipeline_mode = #tpu.pipeline_mode<synchronous>, transform_indices = @transform_5, window_bounds = array<i64: 64, 180>}, {pipeline_mode = #tpu.pipeline_mode<synchronous>, transform_indices = @transform_6, window_bounds = array<i64: 1, 180>}, {pipeline_mode = #tpu.pipeline_mode<synchronous>, transform_indices = @transform_7, window_bounds = array<i64: 180, 64>}, {pipeline_mode = #tpu.pipeline_mode<synchronous>, transform_indices = @transform_8, window_bounds = array<i64: 180, 64>}, {transform_indices = @transform_9, window_bounds = array<i64: 5120, 64>}, {transform_indices = @transform_10, window_bounds = array<i64: 5120, 64>}]} {
    %get3A = arith.constant 0 : index
    %get3A_0 = arith.constant 0 : index
    %get3A_1 = vector.load %arg4[%get3A, %get3A_0] : memref<5120x1xf32, #tpu.memory_space<vmem>>, vector<5120x1xf32>
    %get3A_2 = arith.constant 0 : index
    %get3A_3 = arith.constant 0 : index
    %get3A_4 = arith.constant 0 : index
    %get3A_5 = vector.load %arg1[%get3A_2, %get3A_3, %get3A_4] : memref<2x5120x64xf32, #tpu.memory_space<vmem>>, vector<2x5120x64xf32>
    %slice3A = vector.extract_strided_slice %get3A_5 {offsets = [0, 0, 0], sizes = [1, 5120, 64], strides = [1, 1, 1]} : vector<2x5120x64xf32> to vector<1x5120x64xf32>
    %squeeze3A = vector.shape_cast %slice3A : vector<1x5120x64xf32> to vector<5120x64xf32>
    %get3A_6 = arith.constant 0 : index
    %get3A_7 = arith.constant 0 : index
    %get3A_8 = vector.load %arg2[%get3A_6, %get3A_7] : memref<5120x64xf32, #tpu.memory_space<vmem>>, vector<5120x64xf32>
    %add3A = arith.addf %squeeze3A, %get3A_8 : vector<5120x64xf32>
    %mul3A = vector.broadcast %get3A_1 : vector<5120x1xf32> to vector<5120x64xf32>
    %mul3A_9 = arith.mulf %add3A, %mul3A : vector<5120x64xf32>
    %slice3A_10 = vector.extract_strided_slice %get3A_5 {offsets = [1, 0, 0], sizes = [1, 5120, 64], strides = [1, 1, 1]} : vector<2x5120x64xf32> to vector<1x5120x64xf32>
    %squeeze3A_11 = vector.shape_cast %slice3A_10 : vector<1x5120x64xf32> to vector<5120x64xf32>
    %get3A_12 = arith.constant 0 : index
    %get3A_13 = arith.constant 0 : index
    %get3A_14 = vector.load %arg3[%get3A_12, %get3A_13] : memref<5120x64xf32, #tpu.memory_space<vmem>>, vector<5120x64xf32>
    %add3A_15 = arith.addf %squeeze3A_11, %get3A_14 : vector<5120x64xf32>
    %mul3A_16 = vector.broadcast %get3A_1 : vector<5120x1xf32> to vector<5120x64xf32>
    %mul3A_17 = arith.mulf %add3A_15, %mul3A_16 : vector<5120x64xf32>
    %get3A_18 = arith.constant 0 : index
    %get3A_19 = arith.constant 0 : index
    %get3A_20 = vector.load %arg5[%get3A_18, %get3A_19] : memref<64x180xf32, #tpu.memory_space<vmem>>, vector<64x180xf32>
    %dot_general3A = arith.constant dense<0.000000e+00> : vector<5120x180xf32>
    %dot_general3A_21 = tpu.matmul %mul3A_9, %get3A_20, %dot_general3A {dimension_numbers = #tpu.dot_dimension_numbers<[1], [0], [0], [1], [0, 0, 1, 1], [], []>, transpose_lhs_hint = false} : vector<5120x64xf32>, vector<64x180xf32>, vector<5120x180xf32> -> vector<5120x180xf32>
    %get3A_22 = arith.constant 0 : index
    %get3A_23 = arith.constant 0 : index
    %get3A_24 = vector.load %arg6[%get3A_22, %get3A_23] : memref<64x180xf32, #tpu.memory_space<vmem>>, vector<64x180xf32>
    %dot_general3A_25 = arith.constant dense<0.000000e+00> : vector<5120x180xf32>
    %dot_general3A_26 = tpu.matmul %mul3A_17, %get3A_24, %dot_general3A_25 {dimension_numbers = #tpu.dot_dimension_numbers<[1], [0], [0], [1], [0, 0, 1, 1], [], []>, transpose_lhs_hint = false} : vector<5120x64xf32>, vector<64x180xf32>, vector<5120x180xf32> -> vector<5120x180xf32>
    %add3A_27 = arith.addf %dot_general3A_21, %dot_general3A_26 : vector<5120x180xf32>
    %get3A_28 = arith.constant 0 : index
    %get3A_29 = arith.constant 0 : index
    %get3A_30 = vector.load %arg7[%get3A_28, %get3A_29] : memref<1x180xf32, #tpu.memory_space<vmem>>, vector<1x180xf32>
    %add3A_31 = vector.broadcast %get3A_30 : vector<1x180xf32> to vector<5120x180xf32>
    %add3A_32 = arith.addf %add3A_27, %add3A_31 : vector<5120x180xf32>
    %gt3A = arith.constant 0.000000e+00 : f32
    %gt3A_33 = vector.broadcast %gt3A : f32 to vector<5120x180xf32>
    %gt3A_34 = arith.cmpf ogt, %add3A_32, %gt3A_33 : vector<5120x180xf32>
    %mul3A_35 = arith.constant 0.00999999977 : f32
    %mul3A_36 = vector.broadcast %mul3A_35 : f32 to vector<5120x180xf32>
    %mul3A_37 = arith.mulf %mul3A_36, %add3A_32 : vector<5120x180xf32>
    %select_n3A = arith.select %gt3A_34, %add3A_32, %mul3A_37 : vector<5120x180xi1>, vector<5120x180xf32>
    %get3A_38 = arith.constant 0 : index
    %get3A_39 = arith.constant 0 : index
    %get3A_40 = vector.load %arg8[%get3A_38, %get3A_39] : memref<180x64xf32, #tpu.memory_space<vmem>>, vector<180x64xf32>
    %dot_general3A_41 = arith.constant dense<0.000000e+00> : vector<5120x64xf32>
    %dot_general3A_42 = tpu.matmul %select_n3A, %get3A_40, %dot_general3A_41 {dimension_numbers = #tpu.dot_dimension_numbers<[1], [0], [0], [1], [0, 0, 1, 1], [], []>, transpose_lhs_hint = false} : vector<5120x180xf32>, vector<180x64xf32>, vector<5120x64xf32> -> vector<5120x64xf32>
    %get3A_43 = arith.constant 0 : index
    %get3A_44 = arith.constant 0 : index
    %get3A_45 = vector.load %arg9[%get3A_43, %get3A_44] : memref<180x64xf32, #tpu.memory_space<vmem>>, vector<180x64xf32>
    %dot_general3A_46 = arith.constant dense<0.000000e+00> : vector<5120x64xf32>
    %dot_general3A_47 = tpu.matmul %select_n3A, %get3A_45, %dot_general3A_46 {dimension_numbers = #tpu.dot_dimension_numbers<[1], [0], [0], [1], [0, 0, 1, 1], [], []>, transpose_lhs_hint = false} : vector<5120x180xf32>, vector<180x64xf32>, vector<5120x64xf32> -> vector<5120x64xf32>
    %mul3A_48 = vector.broadcast %get3A_1 : vector<5120x1xf32> to vector<5120x64xf32>
    %mul3A_49 = arith.mulf %dot_general3A_42, %mul3A_48 : vector<5120x64xf32>
    %swap3A = arith.constant 0 : index
    %swap3A_50 = arith.constant 0 : index
    %swap3A_51 = vector.load %arg10[%swap3A, %swap3A_50] : memref<5120x64xf32, #tpu.memory_space<vmem>>, vector<5120x64xf32>
    tpu.vector_store %arg10[%swap3A, %swap3A_50], %mul3A_49 {strides = array<i32>} : memref<5120x64xf32, #tpu.memory_space<vmem>>, vector<5120x64xf32>,
    %mul3A_52 = vector.broadcast %get3A_1 : vector<5120x1xf32> to vector<5120x64xf32>
    %mul3A_53 = arith.mulf %dot_general3A_47, %mul3A_52 : vector<5120x64xf32>
    %swap3A_54 = arith.constant 0 : index
    %swap3A_55 = arith.constant 0 : index
    %swap3A_56 = vector.load %arg11[%swap3A_54, %swap3A_55] : memref<5120x64xf32, #tpu.memory_space<vmem>>, vector<5120x64xf32>
    tpu.vector_store %arg11[%swap3A_54, %swap3A_55], %mul3A_53 {strides = array<i32>} : memref<5120x64xf32, #tpu.memory_space<vmem>>, vector<5120x64xf32>,
    return
  }
  func.func @transform_0(%arg0: i32) -> (i32, i32, i32) {
    %c0_i32 = arith.constant 0 : i32
    %c0_i32_0 = arith.constant 0 : i32
    %c0_i32_1 = arith.constant 0 : i32
    return %c0_i32, %arg0, %c0_i32_0 : i32, i32, i32
  }
  func.func @transform_1(%arg0: i32) -> (i32, i32) {
    %c0_i32 = arith.constant 0 : i32
    %c0_i32_0 = arith.constant 0 : i32
    return %arg0, %c0_i32 : i32, i32
  }
  func.func @transform_2(%arg0: i32) -> (i32, i32) {
    %c0_i32 = arith.constant 0 : i32
    %c0_i32_0 = arith.constant 0 : i32
    return %arg0, %c0_i32 : i32, i32
  }
  func.func @transform_3(%arg0: i32) -> (i32, i32) {
    %c0_i32 = arith.constant 0 : i32
    %c0_i32_0 = arith.constant 0 : i32
    return %arg0, %c0_i32 : i32, i32
  }
  func.func @transform_4(%arg0: i32) -> (i32, i32) {
    %c0_i32 = arith.constant 0 : i32
    %c0_i32_0 = arith.constant 0 : i32
    %c0_i32_1 = arith.constant 0 : i32
    return %c0_i32, %c0_i32_0 : i32, i32
  }
  func.func @transform_5(%arg0: i32) -> (i32, i32) {
    %c0_i32 = arith.constant 0 : i32
    %c0_i32_0 = arith.constant 0 : i32
    %c0_i32_1 = arith.constant 0 : i32
    return %c0_i32, %c0_i32_0 : i32, i32
  }
  func.func @transform_6(%arg0: i32) -> (i32, i32) {
    %c0_i32 = arith.constant 0 : i32
    %c0_i32_0 = arith.constant 0 : i32
    %c0_i32_1 = arith.constant 0 : i32
    return %c0_i32, %c0_i32_0 : i32, i32
  }
  func.func @transform_7(%arg0: i32) -> (i32, i32) {
    %c0_i32 = arith.constant 0 : i32
    %c0_i32_0 = arith.constant 0 : i32
    %c0_i32_1 = arith.constant 0 : i32
    return %c0_i32, %c0_i32_0 : i32, i32
  }
  func.func @transform_8(%arg0: i32) -> (i32, i32) {
    %c0_i32 = arith.constant 0 : i32
    %c0_i32_0 = arith.constant 0 : i32
    %c0_i32_1 = arith.constant 0 : i32
    return %c0_i32, %c0_i32_0 : i32, i32
  }
  func.func @transform_9(%arg0: i32) -> (i32, i32) {
    %c0_i32 = arith.constant 0 : i32
    %c0_i32_0 = arith.constant 0 : i32
    return %arg0, %c0_i32 : i32, i32
  }
  func.func @transform_10(%arg0: i32) -> (i32, i32) {
    %c0_i32 = arith.constant 0 : i32
    %c0_i32_0 = arith.constant 0 : i32
    return %arg0, %c0_i32 : i32, i32
  }
}

module attributes {stable_mosaic.version = 14 : i64} {
  func.func @body(%arg0: i32, %arg1: memref<2x5120x64xf32, #tpu.memory_space<vmem>>, %arg2: memref<5120x64xf32, #tpu.memory_space<vmem>>, %arg3: memref<5120x64xf32, #tpu.memory_space<vmem>>, %arg4: memref<5120x1xf32, #tpu.memory_space<vmem>>, %arg5: memref<1x64xf32, #tpu.memory_space<vmem>>, %arg6: memref<1x64xf32, #tpu.memory_space<vmem>>, %arg7: memref<64x40xf32, #tpu.memory_space<vmem>>, %arg8: memref<64x40xf32, #tpu.memory_space<vmem>>, %arg9: memref<1x40xf32, #tpu.memory_space<vmem>>, %arg10: memref<5120x40xf32, #tpu.memory_space<vmem>>) attributes {dimension_semantics = [#tpu.dimension_semantics<arbitrary>], iteration_bounds = array<i64: 2>, scalar_prefetch = 0 : i64, scratch_operands = 0 : i64, tpu.core_type = #tpu.core_type<tc>, window_params = [{transform_indices = @transform_0, window_bounds = array<i64: 2, 5120, 64>}, {transform_indices = @transform_1, window_bounds = array<i64: 5120, 64>}, {transform_indices = @transform_2, window_bounds = array<i64: 5120, 64>}, {transform_indices = @transform_3, window_bounds = array<i64: 5120, 1>}, {pipeline_mode = #tpu.pipeline_mode<synchronous>, transform_indices = @transform_4, window_bounds = array<i64: 1, 64>}, {pipeline_mode = #tpu.pipeline_mode<synchronous>, transform_indices = @transform_5, window_bounds = array<i64: 1, 64>}, {pipeline_mode = #tpu.pipeline_mode<synchronous>, transform_indices = @transform_6, window_bounds = array<i64: 64, 40>}, {pipeline_mode = #tpu.pipeline_mode<synchronous>, transform_indices = @transform_7, window_bounds = array<i64: 64, 40>}, {pipeline_mode = #tpu.pipeline_mode<synchronous>, transform_indices = @transform_8, window_bounds = array<i64: 1, 40>}, {transform_indices = @transform_9, window_bounds = array<i64: 5120, 40>}]} {
    %get3A = arith.constant 0 : index
    %get3A_0 = arith.constant 0 : index
    %get3A_1 = vector.load %arg4[%get3A, %get3A_0] : memref<5120x1xf32, #tpu.memory_space<vmem>>, vector<5120x1xf32>
    %get3A_2 = arith.constant 0 : index
    %get3A_3 = arith.constant 0 : index
    %get3A_4 = arith.constant 0 : index
    %get3A_5 = vector.load %arg1[%get3A_2, %get3A_3, %get3A_4] : memref<2x5120x64xf32, #tpu.memory_space<vmem>>, vector<2x5120x64xf32>
    %slice3A = vector.extract_strided_slice %get3A_5 {offsets = [0, 0, 0], sizes = [1, 5120, 64], strides = [1, 1, 1]} : vector<2x5120x64xf32> to vector<1x5120x64xf32>
    %squeeze3A = vector.shape_cast %slice3A : vector<1x5120x64xf32> to vector<5120x64xf32>
    %get3A_6 = arith.constant 0 : index
    %get3A_7 = arith.constant 0 : index
    %get3A_8 = vector.load %arg2[%get3A_6, %get3A_7] : memref<5120x64xf32, #tpu.memory_space<vmem>>, vector<5120x64xf32>
    %add3A = arith.addf %squeeze3A, %get3A_8 : vector<5120x64xf32>
    %mul3A = vector.broadcast %get3A_1 : vector<5120x1xf32> to vector<5120x64xf32>
    %mul3A_9 = arith.mulf %add3A, %mul3A : vector<5120x64xf32>
    %get3A_10 = arith.constant 0 : index
    %get3A_11 = arith.constant 0 : index
    %get3A_12 = vector.load %arg5[%get3A_10, %get3A_11] : memref<1x64xf32, #tpu.memory_space<vmem>>, vector<1x64xf32>
    %add3A_13 = vector.broadcast %get3A_12 : vector<1x64xf32> to vector<5120x64xf32>
    %add3A_14 = arith.addf %mul3A_9, %add3A_13 : vector<5120x64xf32>
    %slice3A_15 = vector.extract_strided_slice %get3A_5 {offsets = [1, 0, 0], sizes = [1, 5120, 64], strides = [1, 1, 1]} : vector<2x5120x64xf32> to vector<1x5120x64xf32>
    %squeeze3A_16 = vector.shape_cast %slice3A_15 : vector<1x5120x64xf32> to vector<5120x64xf32>
    %get3A_17 = arith.constant 0 : index
    %get3A_18 = arith.constant 0 : index
    %get3A_19 = vector.load %arg3[%get3A_17, %get3A_18] : memref<5120x64xf32, #tpu.memory_space<vmem>>, vector<5120x64xf32>
    %add3A_20 = arith.addf %squeeze3A_16, %get3A_19 : vector<5120x64xf32>
    %mul3A_21 = vector.broadcast %get3A_1 : vector<5120x1xf32> to vector<5120x64xf32>
    %mul3A_22 = arith.mulf %add3A_20, %mul3A_21 : vector<5120x64xf32>
    %get3A_23 = arith.constant 0 : index
    %get3A_24 = arith.constant 0 : index
    %get3A_25 = vector.load %arg6[%get3A_23, %get3A_24] : memref<1x64xf32, #tpu.memory_space<vmem>>, vector<1x64xf32>
    %add3A_26 = vector.broadcast %get3A_25 : vector<1x64xf32> to vector<5120x64xf32>
    %add3A_27 = arith.addf %mul3A_22, %add3A_26 : vector<5120x64xf32>
    %gt3A = arith.constant 0.000000e+00 : f32
    %gt3A_28 = vector.broadcast %gt3A : f32 to vector<5120x64xf32>
    %gt3A_29 = arith.cmpf ogt, %add3A_14, %gt3A_28 : vector<5120x64xf32>
    %mul3A_30 = arith.constant 0.00999999977 : f32
    %mul3A_31 = vector.broadcast %mul3A_30 : f32 to vector<5120x64xf32>
    %mul3A_32 = arith.mulf %mul3A_31, %add3A_14 : vector<5120x64xf32>
    %select_n3A = arith.select %gt3A_29, %add3A_14, %mul3A_32 : vector<5120x64xi1>, vector<5120x64xf32>
    %gt3A_33 = arith.constant 0.000000e+00 : f32
    %gt3A_34 = vector.broadcast %gt3A_33 : f32 to vector<5120x64xf32>
    %gt3A_35 = arith.cmpf ogt, %add3A_27, %gt3A_34 : vector<5120x64xf32>
    %mul3A_36 = arith.constant 0.00999999977 : f32
    %mul3A_37 = vector.broadcast %mul3A_36 : f32 to vector<5120x64xf32>
    %mul3A_38 = arith.mulf %mul3A_37, %add3A_27 : vector<5120x64xf32>
    %select_n3A_39 = arith.select %gt3A_35, %add3A_27, %mul3A_38 : vector<5120x64xi1>, vector<5120x64xf32>
    %get3A_40 = arith.constant 0 : index
    %get3A_41 = arith.constant 0 : index
    %get3A_42 = vector.load %arg7[%get3A_40, %get3A_41] : memref<64x40xf32, #tpu.memory_space<vmem>>, vector<64x40xf32>
    %dot_general3A = arith.constant dense<0.000000e+00> : vector<5120x40xf32>
    %dot_general3A_43 = tpu.matmul %select_n3A, %get3A_42, %dot_general3A {dimension_numbers = #tpu.dot_dimension_numbers<[1], [0], [0], [1], [0, 0, 1, 1], [], []>, transpose_lhs_hint = false} : vector<5120x64xf32>, vector<64x40xf32>, vector<5120x40xf32> -> vector<5120x40xf32>
    %get3A_44 = arith.constant 0 : index
    %get3A_45 = arith.constant 0 : index
    %get3A_46 = vector.load %arg8[%get3A_44, %get3A_45] : memref<64x40xf32, #tpu.memory_space<vmem>>, vector<64x40xf32>
    %dot_general3A_47 = arith.constant dense<0.000000e+00> : vector<5120x40xf32>
    %dot_general3A_48 = tpu.matmul %select_n3A_39, %get3A_46, %dot_general3A_47 {dimension_numbers = #tpu.dot_dimension_numbers<[1], [0], [0], [1], [0, 0, 1, 1], [], []>, transpose_lhs_hint = false} : vector<5120x64xf32>, vector<64x40xf32>, vector<5120x40xf32> -> vector<5120x40xf32>
    %add3A_49 = arith.addf %dot_general3A_43, %dot_general3A_48 : vector<5120x40xf32>
    %get3A_50 = arith.constant 0 : index
    %get3A_51 = arith.constant 0 : index
    %get3A_52 = vector.load %arg9[%get3A_50, %get3A_51] : memref<1x40xf32, #tpu.memory_space<vmem>>, vector<1x40xf32>
    %add3A_53 = vector.broadcast %get3A_52 : vector<1x40xf32> to vector<5120x40xf32>
    %add3A_54 = arith.addf %add3A_49, %add3A_53 : vector<5120x40xf32>
    %reduce_max3A = arith.constant dense<0xFF800000> : vector<5120xf32>
    %reduce_max3A_55 = vector.multi_reduction <maximumf>, %add3A_54, %reduce_max3A [1] : vector<5120x40xf32> to vector<5120xf32>
    %broadcast_in_dim3A = vector.shape_cast %reduce_max3A_55 : vector<5120xf32> to vector<5120x1xf32>
    %sub3A = vector.broadcast %broadcast_in_dim3A : vector<5120x1xf32> to vector<5120x40xf32>
    %sub3A_56 = arith.subf %add3A_54, %sub3A : vector<5120x40xf32>
    %exp3A = math.exp %sub3A_56 : vector<5120x40xf32>
    %reduce_sum3A = arith.constant dense<0.000000e+00> : vector<5120xf32>
    %reduce_sum3A_57 = vector.multi_reduction <add>, %exp3A, %reduce_sum3A [1] : vector<5120x40xf32> to vector<5120xf32>
    %broadcast_in_dim3A_58 = vector.shape_cast %reduce_sum3A_57 : vector<5120xf32> to vector<5120x1xf32>
    %log3A = math.log %broadcast_in_dim3A_58 : vector<5120x1xf32>
    %add3A_59 = arith.addf %log3A, %broadcast_in_dim3A : vector<5120x1xf32>
    %sub3A_60 = vector.broadcast %add3A_59 : vector<5120x1xf32> to vector<5120x40xf32>
    %sub3A_61 = arith.subf %add3A_54, %sub3A_60 : vector<5120x40xf32>
    %swap3A = arith.constant 0 : index
    %swap3A_62 = arith.constant 0 : index
    %swap3A_63 = vector.load %arg10[%swap3A, %swap3A_62] : memref<5120x40xf32, #tpu.memory_space<vmem>>, vector<5120x40xf32>
    tpu.vector_store %arg10[%swap3A, %swap3A_62], %sub3A_61 {strides = array<i32>} : memref<5120x40xf32, #tpu.memory_space<vmem>>, vector<5120x40xf32>,
    return
  }
  func.func @transform_0(%arg0: i32) -> (i32, i32, i32) {
    %c0_i32 = arith.constant 0 : i32
    %c0_i32_0 = arith.constant 0 : i32
    %c0_i32_1 = arith.constant 0 : i32
    return %c0_i32, %arg0, %c0_i32_0 : i32, i32, i32
  }
  func.func @transform_1(%arg0: i32) -> (i32, i32) {
    %c0_i32 = arith.constant 0 : i32
    %c0_i32_0 = arith.constant 0 : i32
    return %arg0, %c0_i32 : i32, i32
  }
  func.func @transform_2(%arg0: i32) -> (i32, i32) {
    %c0_i32 = arith.constant 0 : i32
    %c0_i32_0 = arith.constant 0 : i32
    return %arg0, %c0_i32 : i32, i32
  }
  func.func @transform_3(%arg0: i32) -> (i32, i32) {
    %c0_i32 = arith.constant 0 : i32
    %c0_i32_0 = arith.constant 0 : i32
    return %arg0, %c0_i32 : i32, i32
  }
  func.func @transform_4(%arg0: i32) -> (i32, i32) {
    %c0_i32 = arith.constant 0 : i32
    %c0_i32_0 = arith.constant 0 : i32
    %c0_i32_1 = arith.constant 0 : i32
    return %c0_i32, %c0_i32_0 : i32, i32
  }
  func.func @transform_5(%arg0: i32) -> (i32, i32) {
    %c0_i32 = arith.constant 0 : i32
    %c0_i32_0 = arith.constant 0 : i32
    %c0_i32_1 = arith.constant 0 : i32
    return %c0_i32, %c0_i32_0 : i32, i32
  }
  func.func @transform_6(%arg0: i32) -> (i32, i32) {
    %c0_i32 = arith.constant 0 : i32
    %c0_i32_0 = arith.constant 0 : i32
    %c0_i32_1 = arith.constant 0 : i32
    return %c0_i32, %c0_i32_0 : i32, i32
  }
  func.func @transform_7(%arg0: i32) -> (i32, i32) {
    %c0_i32 = arith.constant 0 : i32
    %c0_i32_0 = arith.constant 0 : i32
    %c0_i32_1 = arith.constant 0 : i32
    return %c0_i32, %c0_i32_0 : i32, i32
  }
  func.func @transform_8(%arg0: i32) -> (i32, i32) {
    %c0_i32 = arith.constant 0 : i32
    %c0_i32_0 = arith.constant 0 : i32
    %c0_i32_1 = arith.constant 0 : i32
    return %c0_i32, %c0_i32_0 : i32, i32
  }
  func.func @transform_9(%arg0: i32) -> (i32, i32) {
    %c0_i32 = arith.constant 0 : i32
    %c0_i32_0 = arith.constant 0 : i32
    return %arg0, %c0_i32 : i32, i32
  }
}

</mosaic_0001>

<sc_bundles>
// kernel: kernel.11.cloned.1.call-start
scs
__scs_entry_jumppad:
0x0: {  	(pc) =	sbr.rel $0x88, $3  }
0x1: {  	(tag) =	ssettag $0x0;
	lr =	simm.s32 $0x1  }
0x2: {  	[smem:$0x3F99] =	sst lr;
	_ =	strace $0xD0000000  }
0x3: {  	_ = 	snop  }
0x4: {  	_ = 	snop  }
0x5: {  	_ = 	snop  }
0x6: {  	_ = 	snop  }
0x7: {  	_ = 	snop  }
__scs_overlays_trampoline_lowered:
0x8: {  	[smem:$0x3FA8] =	sst s0  }
0x9: {  	[smem:$0x3FA9] =	sst s1  }
0xa: {  	[smem:$0x3FAA] =	sst s2  }
0xb: {  	[smem:$0x3FAB] =	sst s3  }
0xc: {  	[smem:$0x3FAC] =	sst s4  }
0xd: {  	[smem:$0x3FAD] =	sst s5  }
0xe: {  	[smem:$0x3FAE] =	sst s6  }
0xf: {  	[smem:$0x3FAF] =	sst s7  }
0x10: {  	[smem:$0x3FB0] =	sst s8  }
0x11: {  	[smem:$0x3FB1] =	sst s9;
	s0 =	simm.s32 @!p0 $0x0  }
0x12: {  	s1 =	sld [smem:$0x3F97];
	s0 =	simm.s32 @p0 $0x1  }
0x13: {  	[smem:$0x3FB2] =	sst s0;
	s0 =	simm.s32 @!p1 $0x0  }
0x14: {  	s2 =	sld [smem:$0x3F96];
	s0 =	simm.s32 @p1 $0x1  }
0x15: {  	[smem:$0x3FB3] =	sst s0;
	s0 =	simm.s32 @!p2 $0x0  }
0x16: {  	s3 =	sld [smem:$0x3FDB];
	s0 =	simm.s32 @p2 $0x1  }
0x17: {  	s4 =	simm.s32 $0x1BF5;
	[smem:$0x3FB5] =	sst s0  }
0x18: {  	s0 =	sld [smem:$0x3F98];
	_ =	swait.ge [sflag:s4], $0x0  }
0x19: {  	s7 =	sld [smem:$0x3F99]  }
0x1a: {  	s8 =	sadd.s32 $0xFFFFE003, lr  }
0x1b: {  	s9 =	sadd.s32 $0xFFFFFEF7, lr;
	s5 =	simm.s32 $0xFFFFFFFF;
	p2 =	slt.u32 s8, $0xFFFFF086  }
0x1c: {  	p1 =	slt.u32 s9, $0xF7A;
	s5 =	simm.s32 @!p2 $0x0  }
0x1d: {  	s5 =	simm.s32 @p1 $0x1;
	p0 =	seq.s32 s7, s2  }
0x1e: {  	s7 =	smul.u32 @!p0 $0xF7A, s2;
	p2 =	seq.s32 @!p0 s5, $0x0  }
0x1f: {  	s9 =	smul.u32 $0xF7A, s1;
	s8 =	simm.s32 @!p0 $0x1BF5;
	p2 =	por !p2, p0  }
0x20: {  	[sflag:s8] =	ssyncset.s32 @!p0 $0xFFFFF086;
	s6 =	sadd.s32 @!p0 s3, s7;
	s7 =	simm.s32 @!p0 $0x108  }
0x21: {  	s3 =	sadd.s32 s3, s9;
	s6 =	sadd.s32 @!p0 $0x88, s6;
	s7 =	simm.s32 @p2 $0x1082  }
0x22: {  	[simem:s7], [sflag:s8] =	dma.local @!p0 [hbm:s6], $0xF7A  }
0x23: {  	s9 =	sor.u32 $0xD0000000, s2;
	s6 =	simm.s32 $0x108;
	_ =	swait.ge @!p0 [sflag:s8], $0x0  }
0x24: {  	s3 =	sadd.s32 $0x88, s3;
	s6 =	simm.s32 @!p1 $0x1082;
	[sflag:s4] =	ssyncset.s32 $0xFFFFF086  }
0x25: {  	[simem:s6], [sflag:s4] =	dma.local [hbm:s3], $0xF7A  }
0x26: {  	[smem:$0x3F99] =	sst s1;
	(tag) =	ssettag s2;
	_ =	strace s9  }
0x27: {  	s1 =	sld [smem:$0x3FA9]  }
0x28: {  	s2 =	sld [smem:$0x3FAA]  }
0x29: {  	s4 =	sld [smem:$0x3FAC]  }
0x2a: {  	p0 =	seq.s32 s5, $0x0;
	s5 =	sld [smem:$0x3FAD]  }
0x2b: {  	s6 =	sld [smem:$0x3FAE]  }
0x2c: {  	s7 =	sld [smem:$0x3FAF]  }
0x2d: {  	s3 =	simm.s32 $0x108;
	s8 =	sld [smem:$0x3FB0]  }
0x2e: {  	s3 =	simm.s32 @!p0 $0x1082;
	s9 =	sld [smem:$0x3FB1]  }
0x2f: {  	lr =	sadd.s32 s0, s3;
	s0 =	sld [smem:$0x3FA8]  }
0x30: {  	s3 =	sld [smem:$0x3FAB]  }
0x31: {  	[smem:$0x3FB4] =	sst s10  }
0x32: {  	s10 =	sld [smem:$0x3FB2];
	_ =	sdelay $0x3  }
0x33: {  	p0 =	seq.s32 s10, $0x1;
	s10 =	sld [smem:$0x3FB4];
	_ =	sdelay $0x3  }
0x34: {  	[smem:$0x3FB4] =	sst s10  }
0x35: {  	s10 =	sld [smem:$0x3FB3];
	_ =	sdelay $0x3  }
0x36: {  	p1 =	seq.s32 s10, $0x1;
	s10 =	sld [smem:$0x3FB4];
	_ =	sdelay $0x3  }
0x37: {  	[smem:$0x3FB4] =	sst s10  }
0x38: {  	s10 =	sld [smem:$0x3FB5]  }
0x39: {  	_ = 	snop;
	(pc) =	sbr.ind lr, $3  }
0x3a: {  	_ = 	snop  }
0x3b: {  	_ = 	snop  }
0x3c: {  	p2 =	seq.s32 s10, $0x1;
	s10 =	sld [smem:$0x3FB4]  }
0x3d: {  	_ =	shalt  }
0x3e: {  	_ =	shalt  }
0x3f: {  	_ =	shalt  }
0x40: {  	_ =	shalt  }
0x41: {  	_ =	shalt  }
0x42: {  	_ =	shalt  }
0x43: {  	_ =	shalt  }
0x44: {  	_ =	shalt  }
0x45: {  	_ =	shalt  }
0x46: {  	_ =	shalt  }
0x47: {  	_ =	shalt  }
0x48: {  	_ =	shalt  }
0x49: {  	_ =	shalt  }
0x4a: {  	_ =	shalt  }
0x4b: {  	_ =	shalt  }
0x4c: {  	_ =	shalt  }
0x4d: {  	_ =	shalt  }
0x4e: {  	_ =	shalt  }
0x4f: {  	_ =	shalt  }
0x50: {  	_ =	shalt  }
0x51: {  	_ =	shalt  }
0x52: {  	_ =	shalt  }
0x53: {  	_ =	shalt  }
0x54: {  	_ =	shalt  }
0x55: {  	_ =	shalt  }
0x56: {  	_ =	shalt  }
0x57: {  	_ =	shalt  }
0x58: {  	_ =	shalt  }
0x59: {  	_ =	shalt  }
0x5a: {  	_ =	shalt  }
0x5b: {  	_ =	shalt  }
0x5c: {  	_ =	shalt  }
0x5d: {  	_ =	shalt  }
0x5e: {  	_ =	shalt  }
0x5f: {  	_ =	shalt  }
0x60: {  	_ =	shalt  }
0x61: {  	_ =	shalt  }
0x62: {  	_ =	shalt  }
0x63: {  	_ =	shalt  }
0x64: {  	_ =	shalt  }
0x65: {  	_ =	shalt  }
0x66: {  	_ =	shalt  }
0x67: {  	_ =	shalt  }
0x68: {  	_ =	shalt  }
0x69: {  	_ =	shalt  }
0x6a: {  	_ =	shalt  }
0x6b: {  	_ =	shalt  }
0x6c: {  	_ =	shalt  }
0x6d: {  	_ =	shalt  }
0x6e: {  	_ =	shalt  }
0x6f: {  	_ =	shalt  }
0x70: {  	_ =	shalt  }
0x71: {  	_ =	shalt  }
0x72: {  	_ =	shalt  }
0x73: {  	_ =	shalt  }
0x74: {  	_ =	shalt  }
0x75: {  	_ =	shalt  }
0x76: {  	_ =	shalt  }
0x77: {  	_ =	shalt  }
0x78: {  	_ =	shalt  }
0x79: {  	_ =	shalt  }
0x7a: {  	_ =	shalt  }
0x7b: {  	_ =	shalt  }
0x7c: {  	_ =	shalt  }
0x7d: {  	_ =	shalt  }
0x7e: {  	_ =	shalt  }
0x7f: {  	_ =	shalt  }
0x80: {  	_ =	shalt  }
0x81: {  	_ =	shalt  }
0x82: {  	_ =	shalt  }
0x83: {  	_ =	shalt  }
0x84: {  	_ =	shalt  }
0x85: {  	_ =	shalt  }
0x86: {  	_ =	shalt  }
0x87: {  	_ =	shalt  }
.Lfunc_end0:
.L_simem_size_0:
called_computation.1_lowered:
.L_overlay_start_0:
0x88: {  	s2 =	sld [smem:$0x3FD9]  }
0x89: {  	s3 =	sld [smem:$0x3FFE];
	_ =	sdelay $0x1  }
0x8a: {  	s1 =	srdreg.scid  }
0x8b: {  	s0 =	sand.u32 $0x1, s1  }
0x8c: {  	s17 =	sshll.u32 s0, $0xA;
	s2 =	sadd.s32 s3, s2  }
0x8d: {  	s2 =	sadd.s32 s2, s17  }
0x8e: {  	[smem:$0x3FC0] =	sst s2  }
0x8f: {  	_ = 	snop  }
0x90: {  	s2 =	sld [smem:$0x3FD0];
	(tm) =	ssettm $0x1  }
0x91: {  	s18 =	sld [smem:$0x3FFB];
	_ =	sdelay $0x3  }
0x92: {  	_ =	strace s18  }
0x93: {  	s3 =	sld [smem:$0x3FFC];
	_ =	sdelay $0x3  }
0x94: {  	_ =	strace s3  }
0x95: {  	s3 =	sld [smem:$0x3FFD];
	_ =	sdelay $0x3  }
0x96: {  	_ =	strace s3  }
0x97: {  	_ =	strace $0x8FFFFFFF  }
0x98: {  	s19 =	sld [smem:$0x3FDB];
	_ =	sdelay $0x1  }
0x99: {  	s4 =	simm.s32 $_scs_section_size  }
0x9a: {  	s5 =	simm.s32 $_size__tile_overlayer_lowered;
	s6 =	simm.s32 $_tile_overlayer_lowered  }
0x9b: {  	s22 =	simm.s32 $0x1BFF;
	s21 =	sshll.u32 s6, $0x1;
	s3 =	sadd.s32 s4, s19  }
0x9c: {  	s7 =	simm.s32 $0x0;
	s20 =	sshll.u32 s5, $0x1;
	s5 =	sadd.s32 s21, s3  }
0x9d: {  	[timem:s7], [sflag:s22] =	dma.local [hbm:s5], s20  }
0x9e: {  	_ =	swait.ge [sflag:s22], s20  }
0x9f: {  	s4 =	ssub.s32 $0x0, s20;
	[sflag:s22] =	ssyncset.done $0x0  }
0xa0: {  	[sflag:s22] =	ssyncadd.s32 s4;
	_ =	sdelay $0x1  }
0xa1: {  	s23 =	simm.s32 $0x1B8B  }
0xa2: {  	_ =	swait.ge [sflag:s23], $0x1  }
0xa3: {  	[sflag:s23] =	ssyncset.done $0x0  }
0xa4: {  	s25 =	simm.s32 $0x1B8E;
	s24 =	sld [smem:$0x3FFE];
	[sflag:s23] =	ssyncadd.s32 $0xFFFFFFFF  }
0xa5: {  	s26 =	simm.s32 $execute0_lowered;
	[smem:$0x3FD2] =	sst s25  }
0xa6: {  	s5 =	sshll.u32 s26, $0x1;
	_ =	strace $0x80000049;
	[dreg:$0x1] =	wrdreg $0xFFFFFFFF  }
0xa7: {  	s28 =	simm.s32 $_size_execute0_lowered;
	s3 =	sadd.s32 s3, s5;
	[dreg:$0x0] =	wrdreg $0x0  }
0xa8: {  	s5 =	sshll.u32 s28, $0x1;
	[dreg:$0x2] =	wrdreg s3  }
0xa9: {  	[dreg:$0x3] =	wrdreg s5  }
0xaa: {  	[dreg:$0x4] =	wrdreg $0xC0  }
0xab: {  	_ =	task [dreg:s7], $0x5FFFF  }
0xac: {  	[dreg:$0x1] =	wrdreg $0xFFFFFFFF  }
0xad: {  	[dreg:$0x0] =	wrdreg $0x60  }
0xae: {  	[dreg:$0x2] =	wrdreg s24  }
0xaf: {  	[dreg:$0x3] =	wrdreg s2  }
0xb0: {  	[dreg:$0x4] =	wrdreg $0x0  }
0xb1: {  	[dreg:$0x5] =	wrdreg $0xA0000  }
0xb2: {  	[dreg:$0x6] =	wrdreg $0x9  }
0xb3: {  	_ =	task.clear_ibuf [dreg:s7], $0x7FFFF;
	_ =	strace $0x90000049  }
0xb4: {  	s29 =	simm.s32 $0x9;
	_ =	strace $0x8000004B  }
0xb5: {  	_ =	swait.ge [sflag:s29], $0x1  }
0xb6: {  	[sflag:s29] =	ssyncadd.s32 $0xFFFFFFFF  }
0xb7: {  	_ =	strace $0x9000004B  }
0xb8: {  	_ =	sfence  }
0xb9: {  	s30 =	sld [smem:$0x0];
	_ =	sdelay $0x2  }
0xba: {  	s31 =	sshll.u32 s1, $0xD;
	s1 =	sshrl.u32 s1, $0x2  }
0xbb: {  	s3 =	sand.u32 $0x4000, s31;
	s1 =	sadd.s32 s1, s30  }
0xbc: {  	s0 =	sor.u32 s3, s0;
	s1 =	sshll.u32 s1, $0x11  }
0xbd: {  	s0 =	sor.u32 s1, s0  }
0xbe: {  	s0 =	sadd.s32 $0x8F2B, s0  }
0xbf: {  	[sflag:s0] =	ssyncadd.remote.s32 $0x1  }
0xc0: {  	_ =	sfence.sel $0xFFFF  }
0xc1: {  	[dreg:$0x0] =	wrdreg $0xFFFFFFFF;
	(pc) =	sbr.abs _section_cstart, $3  }
0xc2: {  	[dreg:$0x1] =	wrdreg $0xFFFFFFFF  }
0xc3: {  	_ =	task.clear_ibuf [dreg:s7], $0x2FFFF;
	_ =	strace $0x9FFFFFFF  }
0xc4: {  	(tm) =	ssettm $0x7FFFFFFF  }
0xc5: {  	_ =	shalt  }
tec
execute0_lowered:
.L_overlay_start_1:
0x0: {  	(tag) =	ssettag $0x1  }
0x1: {  	s5 =	rddreg [dreg:$0x0]  }
0x2: {  	s6 =	rddreg [dreg:$0x1]  }
0x3: {  	s2 =	rddreg [dreg:$0x2];
	s0 =	stileid.u32  }
0x4: {  	s1 =	srdreg.scid;
	s3 =	rddreg [dreg:$0x3]  }
0x5: {  	s4 =	simm.s32 $0x0;
	s14 =	simm.s32 $0x2BA00;
	s15 =	simm.s32 $0x80  }
0x6: {  	s16 =	simm.s32 $0x19000;
	s17 =	simm.s32 $0x19200;
	s18 =	simm.s32 $0x19080  }
0x7: {  	s19 =	simm.s32 $0x1B200;
	s20 =	simm.s32 $0x1;
	s21 =	simm.s32 $0x19100  }
0x8: {  	s22 =	simm.s32 $0x2;
	s23 =	simm.s32 $0x19180;
	s24 =	simm.s32 $0x0  }
0x9: {  	s7 =	smul.u32 $0xA000, s0;
	s8 =	sand.u32 $0x1, s1;
	s1 =	rddreg [dreg:$0x4]  }
0xa: {  	[smem:$0x7FF] =	sst s4;
	s30 =	smul.u32 $0xA00, s0;
	s31 =	sshll.u32 s0, $0x6  }
0xb: {  	s9 =	smul.u32 $0xA0000, s8;
	_ =	strace $0x8000004A;
	s10 =	ssub.s32 $0x2, s8  }
0xc: {  	p0 =	seq.s32 s8, $0x1;
	s11 =	sshrl.u32 s7, $0x3;
	s12 =	sshrl.u32 s10, $0x1  }
0xd: {  	s29 =	sadd.s32 s7, s2;
	s13 =	sadd.s32 s7, s3;
	s6 =	sadd.s32 s6, s30  }
0xe: {  	s14 =	simm.s32 @!p0 $0x3FA00;
	s9 =	sadd.s32 s7, s9;
	s11 =	sadd.s32 s11, s5  }
0xf: {  	s10 =	ssub.s32 s10, s12;
	s12 =	simm.s32 $0x3;
	s9 =	sshrl.u32 s9, $0x3  }
0x10: {  	s13 =	sshrl.u32 s13, $0x3;
	s8 =	smax.u32 s10, $0x1;
	s9 =	sadd.s32 s9, s5  }
0x11: {  	s10 =	sor.u32 $0x1C03, s31;
	s5 =	sadd.s32 $0x7BA00, s11;
	s7 =	sadd.s32 $0x8FA00, s9  }
0x12: {  	s9 =	sadd.s32 s14, s11;
	s11 =	sshrl.u32 s29, $0x3;
	s14 =	simm.s32 $0x14000  }
.LBB2_1:
0x13: {  	[spmem:s11], [sflag:s10] =	dma.local [hbm:s9], $0x1400  }
0x14: {  	_ =	swait.ge [sflag:s12], $0x1400  }
0x15: {  	[sflag:s12] =	ssyncset.done $0x0  }
0x16: {  	[sflag:s12] =	ssyncadd.s32 $0xFFFFEC00  }
0x17: {  	[spmem:s13], [sflag:s10] =	dma.local [hbm:s5], $0x1400  }
0x18: {  	_ =	swait.ge [sflag:s12], $0x1400  }
0x19: {  	[sflag:s12] =	ssyncset.done $0x0  }
0x1a: {  	[sflag:s12] =	ssyncadd.s32 $0xFFFFEC00  }
0x1b: {  	[tilespmem:s14], [sflag:$0x3] =	stream.linear.gather [hbm4b:s6+s4], $0x5000, $0x38;
	[tilespmem:$0x1D200] =	vst v63  }
0x1c: {  	_ =	swait.ge [sflag:s12], $0x5000  }
0x1d: {  	[sflag:s12] =	ssyncset.done $0x0  }
0x1e: {  	[sflag:s12] =	ssyncadd.s32 $0xFFFFB000  }
0x1f: {  	[bflag:$0x0] =	sbarrier.arrive $0xFFFF  }
0x20: {  	v0 =	vld [tilespmem:$0x14000];
	_ =	sdelay $0x1  }
0x21: {  	v1 =	vld [tilespmem:$0x14010];
	_ =	sdelay $0x1  }
0x22: {  	v2 =	vld [tilespmem:$0x14020]  }
0x23: {  	v3 =	vand.u32 $0xFFFF, v0  }
0x24: {  	v0 =	vshrl.u32 v0, $0x10;
	[tilespmem:$0x19000] =	vst v3;
	v3 =	vld [tilespmem:$0x14030]  }
0x25: {  	[tilespmem:$0x19100] =	vst v0;
	v0 =	vand.u32 $0xFFFF, v1  }
0x26: {  	[tilespmem:$0x19010] =	vst v0;
	v0 =	vshrl.u32 v1, $0x10;
	v1 =	vld [tilespmem:$0x14040]  }
0x27: {  	[tilespmem:$0x19110] =	vst v0;
	v0 =	vand.u32 $0xFFFF, v2  }
0x28: {  	[tilespmem:$0x19020] =	vst v0;
	v0 =	vshrl.u32 v2, $0x10;
	v2 =	vld [tilespmem:$0x14050]  }
0x29: {  	[tilespmem:$0x19120] =	vst v0;
	v0 =	vand.u32 $0xFFFF, v3  }
0x2a: {  	[tilespmem:$0x19030] =	vst v0;
	v0 =	vshrl.u32 v3, $0x10;
	v3 =	vld [tilespmem:$0x14060]  }
0x2b: {  	[tilespmem:$0x19130] =	vst v0;
	v0 =	vand.u32 $0xFFFF, v1  }
0x2c: {  	[tilespmem:$0x19040] =	vst v0;
	v0 =	vshrl.u32 v1, $0x10;
	v1 =	vld [tilespmem:$0x14070]  }
0x2d: {  	[tilespmem:$0x19140] =	vst v0;
	v0 =	vand.u32 $0xFFFF, v2  }
0x2e: {  	[tilespmem:$0x19050] =	vst v0;
	v0 =	vshrl.u32 v2, $0x10  }
0x2f: {  	[tilespmem:$0x19150] =	vst v0;
	v0 =	vand.u32 $0xFFFF, v3  }
0x30: {  	[tilespmem:$0x19060] =	vst v0;
	v0 =	vshrl.u32 v3, $0x10  }
0x31: {  	[tilespmem:$0x19160] =	vst v0;
	v0 =	vand.u32 $0xFFFF, v1  }
0x32: {  	[tilespmem:$0x19070] =	vst v0;
	v0 =	vshrl.u32 v1, $0x10  }
0x33: {  	s25 =	simm.s32 $0x0;
	[tilespmem:$0x19170] =	vst v0  }
0x34: {  	[tilespmem:s17], [sflag:$0x1] =	stream.indirect.gather [spmem:s2], $0x40, s16, s15, $0xb8;
	[tilespmem:$0x1D200] =	vst v63  }
0x35: {  	v0 =	vld [tilespmem:s25+$0x14080];
	_ =	sdelay $0x4  }
0x36: {  	v1 =	vand.u32 $0xFFFF, v0  }
0x37: {  	v0 =	vshrl.u32 v0, $0x10;
	[tilespmem:$0x19080] =	vst v1  }
0x38: {  	[tilespmem:$0x19180] =	vst v0  }
0x39: {  	v0 =	vld [tilespmem:s25+$0x14090];
	_ =	sdelay $0x4  }
0x3a: {  	v1 =	vand.u32 $0xFFFF, v0  }
0x3b: {  	v0 =	vshrl.u32 v0, $0x10;
	[tilespmem:$0x19090] =	vst v1  }
0x3c: {  	[tilespmem:$0x19190] =	vst v0  }
0x3d: {  	v0 =	vld [tilespmem:s25+$0x140A0];
	_ =	sdelay $0x4  }
0x3e: {  	v1 =	vand.u32 $0xFFFF, v0  }
0x3f: {  	v0 =	vshrl.u32 v0, $0x10;
	[tilespmem:$0x190A0] =	vst v1  }
0x40: {  	[tilespmem:$0x191A0] =	vst v0  }
0x41: {  	v0 =	vld [tilespmem:s25+$0x140B0];
	_ =	sdelay $0x4  }
0x42: {  	v1 =	vand.u32 $0xFFFF, v0  }
0x43: {  	v0 =	vshrl.u32 v0, $0x10;
	[tilespmem:$0x190B0] =	vst v1  }
0x44: {  	[tilespmem:$0x191B0] =	vst v0  }
0x45: {  	v0 =	vld [tilespmem:s25+$0x140C0];
	_ =	sdelay $0x4  }
0x46: {  	v1 =	vand.u32 $0xFFFF, v0  }
0x47: {  	v0 =	vshrl.u32 v0, $0x10;
	[tilespmem:$0x190C0] =	vst v1  }
0x48: {  	[tilespmem:$0x191C0] =	vst v0  }
0x49: {  	v0 =	vld [tilespmem:s25+$0x140D0];
	_ =	sdelay $0x4  }
0x4a: {  	v1 =	vand.u32 $0xFFFF, v0  }
0x4b: {  	v0 =	vshrl.u32 v0, $0x10;
	[tilespmem:$0x190D0] =	vst v1  }
0x4c: {  	[tilespmem:$0x191D0] =	vst v0  }
0x4d: {  	v0 =	vld [tilespmem:s25+$0x140E0];
	_ =	sdelay $0x4  }
0x4e: {  	v1 =	vand.u32 $0xFFFF, v0  }
0x4f: {  	v0 =	vshrl.u32 v0, $0x10;
	[tilespmem:$0x190E0] =	vst v1  }
0x50: {  	[tilespmem:$0x191E0] =	vst v0  }
0x51: {  	v0 =	vld [tilespmem:s25+$0x140F0];
	_ =	sdelay $0x4  }
0x52: {  	v1 =	vand.u32 $0xFFFF, v0  }
0x53: {  	v0 =	vshrl.u32 v0, $0x10;
	[tilespmem:$0x190F0] =	vst v1  }
0x54: {  	[tilespmem:$0x191F0] =	vst v0  }
0x55: {  	[tilespmem:s19], [sflag:$0x2] =	stream.indirect.gather [spmem:s2], $0x40, s18, s15, $0xb8;
	[tilespmem:$0x1D200] =	vst v63  }
0x56: {  	_ =	swait.ge [sflag:s20], $0x2000  }
0x57: {  	[sflag:s20] =	ssyncset.done $0x0  }
0x58: {  	[sflag:s20] =	ssyncadd.s32 $0xFFFFE000  }
0x59: {  	[spmem:s3] =	stream.indirect.scatter.add.f32 [tilespmem:s17], [sflag:$0x3], $0x40, s21, s15, $0xb8;
	[tilespmem:$0x1D200] =	vst v63  }
0x5a: {  	_ =	swait.ge [sflag:s12], $0x2000  }
0x5b: {  	p1 =	por $0x0, $0x0;
	[sflag:s12] =	ssyncset.done $0x0  }
0x5c: {  	s26 =	simm.s32 @!p1 $0x0;
	[sflag:s12] =	ssyncadd.s32 $0xFFFFE000  }
0x5d: {  	v0 =	vld @!p1 [tilespmem:s26+$0x14100];
	_ =	sdelay $0x4  }
0x5e: {  	v1 =	vand.u32 @!p1 $0xFFFF, v0  }
0x5f: {  	v0 =	vshrl.u32 @!p1 v0, $0x10;
	[tilespmem:$0x19000] =	vst @!p1 v1  }
0x60: {  	[tilespmem:$0x19100] =	vst @!p1 v0  }
0x61: {  	v0 =	vld @!p1 [tilespmem:s26+$0x14110];
	_ =	sdelay $0x4  }
0x62: {  	v1 =	vand.u32 @!p1 $0xFFFF, v0  }
0x63: {  	v0 =	vshrl.u32 @!p1 v0, $0x10;
	[tilespmem:$0x19010] =	vst @!p1 v1  }
0x64: {  	[tilespmem:$0x19110] =	vst @!p1 v0  }
0x65: {  	v0 =	vld @!p1 [tilespmem:s26+$0x14120];
	_ =	sdelay $0x4  }
0x66: {  	v1 =	vand.u32 @!p1 $0xFFFF, v0  }
0x67: {  	v0 =	vshrl.u32 @!p1 v0, $0x10;
	[tilespmem:$0x19020] =	vst @!p1 v1  }
0x68: {  	[tilespmem:$0x19120] =	vst @!p1 v0  }
0x69: {  	v0 =	vld @!p1 [tilespmem:s26+$0x14130];
	_ =	sdelay $0x4  }
0x6a: {  	v1 =	vand.u32 @!p1 $0xFFFF, v0  }
0x6b: {  	v0 =	vshrl.u32 @!p1 v0, $0x10;
	[tilespmem:$0x19030] =	vst @!p1 v1  }
0x6c: {  	[tilespmem:$0x19130] =	vst @!p1 v0  }
0x6d: {  	v0 =	vld @!p1 [tilespmem:s26+$0x14140];
	_ =	sdelay $0x4  }
0x6e: {  	v1 =	vand.u32 @!p1 $0xFFFF, v0  }
0x6f: {  	v0 =	vshrl.u32 @!p1 v0, $0x10;
	[tilespmem:$0x19040] =	vst @!p1 v1  }
0x70: {  	[tilespmem:$0x19140] =	vst @!p1 v0  }
0x71: {  	v0 =	vld @!p1 [tilespmem:s26+$0x14150];
	_ =	sdelay $0x4  }
0x72: {  	v1 =	vand.u32 @!p1 $0xFFFF, v0  }
0x73: {  	v0 =	vshrl.u32 @!p1 v0, $0x10;
	[tilespmem:$0x19050] =	vst @!p1 v1  }
0x74: {  	[tilespmem:$0x19150] =	vst @!p1 v0  }
0x75: {  	v0 =	vld @!p1 [tilespmem:s26+$0x14160];
	_ =	sdelay $0x4  }
0x76: {  	s29 =	simm.s32 @!p1 $0x80;
	v1 =	vand.u32 @!p1 $0xFFFF, v0  }
0x77: {  	s30 =	simm.s32 @!p1 $0x19000;
	s31 =	simm.s32 @!p1 $0x19200;
	s25 =	simm.s32 $0x400;
	v0 =	vshrl.u32 @!p1 v0, $0x10;
	[tilespmem:$0x19060] =	vst @!p1 v1  }
.LBB2_2:
0x78: {  	[tilespmem:$0x19160] =	vst @!p1 v0;
	s28 =	smov.u32 s25;
	s25 =	sadd.s32 $0x400, s25  }
0x79: {  	p0 =	sne.s32 s25, $0x14000;
	v0 =	vld @!p1 [tilespmem:s26+$0x14170];
	_ =	sdelay $0x4  }
0x7a: {  	v1 =	vand.u32 @!p1 $0xFFFF, v0;
	v0 =	vshrl.u32 @!p1 v0, $0x10  }
0x7b: {  	[tilespmem:$0x19070] =	vst @!p1 v1  }
0x7c: {  	[tilespmem:$0x19170] =	vst @!p1 v0  }
0x7d: {  	[tilespmem:s31], [sflag:$0x1] =	stream.indirect.gather @!p1 [spmem:s2], $0x40, s30, s29, $0xb8;
	[tilespmem:$0x1D200] =	vst v63  }
0x7e: {  	_ =	swait.ge [sflag:s22], $0x2000  }
0x7f: {  	[sflag:s22] =	ssyncset.done $0x0  }
0x80: {  	[sflag:s22] =	ssyncadd.s32 $0xFFFFE000  }
0x81: {  	[spmem:s3] =	stream.indirect.scatter.add.f32 [tilespmem:s19], [sflag:$0x3], $0x40, s23, s15, $0xb8;
	[tilespmem:$0x1D200] =	vst v63  }
0x82: {  	_ =	swait.ge [sflag:s12], $0x2000  }
0x83: {  	[sflag:s12] =	ssyncset.done $0x0  }
0x84: {  	s26 =	sshra.s32 s28, $0x2;
	[sflag:s12] =	ssyncadd.s32 $0xFFFFE000  }
0x85: {  	v0 =	vld [tilespmem:s26+$0x14080];
	_ =	sdelay $0x4  }
0x86: {  	v1 =	vand.u32 $0xFFFF, v0;
	v0 =	vshrl.u32 v0, $0x10  }
0x87: {  	[tilespmem:$0x19080] =	vst v1  }
0x88: {  	[tilespmem:$0x19180] =	vst v0  }
0x89: {  	v0 =	vld [tilespmem:s26+$0x14090];
	_ =	sdelay $0x4  }
0x8a: {  	v1 =	vand.u32 $0xFFFF, v0;
	v0 =	vshrl.u32 v0, $0x10  }
0x8b: {  	[tilespmem:$0x19090] =	vst v1  }
0x8c: {  	[tilespmem:$0x19190] =	vst v0  }
0x8d: {  	v0 =	vld [tilespmem:s26+$0x140A0];
	_ =	sdelay $0x4  }
0x8e: {  	v1 =	vand.u32 $0xFFFF, v0;
	v0 =	vshrl.u32 v0, $0x10  }
0x8f: {  	[tilespmem:$0x190A0] =	vst v1  }
0x90: {  	[tilespmem:$0x191A0] =	vst v0  }
0x91: {  	v0 =	vld [tilespmem:s26+$0x140B0];
	_ =	sdelay $0x4  }
0x92: {  	v1 =	vand.u32 $0xFFFF, v0;
	v0 =	vshrl.u32 v0, $0x10  }
0x93: {  	[tilespmem:$0x190B0] =	vst v1  }
0x94: {  	[tilespmem:$0x191B0] =	vst v0  }
0x95: {  	v0 =	vld [tilespmem:s26+$0x140C0];
	_ =	sdelay $0x4  }
0x96: {  	v1 =	vand.u32 $0xFFFF, v0;
	v0 =	vshrl.u32 v0, $0x10  }
0x97: {  	[tilespmem:$0x190C0] =	vst v1  }
0x98: {  	[tilespmem:$0x191C0] =	vst v0  }
0x99: {  	v0 =	vld [tilespmem:s26+$0x140D0];
	_ =	sdelay $0x4  }
0x9a: {  	v1 =	vand.u32 $0xFFFF, v0;
	v0 =	vshrl.u32 v0, $0x10  }
0x9b: {  	[tilespmem:$0x190D0] =	vst v1  }
0x9c: {  	[tilespmem:$0x191D0] =	vst v0  }
0x9d: {  	v0 =	vld [tilespmem:s26+$0x140E0];
	_ =	sdelay $0x4  }
0x9e: {  	v1 =	vand.u32 $0xFFFF, v0;
	v0 =	vshrl.u32 v0, $0x10  }
0x9f: {  	[tilespmem:$0x190E0] =	vst v1  }
0xa0: {  	[tilespmem:$0x191E0] =	vst v0  }
0xa1: {  	v0 =	vld [tilespmem:s26+$0x140F0];
	_ =	sdelay $0x4  }
0xa2: {  	v1 =	vand.u32 $0xFFFF, v0;
	v0 =	vshrl.u32 v0, $0x10  }
0xa3: {  	p1 =	seq.s32 s28, $0x13C00;
	[tilespmem:$0x190F0] =	vst v1  }
0xa4: {  	s26 =	sshra.s32 @!p1 s28, $0x2;
	[tilespmem:$0x191F0] =	vst v0  }
0xa5: {  	[tilespmem:s19], [sflag:$0x2] =	stream.indirect.gather [spmem:s2], $0x40, s18, s15, $0xb8;
	[tilespmem:$0x1D200] =	vst v63  }
0xa6: {  	_ =	swait.ge [sflag:s20], $0x2000  }
0xa7: {  	[sflag:s20] =	ssyncset.done $0x0  }
0xa8: {  	[sflag:s20] =	ssyncadd.s32 $0xFFFFE000  }
0xa9: {  	[spmem:s3] =	stream.indirect.scatter.add.f32 [tilespmem:s17], [sflag:$0x3], $0x40, s21, s15, $0xb8;
	[tilespmem:$0x1D200] =	vst v63  }
0xaa: {  	_ =	swait.ge [sflag:s12], $0x2000  }
0xab: {  	[sflag:s12] =	ssyncset.done $0x0  }
0xac: {  	[sflag:s12] =	ssyncadd.s32 $0xFFFFE000  }
0xad: {  	v0 =	vld @!p1 [tilespmem:s26+$0x14100];
	_ =	sdelay $0x4  }
0xae: {  	v1 =	vand.u32 @!p1 $0xFFFF, v0;
	v0 =	vshrl.u32 @!p1 v0, $0x10  }
0xaf: {  	[tilespmem:$0x19000] =	vst @!p1 v1  }
0xb0: {  	[tilespmem:$0x19100] =	vst @!p1 v0  }
0xb1: {  	v0 =	vld @!p1 [tilespmem:s26+$0x14110];
	_ =	sdelay $0x4  }
0xb2: {  	v1 =	vand.u32 @!p1 $0xFFFF, v0;
	v0 =	vshrl.u32 @!p1 v0, $0x10  }
0xb3: {  	[tilespmem:$0x19010] =	vst @!p1 v1  }
0xb4: {  	[tilespmem:$0x19110] =	vst @!p1 v0  }
0xb5: {  	v0 =	vld @!p1 [tilespmem:s26+$0x14120];
	_ =	sdelay $0x4  }
0xb6: {  	v1 =	vand.u32 @!p1 $0xFFFF, v0;
	v0 =	vshrl.u32 @!p1 v0, $0x10  }
0xb7: {  	[tilespmem:$0x19020] =	vst @!p1 v1  }
0xb8: {  	[tilespmem:$0x19120] =	vst @!p1 v0  }
0xb9: {  	v0 =	vld @!p1 [tilespmem:s26+$0x14130];
	_ =	sdelay $0x4  }
0xba: {  	v1 =	vand.u32 @!p1 $0xFFFF, v0;
	v0 =	vshrl.u32 @!p1 v0, $0x10  }
0xbb: {  	[tilespmem:$0x19030] =	vst @!p1 v1  }
0xbc: {  	[tilespmem:$0x19130] =	vst @!p1 v0  }
0xbd: {  	v0 =	vld @!p1 [tilespmem:s26+$0x14140];
	_ =	sdelay $0x4  }
0xbe: {  	v1 =	vand.u32 @!p1 $0xFFFF, v0;
	v0 =	vshrl.u32 @!p1 v0, $0x10  }
0xbf: {  	[tilespmem:$0x19040] =	vst @!p1 v1  }
0xc0: {  	[tilespmem:$0x19140] =	vst @!p1 v0  }
0xc1: {  	v0 =	vld @!p1 [tilespmem:s26+$0x14150];
	_ =	sdelay $0x4  }
0xc2: {  	v1 =	vand.u32 @!p1 $0xFFFF, v0;
	v0 =	vshrl.u32 @!p1 v0, $0x10  }
0xc3: {  	[tilespmem:$0x19050] =	vst @!p1 v1  }
0xc4: {  	s29 =	simm.s32 @!p1 $0x80;
	s30 =	simm.s32 @!p1 $0x19000;
	s31 =	simm.s32 @!p1 $0x19200;
	[tilespmem:$0x19150] =	vst @!p1 v0  }
0xc5: {  	v0 =	vld @!p1 [tilespmem:s26+$0x14160];
	_ =	sdelay $0x1  }
.Ltmp0:
0xc6: {  	(pc) =	sbr.rel @p0 .LBB2_2-.Ltmp0, $3  }
0xc7: {  	_ =	sdelay $0x1  }
0xc8: {  	v1 =	vand.u32 @!p1 $0xFFFF, v0;
	v0 =	vshrl.u32 @!p1 v0, $0x10  }
0xc9: {  	[tilespmem:$0x19060] =	vst @!p1 v1  }
0xca: {  	[tilespmem:$0x19160] =	vst @!p1 v0  }
0xcb: {  	v0 =	vld @!p1 [tilespmem:s26+$0x14170];
	_ =	sdelay $0x4  }
0xcc: {  	v1 =	vand.u32 @!p1 $0xFFFF, v0  }
0xcd: {  	v0 =	vshrl.u32 @!p1 v0, $0x10;
	[tilespmem:$0x19070] =	vst @!p1 v1  }
0xce: {  	[tilespmem:$0x19170] =	vst @!p1 v0  }
0xcf: {  	[tilespmem:s31], [sflag:$0x1] =	stream.indirect.gather @!p1 [spmem:s2], $0x40, s30, s29, $0xb8;
	[tilespmem:$0x1D200] =	vst v63  }
0xd0: {  	_ =	swait.ge [sflag:s22], $0x2000  }
0xd1: {  	[sflag:s22] =	ssyncset.done $0x0  }
0xd2: {  	[sflag:s22] =	ssyncadd.s32 $0xFFFFE000  }
0xd3: {  	[spmem:s3] =	stream.indirect.scatter.add.f32 [tilespmem:s19], [sflag:$0x3], $0x40, s23, s15, $0xb8;
	[tilespmem:$0x1D200] =	vst v63  }
0xd4: {  	_ =	swait.ge [sflag:s12], $0x2000  }
0xd5: {  	s24 =	sadd.s32 $0x1, s24;
	[sflag:s12] =	ssyncset.done $0x0  }
0xd6: {  	p0 =	sne.s32 s24, s8;
	[sflag:s12] =	ssyncadd.s32 $0xFFFFE000  }
.Ltmp1:
0xd7: {  	[bflag:$0x0] =	sbarrier.arrive $0xFFFF;
	(pc) =	sbr.rel @p0 .LBB2_1-.Ltmp1, $4  }
0xd8: {  	[hbm:s7], [sflag:s10] =	dma.local [spmem:s13], $0x1400  }
0xd9: {  	_ =	swait.ge [sflag:s12], $0x1400  }
0xda: {  	[sflag:s12] =	ssyncset.done $0x0  }
0xdb: {  	[sflag:s12] =	ssyncadd.s32 $0xFFFFEC00  }
0xdc: {  	_ =	sfence.sel $0x180000  }
0xdd: {  	[bflag:$0x0] =	sbarrier.arrive $0xFFFF  }
0xde: {  	p0 =	sne.s32 s0, $0x0;
	_ =	strace $0x9000004A  }
0xdf: {  	s0 =	sadd.s32 @!p0 $0x100000, s1;
	[bflag:$0x2] =	sbarrier.arrive $0xFFFF  }
0xe0: {  	[sflag:s0] =	ssyncadd.tile.s32 @!p0 $0x1;
	_ =	shalt  }
.Lfunc_end2:
_tile_overlayer_lowered:
.L_overlay_start_2:
0xe1: {  	(tag) =	ssettag $0x2  }
0xe2: {  	s0 =	rddreg [dreg:$0x0];
	s2 =	stileid.u32  }
0xe3: {  	s1 =	rddreg [dreg:$0x1];
	p0 =	sne.s32 s2, $0x0  }
0xe4: {  	s3 =	rddreg [dreg:$0x2];
	[bflag:$0x3] =	sbarrier.arrive $0xFFFF;
	s2 =	simm.s32 @!p0 $0x1C03  }
0xe5: {  	[timem:s3], [sflag:s2] =	dma.local @!p0 [hbm:s0], s1  }
0xe6: {  	s0 =	simm.s32 @!p0 $0x3  }
0xe7: {  	_ =	swait.ge @!p0 [sflag:s0], s1  }
0xe8: {  	s1 =	ssub.s32 @!p0 $0x0, s1;
	[sflag:s0] =	ssyncset.done @!p0 $0x0  }
0xe9: {  	[sflag:s0] =	ssyncadd.s32 @!p0 s1  }
0xea: {  	[bflag:$0x3] =	sbarrier.arrive $0xFFFF  }
0xeb: {  	_ =	shalt  }

// kernel: kernel.14.cloned.1.call-start
scs
__scs_entry_jumppad:
0x0: {  	(pc) =	sbr.rel $0x88, $3  }
0x1: {  	(tag) =	ssettag $0x0;
	lr =	simm.s32 $0x1  }
0x2: {  	[smem:$0x3F99] =	sst lr;
	_ =	strace $0xD0000000  }
0x3: {  	_ = 	snop  }
0x4: {  	_ = 	snop  }
0x5: {  	_ = 	snop  }
0x6: {  	_ = 	snop  }
0x7: {  	_ = 	snop  }
__scs_overlays_trampoline_lowered:
0x8: {  	[smem:$0x3FA8] =	sst s0  }
0x9: {  	[smem:$0x3FA9] =	sst s1  }
0xa: {  	[smem:$0x3FAA] =	sst s2  }
0xb: {  	[smem:$0x3FAB] =	sst s3  }
0xc: {  	[smem:$0x3FAC] =	sst s4  }
0xd: {  	[smem:$0x3FAD] =	sst s5  }
0xe: {  	[smem:$0x3FAE] =	sst s6  }
0xf: {  	[smem:$0x3FAF] =	sst s7  }
0x10: {  	[smem:$0x3FB0] =	sst s8  }
0x11: {  	[smem:$0x3FB1] =	sst s9;
	s0 =	simm.s32 @!p0 $0x0  }
0x12: {  	s1 =	sld [smem:$0x3F97];
	s0 =	simm.s32 @p0 $0x1  }
0x13: {  	[smem:$0x3FB2] =	sst s0;
	s0 =	simm.s32 @!p1 $0x0  }
0x14: {  	s2 =	sld [smem:$0x3F96];
	s0 =	simm.s32 @p1 $0x1  }
0x15: {  	[smem:$0x3FB3] =	sst s0;
	s0 =	simm.s32 @!p2 $0x0  }
0x16: {  	s3 =	sld [smem:$0x3FDB];
	s0 =	simm.s32 @p2 $0x1  }
0x17: {  	s4 =	simm.s32 $0x1BF5;
	[smem:$0x3FB5] =	sst s0  }
0x18: {  	s0 =	sld [smem:$0x3F98];
	_ =	swait.ge [sflag:s4], $0x0  }
0x19: {  	s7 =	sld [smem:$0x3F99]  }
0x1a: {  	s8 =	sadd.s32 $0xFFFFE003, lr  }
0x1b: {  	s9 =	sadd.s32 $0xFFFFFEF7, lr;
	s5 =	simm.s32 $0xFFFFFFFF;
	p2 =	slt.u32 s8, $0xFFFFF086  }
0x1c: {  	p1 =	slt.u32 s9, $0xF7A;
	s5 =	simm.s32 @!p2 $0x0  }
0x1d: {  	s5 =	simm.s32 @p1 $0x1;
	p0 =	seq.s32 s7, s2  }
0x1e: {  	s7 =	smul.u32 @!p0 $0xF7A, s2;
	p2 =	seq.s32 @!p0 s5, $0x0  }
0x1f: {  	s9 =	smul.u32 $0xF7A, s1;
	s8 =	simm.s32 @!p0 $0x1BF5;
	p2 =	por !p2, p0  }
0x20: {  	[sflag:s8] =	ssyncset.s32 @!p0 $0xFFFFF086;
	s6 =	sadd.s32 @!p0 s3, s7;
	s7 =	simm.s32 @!p0 $0x108  }
0x21: {  	s3 =	sadd.s32 s3, s9;
	s6 =	sadd.s32 @!p0 $0x88, s6;
	s7 =	simm.s32 @p2 $0x1082  }
0x22: {  	[simem:s7], [sflag:s8] =	dma.local @!p0 [hbm:s6], $0xF7A  }
0x23: {  	s9 =	sor.u32 $0xD0000000, s2;
	s6 =	simm.s32 $0x108;
	_ =	swait.ge @!p0 [sflag:s8], $0x0  }
0x24: {  	s3 =	sadd.s32 $0x88, s3;
	s6 =	simm.s32 @!p1 $0x1082;
	[sflag:s4] =	ssyncset.s32 $0xFFFFF086  }
0x25: {  	[simem:s6], [sflag:s4] =	dma.local [hbm:s3], $0xF7A  }
0x26: {  	[smem:$0x3F99] =	sst s1;
	(tag) =	ssettag s2;
	_ =	strace s9  }
0x27: {  	s1 =	sld [smem:$0x3FA9]  }
0x28: {  	s2 =	sld [smem:$0x3FAA]  }
0x29: {  	s4 =	sld [smem:$0x3FAC]  }
0x2a: {  	p0 =	seq.s32 s5, $0x0;
	s5 =	sld [smem:$0x3FAD]  }
0x2b: {  	s6 =	sld [smem:$0x3FAE]  }
0x2c: {  	s7 =	sld [smem:$0x3FAF]  }
0x2d: {  	s3 =	simm.s32 $0x108;
	s8 =	sld [smem:$0x3FB0]  }
0x2e: {  	s3 =	simm.s32 @!p0 $0x1082;
	s9 =	sld [smem:$0x3FB1]  }
0x2f: {  	lr =	sadd.s32 s0, s3;
	s0 =	sld [smem:$0x3FA8]  }
0x30: {  	s3 =	sld [smem:$0x3FAB]  }
0x31: {  	[smem:$0x3FB4] =	sst s10  }
0x32: {  	s10 =	sld [smem:$0x3FB2];
	_ =	sdelay $0x3  }
0x33: {  	p0 =	seq.s32 s10, $0x1;
	s10 =	sld [smem:$0x3FB4];
	_ =	sdelay $0x3  }
0x34: {  	[smem:$0x3FB4] =	sst s10  }
0x35: {  	s10 =	sld [smem:$0x3FB3];
	_ =	sdelay $0x3  }
0x36: {  	p1 =	seq.s32 s10, $0x1;
	s10 =	sld [smem:$0x3FB4];
	_ =	sdelay $0x3  }
0x37: {  	[smem:$0x3FB4] =	sst s10  }
0x38: {  	s10 =	sld [smem:$0x3FB5]  }
0x39: {  	_ = 	snop;
	(pc) =	sbr.ind lr, $3  }
0x3a: {  	_ = 	snop  }
0x3b: {  	_ = 	snop  }
0x3c: {  	p2 =	seq.s32 s10, $0x1;
	s10 =	sld [smem:$0x3FB4]  }
0x3d: {  	_ =	shalt  }
0x3e: {  	_ =	shalt  }
0x3f: {  	_ =	shalt  }
0x40: {  	_ =	shalt  }
0x41: {  	_ =	shalt  }
0x42: {  	_ =	shalt  }
0x43: {  	_ =	shalt  }
0x44: {  	_ =	shalt  }
0x45: {  	_ =	shalt  }
0x46: {  	_ =	shalt  }
0x47: {  	_ =	shalt  }
0x48: {  	_ =	shalt  }
0x49: {  	_ =	shalt  }
0x4a: {  	_ =	shalt  }
0x4b: {  	_ =	shalt  }
0x4c: {  	_ =	shalt  }
0x4d: {  	_ =	shalt  }
0x4e: {  	_ =	shalt  }
0x4f: {  	_ =	shalt  }
0x50: {  	_ =	shalt  }
0x51: {  	_ =	shalt  }
0x52: {  	_ =	shalt  }
0x53: {  	_ =	shalt  }
0x54: {  	_ =	shalt  }
0x55: {  	_ =	shalt  }
0x56: {  	_ =	shalt  }
0x57: {  	_ =	shalt  }
0x58: {  	_ =	shalt  }
0x59: {  	_ =	shalt  }
0x5a: {  	_ =	shalt  }
0x5b: {  	_ =	shalt  }
0x5c: {  	_ =	shalt  }
0x5d: {  	_ =	shalt  }
0x5e: {  	_ =	shalt  }
0x5f: {  	_ =	shalt  }
0x60: {  	_ =	shalt  }
0x61: {  	_ =	shalt  }
0x62: {  	_ =	shalt  }
0x63: {  	_ =	shalt  }
0x64: {  	_ =	shalt  }
0x65: {  	_ =	shalt  }
0x66: {  	_ =	shalt  }
0x67: {  	_ =	shalt  }
0x68: {  	_ =	shalt  }
0x69: {  	_ =	shalt  }
0x6a: {  	_ =	shalt  }
0x6b: {  	_ =	shalt  }
0x6c: {  	_ =	shalt  }
0x6d: {  	_ =	shalt  }
0x6e: {  	_ =	shalt  }
0x6f: {  	_ =	shalt  }
0x70: {  	_ =	shalt  }
0x71: {  	_ =	shalt  }
0x72: {  	_ =	shalt  }
0x73: {  	_ =	shalt  }
0x74: {  	_ =	shalt  }
0x75: {  	_ =	shalt  }
0x76: {  	_ =	shalt  }
0x77: {  	_ =	shalt  }
0x78: {  	_ =	shalt  }
0x79: {  	_ =	shalt  }
0x7a: {  	_ =	shalt  }
0x7b: {  	_ =	shalt  }
0x7c: {  	_ =	shalt  }
0x7d: {  	_ =	shalt  }
0x7e: {  	_ =	shalt  }
0x7f: {  	_ =	shalt  }
0x80: {  	_ =	shalt  }
0x81: {  	_ =	shalt  }
0x82: {  	_ =	shalt  }
0x83: {  	_ =	shalt  }
0x84: {  	_ =	shalt  }
0x85: {  	_ =	shalt  }
0x86: {  	_ =	shalt  }
0x87: {  	_ =	shalt  }
.Lfunc_end0:
.L_simem_size_0:
called_computation.2_lowered:
.L_overlay_start_0:
0x88: {  	s2 =	sld [smem:$0x3FD9]  }
0x89: {  	s3 =	sld [smem:$0x3FFE];
	_ =	sdelay $0x1  }
0x8a: {  	s1 =	srdreg.scid  }
0x8b: {  	s0 =	sand.u32 $0x1, s1  }
0x8c: {  	s17 =	sshll.u32 s0, $0xA;
	s2 =	sadd.s32 s3, s2  }
0x8d: {  	s2 =	sadd.s32 s2, s17  }
0x8e: {  	[smem:$0x3FC0] =	sst s2  }
0x8f: {  	_ = 	snop  }
0x90: {  	s2 =	sld [smem:$0x3FD0];
	(tm) =	ssettm $0x1  }
0x91: {  	s18 =	sld [smem:$0x3FFB];
	_ =	sdelay $0x3  }
0x92: {  	_ =	strace s18  }
0x93: {  	s3 =	sld [smem:$0x3FFC];
	_ =	sdelay $0x3  }
0x94: {  	_ =	strace s3  }
0x95: {  	s3 =	sld [smem:$0x3FFD];
	_ =	sdelay $0x3  }
0x96: {  	_ =	strace s3  }
0x97: {  	_ =	strace $0x8FFFFFFF  }
0x98: {  	s19 =	sld [smem:$0x3FDB];
	_ =	sdelay $0x1  }
0x99: {  	s4 =	simm.s32 $_scs_section_size  }
0x9a: {  	s5 =	simm.s32 $_size__tile_overlayer_lowered;
	s6 =	simm.s32 $_tile_overlayer_lowered  }
0x9b: {  	s22 =	simm.s32 $0x1BFF;
	s21 =	sshll.u32 s6, $0x1;
	s3 =	sadd.s32 s4, s19  }
0x9c: {  	s7 =	simm.s32 $0x0;
	s20 =	sshll.u32 s5, $0x1;
	s5 =	sadd.s32 s21, s3  }
0x9d: {  	[timem:s7], [sflag:s22] =	dma.local [hbm:s5], s20  }
0x9e: {  	_ =	swait.ge [sflag:s22], s20  }
0x9f: {  	s4 =	ssub.s32 $0x0, s20;
	[sflag:s22] =	ssyncset.done $0x0  }
0xa0: {  	[sflag:s22] =	ssyncadd.s32 s4;
	_ =	sdelay $0x1  }
0xa1: {  	s23 =	simm.s32 $0x1B8B  }
0xa2: {  	_ =	swait.ge [sflag:s23], $0x1  }
0xa3: {  	[sflag:s23] =	ssyncset.done $0x0  }
0xa4: {  	s25 =	simm.s32 $0x1B8E;
	s24 =	sld [smem:$0x3FFE];
	[sflag:s23] =	ssyncadd.s32 $0xFFFFFFFF  }
0xa5: {  	s26 =	simm.s32 $execute0_lowered;
	[smem:$0x3FD2] =	sst s25  }
0xa6: {  	s5 =	sshll.u32 s26, $0x1;
	_ =	strace $0x8000004C;
	[dreg:$0x1] =	wrdreg $0xFFFFFFFF  }
0xa7: {  	s28 =	simm.s32 $_size_execute0_lowered;
	s3 =	sadd.s32 s3, s5;
	[dreg:$0x0] =	wrdreg $0x0  }
0xa8: {  	s5 =	sshll.u32 s28, $0x1;
	[dreg:$0x2] =	wrdreg s3  }
0xa9: {  	[dreg:$0x3] =	wrdreg s5  }
0xaa: {  	[dreg:$0x4] =	wrdreg $0xC0  }
0xab: {  	_ =	task [dreg:s7], $0x5FFFF  }
0xac: {  	[dreg:$0x1] =	wrdreg $0xFFFFFFFF  }
0xad: {  	[dreg:$0x0] =	wrdreg $0x60  }
0xae: {  	[dreg:$0x2] =	wrdreg s24  }
0xaf: {  	[dreg:$0x3] =	wrdreg s2  }
0xb0: {  	[dreg:$0x4] =	wrdreg $0x0  }
0xb1: {  	[dreg:$0x5] =	wrdreg $0xA0000  }
0xb2: {  	[dreg:$0x6] =	wrdreg $0x9  }
0xb3: {  	_ =	task.clear_ibuf [dreg:s7], $0x7FFFF;
	_ =	strace $0x9000004C  }
0xb4: {  	s29 =	simm.s32 $0x9;
	_ =	strace $0x8000004E  }
0xb5: {  	_ =	swait.ge [sflag:s29], $0x1  }
0xb6: {  	[sflag:s29] =	ssyncadd.s32 $0xFFFFFFFF  }
0xb7: {  	_ =	strace $0x9000004E  }
0xb8: {  	_ =	sfence  }
0xb9: {  	s30 =	sld [smem:$0x0];
	_ =	sdelay $0x2  }
0xba: {  	s31 =	sshll.u32 s1, $0xD;
	s1 =	sshrl.u32 s1, $0x2  }
0xbb: {  	s3 =	sand.u32 $0x4000, s31;
	s1 =	sadd.s32 s1, s30  }
0xbc: {  	s0 =	sor.u32 s3, s0;
	s1 =	sshll.u32 s1, $0x11  }
0xbd: {  	s0 =	sor.u32 s1, s0  }
0xbe: {  	s0 =	sadd.s32 $0x8F2B, s0  }
0xbf: {  	[sflag:s0] =	ssyncadd.remote.s32 $0x1  }
0xc0: {  	_ =	sfence.sel $0xFFFF  }
0xc1: {  	[dreg:$0x0] =	wrdreg $0xFFFFFFFF;
	(pc) =	sbr.abs _section_cstart, $3  }
0xc2: {  	[dreg:$0x1] =	wrdreg $0xFFFFFFFF  }
0xc3: {  	_ =	task.clear_ibuf [dreg:s7], $0x2FFFF;
	_ =	strace $0x9FFFFFFF  }
0xc4: {  	(tm) =	ssettm $0x7FFFFFFF  }
0xc5: {  	_ =	shalt  }
tec
execute0_lowered:
.L_overlay_start_1:
0x0: {  	(tag) =	ssettag $0x1  }
0x1: {  	s5 =	rddreg [dreg:$0x0]  }
0x2: {  	s6 =	rddreg [dreg:$0x1]  }
0x3: {  	s2 =	rddreg [dreg:$0x2];
	s0 =	stileid.u32  }
0x4: {  	s1 =	srdreg.scid;
	s3 =	rddreg [dreg:$0x3]  }
0x5: {  	s4 =	simm.s32 $0x0;
	s14 =	simm.s32 $0x2BA00;
	s15 =	simm.s32 $0x80  }
0x6: {  	s16 =	simm.s32 $0x19000;
	s17 =	simm.s32 $0x19200;
	s18 =	simm.s32 $0x19080  }
0x7: {  	s19 =	simm.s32 $0x1B200;
	s20 =	simm.s32 $0x1;
	s21 =	simm.s32 $0x19100  }
0x8: {  	s22 =	simm.s32 $0x2;
	s23 =	simm.s32 $0x19180;
	s24 =	simm.s32 $0x0  }
0x9: {  	s7 =	smul.u32 $0xA000, s0;
	s8 =	sand.u32 $0x1, s1;
	s1 =	rddreg [dreg:$0x4]  }
0xa: {  	[smem:$0x7FF] =	sst s4;
	s30 =	smul.u32 $0xA00, s0;
	s31 =	sshll.u32 s0, $0x6  }
0xb: {  	s9 =	smul.u32 $0xA0000, s8;
	_ =	strace $0x8000004D;
	s10 =	ssub.s32 $0x2, s8  }
0xc: {  	p0 =	seq.s32 s8, $0x1;
	s11 =	sshrl.u32 s7, $0x3;
	s12 =	sshrl.u32 s10, $0x1  }
0xd: {  	s29 =	sadd.s32 s7, s2;
	s13 =	sadd.s32 s7, s3;
	s6 =	sadd.s32 s6, s30  }
0xe: {  	s14 =	simm.s32 @!p0 $0x3FA00;
	s9 =	sadd.s32 s7, s9;
	s11 =	sadd.s32 s11, s5  }
0xf: {  	s10 =	ssub.s32 s10, s12;
	s12 =	simm.s32 $0x3;
	s9 =	sshrl.u32 s9, $0x3  }
0x10: {  	s13 =	sshrl.u32 s13, $0x3;
	s8 =	smax.u32 s10, $0x1;
	s9 =	sadd.s32 s9, s5  }
0x11: {  	s10 =	sor.u32 $0x1C03, s31;
	s5 =	sadd.s32 $0x7BA00, s11;
	s7 =	sadd.s32 $0x53A00, s9  }
0x12: {  	s9 =	sadd.s32 s14, s11;
	s11 =	sshrl.u32 s29, $0x3;
	s14 =	simm.s32 $0x14000  }
.LBB2_1:
0x13: {  	[spmem:s11], [sflag:s10] =	dma.local [hbm:s9], $0x1400  }
0x14: {  	_ =	swait.ge [sflag:s12], $0x1400  }
0x15: {  	[sflag:s12] =	ssyncset.done $0x0  }
0x16: {  	[sflag:s12] =	ssyncadd.s32 $0xFFFFEC00  }
0x17: {  	[spmem:s13], [sflag:s10] =	dma.local [hbm:s5], $0x1400  }
0x18: {  	_ =	swait.ge [sflag:s12], $0x1400  }
0x19: {  	[sflag:s12] =	ssyncset.done $0x0  }
0x1a: {  	[sflag:s12] =	ssyncadd.s32 $0xFFFFEC00  }
0x1b: {  	[tilespmem:s14], [sflag:$0x3] =	stream.linear.gather [hbm4b:s6+s4], $0x5000, $0x38;
	[tilespmem:$0x1D200] =	vst v63  }
0x1c: {  	_ =	swait.ge [sflag:s12], $0x5000  }
0x1d: {  	[sflag:s12] =	ssyncset.done $0x0  }
0x1e: {  	[sflag:s12] =	ssyncadd.s32 $0xFFFFB000  }
0x1f: {  	[bflag:$0x0] =	sbarrier.arrive $0xFFFF  }
0x20: {  	v0 =	vld [tilespmem:$0x14000];
	_ =	sdelay $0x1  }
0x21: {  	v1 =	vld [tilespmem:$0x14010];
	_ =	sdelay $0x1  }
0x22: {  	v2 =	vld [tilespmem:$0x14020]  }
0x23: {  	v3 =	vand.u32 $0xFFFF, v0  }
0x24: {  	v0 =	vshrl.u32 v0, $0x10;
	[tilespmem:$0x19000] =	vst v3;
	v3 =	vld [tilespmem:$0x14030]  }
0x25: {  	[tilespmem:$0x19100] =	vst v0;
	v0 =	vand.u32 $0xFFFF, v1  }
0x26: {  	[tilespmem:$0x19010] =	vst v0;
	v0 =	vshrl.u32 v1, $0x10;
	v1 =	vld [tilespmem:$0x14040]  }
0x27: {  	[tilespmem:$0x19110] =	vst v0;
	v0 =	vand.u32 $0xFFFF, v2  }
0x28: {  	[tilespmem:$0x19020] =	vst v0;
	v0 =	vshrl.u32 v2, $0x10;
	v2 =	vld [tilespmem:$0x14050]  }
0x29: {  	[tilespmem:$0x19120] =	vst v0;
	v0 =	vand.u32 $0xFFFF, v3  }
0x2a: {  	[tilespmem:$0x19030] =	vst v0;
	v0 =	vshrl.u32 v3, $0x10;
	v3 =	vld [tilespmem:$0x14060]  }
0x2b: {  	[tilespmem:$0x19130] =	vst v0;
	v0 =	vand.u32 $0xFFFF, v1  }
0x2c: {  	[tilespmem:$0x19040] =	vst v0;
	v0 =	vshrl.u32 v1, $0x10;
	v1 =	vld [tilespmem:$0x14070]  }
0x2d: {  	[tilespmem:$0x19140] =	vst v0;
	v0 =	vand.u32 $0xFFFF, v2  }
0x2e: {  	[tilespmem:$0x19050] =	vst v0;
	v0 =	vshrl.u32 v2, $0x10  }
0x2f: {  	[tilespmem:$0x19150] =	vst v0;
	v0 =	vand.u32 $0xFFFF, v3  }
0x30: {  	[tilespmem:$0x19060] =	vst v0;
	v0 =	vshrl.u32 v3, $0x10  }
0x31: {  	[tilespmem:$0x19160] =	vst v0;
	v0 =	vand.u32 $0xFFFF, v1  }
0x32: {  	[tilespmem:$0x19070] =	vst v0;
	v0 =	vshrl.u32 v1, $0x10  }
0x33: {  	s25 =	simm.s32 $0x0;
	[tilespmem:$0x19170] =	vst v0  }
0x34: {  	[tilespmem:s17], [sflag:$0x1] =	stream.indirect.gather [spmem:s2], $0x40, s16, s15, $0xb8;
	[tilespmem:$0x1D200] =	vst v63  }
0x35: {  	v0 =	vld [tilespmem:s25+$0x14080];
	_ =	sdelay $0x4  }
0x36: {  	v1 =	vand.u32 $0xFFFF, v0  }
0x37: {  	v0 =	vshrl.u32 v0, $0x10;
	[tilespmem:$0x19080] =	vst v1  }
0x38: {  	[tilespmem:$0x19180] =	vst v0  }
0x39: {  	v0 =	vld [tilespmem:s25+$0x14090];
	_ =	sdelay $0x4  }
0x3a: {  	v1 =	vand.u32 $0xFFFF, v0  }
0x3b: {  	v0 =	vshrl.u32 v0, $0x10;
	[tilespmem:$0x19090] =	vst v1  }
0x3c: {  	[tilespmem:$0x19190] =	vst v0  }
0x3d: {  	v0 =	vld [tilespmem:s25+$0x140A0];
	_ =	sdelay $0x4  }
0x3e: {  	v1 =	vand.u32 $0xFFFF, v0  }
0x3f: {  	v0 =	vshrl.u32 v0, $0x10;
	[tilespmem:$0x190A0] =	vst v1  }
0x40: {  	[tilespmem:$0x191A0] =	vst v0  }
0x41: {  	v0 =	vld [tilespmem:s25+$0x140B0];
	_ =	sdelay $0x4  }
0x42: {  	v1 =	vand.u32 $0xFFFF, v0  }
0x43: {  	v0 =	vshrl.u32 v0, $0x10;
	[tilespmem:$0x190B0] =	vst v1  }
0x44: {  	[tilespmem:$0x191B0] =	vst v0  }
0x45: {  	v0 =	vld [tilespmem:s25+$0x140C0];
	_ =	sdelay $0x4  }
0x46: {  	v1 =	vand.u32 $0xFFFF, v0  }
0x47: {  	v0 =	vshrl.u32 v0, $0x10;
	[tilespmem:$0x190C0] =	vst v1  }
0x48: {  	[tilespmem:$0x191C0] =	vst v0  }
0x49: {  	v0 =	vld [tilespmem:s25+$0x140D0];
	_ =	sdelay $0x4  }
0x4a: {  	v1 =	vand.u32 $0xFFFF, v0  }
0x4b: {  	v0 =	vshrl.u32 v0, $0x10;
	[tilespmem:$0x190D0] =	vst v1  }
0x4c: {  	[tilespmem:$0x191D0] =	vst v0  }
0x4d: {  	v0 =	vld [tilespmem:s25+$0x140E0];
	_ =	sdelay $0x4  }
0x4e: {  	v1 =	vand.u32 $0xFFFF, v0  }
0x4f: {  	v0 =	vshrl.u32 v0, $0x10;
	[tilespmem:$0x190E0] =	vst v1  }
0x50: {  	[tilespmem:$0x191E0] =	vst v0  }
0x51: {  	v0 =	vld [tilespmem:s25+$0x140F0];
	_ =	sdelay $0x4  }
0x52: {  	v1 =	vand.u32 $0xFFFF, v0  }
0x53: {  	v0 =	vshrl.u32 v0, $0x10;
	[tilespmem:$0x190F0] =	vst v1  }
0x54: {  	[tilespmem:$0x191F0] =	vst v0  }
0x55: {  	[tilespmem:s19], [sflag:$0x2] =	stream.indirect.gather [spmem:s2], $0x40, s18, s15, $0xb8;
	[tilespmem:$0x1D200] =	vst v63  }
0x56: {  	_ =	swait.ge [sflag:s20], $0x2000  }
0x57: {  	[sflag:s20] =	ssyncset.done $0x0  }
0x58: {  	[sflag:s20] =	ssyncadd.s32 $0xFFFFE000  }
0x59: {  	[spmem:s3] =	stream.indirect.scatter.add.f32 [tilespmem:s17], [sflag:$0x3], $0x40, s21, s15, $0xb8;
	[tilespmem:$0x1D200] =	vst v63  }
0x5a: {  	_ =	swait.ge [sflag:s12], $0x2000  }
0x5b: {  	p1 =	por $0x0, $0x0;
	[sflag:s12] =	ssyncset.done $0x0  }
0x5c: {  	s26 =	simm.s32 @!p1 $0x0;
	[sflag:s12] =	ssyncadd.s32 $0xFFFFE000  }
0x5d: {  	v0 =	vld @!p1 [tilespmem:s26+$0x14100];
	_ =	sdelay $0x4  }
0x5e: {  	v1 =	vand.u32 @!p1 $0xFFFF, v0  }
0x5f: {  	v0 =	vshrl.u32 @!p1 v0, $0x10;
	[tilespmem:$0x19000] =	vst @!p1 v1  }
0x60: {  	[tilespmem:$0x19100] =	vst @!p1 v0  }
0x61: {  	v0 =	vld @!p1 [tilespmem:s26+$0x14110];
	_ =	sdelay $0x4  }
0x62: {  	v1 =	vand.u32 @!p1 $0xFFFF, v0  }
0x63: {  	v0 =	vshrl.u32 @!p1 v0, $0x10;
	[tilespmem:$0x19010] =	vst @!p1 v1  }
0x64: {  	[tilespmem:$0x19110] =	vst @!p1 v0  }
0x65: {  	v0 =	vld @!p1 [tilespmem:s26+$0x14120];
	_ =	sdelay $0x4  }
0x66: {  	v1 =	vand.u32 @!p1 $0xFFFF, v0  }
0x67: {  	v0 =	vshrl.u32 @!p1 v0, $0x10;
	[tilespmem:$0x19020] =	vst @!p1 v1  }
0x68: {  	[tilespmem:$0x19120] =	vst @!p1 v0  }
0x69: {  	v0 =	vld @!p1 [tilespmem:s26+$0x14130];
	_ =	sdelay $0x4  }
0x6a: {  	v1 =	vand.u32 @!p1 $0xFFFF, v0  }
0x6b: {  	v0 =	vshrl.u32 @!p1 v0, $0x10;
	[tilespmem:$0x19030] =	vst @!p1 v1  }
0x6c: {  	[tilespmem:$0x19130] =	vst @!p1 v0  }
0x6d: {  	v0 =	vld @!p1 [tilespmem:s26+$0x14140];
	_ =	sdelay $0x4  }
0x6e: {  	v1 =	vand.u32 @!p1 $0xFFFF, v0  }
0x6f: {  	v0 =	vshrl.u32 @!p1 v0, $0x10;
	[tilespmem:$0x19040] =	vst @!p1 v1  }
0x70: {  	[tilespmem:$0x19140] =	vst @!p1 v0  }
0x71: {  	v0 =	vld @!p1 [tilespmem:s26+$0x14150];
	_ =	sdelay $0x4  }
0x72: {  	v1 =	vand.u32 @!p1 $0xFFFF, v0  }
0x73: {  	v0 =	vshrl.u32 @!p1 v0, $0x10;
	[tilespmem:$0x19050] =	vst @!p1 v1  }
0x74: {  	[tilespmem:$0x19150] =	vst @!p1 v0  }
0x75: {  	v0 =	vld @!p1 [tilespmem:s26+$0x14160];
	_ =	sdelay $0x4  }
0x76: {  	s29 =	simm.s32 @!p1 $0x80;
	v1 =	vand.u32 @!p1 $0xFFFF, v0  }
0x77: {  	s30 =	simm.s32 @!p1 $0x19000;
	s31 =	simm.s32 @!p1 $0x19200;
	s25 =	simm.s32 $0x400;
	v0 =	vshrl.u32 @!p1 v0, $0x10;
	[tilespmem:$0x19060] =	vst @!p1 v1  }
.LBB2_2:
0x78: {  	[tilespmem:$0x19160] =	vst @!p1 v0;
	s28 =	smov.u32 s25;
	s25 =	sadd.s32 $0x400, s25  }
0x79: {  	p0 =	sne.s32 s25, $0x14000;
	v0 =	vld @!p1 [tilespmem:s26+$0x14170];
	_ =	sdelay $0x4  }
0x7a: {  	v1 =	vand.u32 @!p1 $0xFFFF, v0;
	v0 =	vshrl.u32 @!p1 v0, $0x10  }
0x7b: {  	[tilespmem:$0x19070] =	vst @!p1 v1  }
0x7c: {  	[tilespmem:$0x19170] =	vst @!p1 v0  }
0x7d: {  	[tilespmem:s31], [sflag:$0x1] =	stream.indirect.gather @!p1 [spmem:s2], $0x40, s30, s29, $0xb8;
	[tilespmem:$0x1D200] =	vst v63  }
0x7e: {  	_ =	swait.ge [sflag:s22], $0x2000  }
0x7f: {  	[sflag:s22] =	ssyncset.done $0x0  }
0x80: {  	[sflag:s22] =	ssyncadd.s32 $0xFFFFE000  }
0x81: {  	[spmem:s3] =	stream.indirect.scatter.add.f32 [tilespmem:s19], [sflag:$0x3], $0x40, s23, s15, $0xb8;
	[tilespmem:$0x1D200] =	vst v63  }
0x82: {  	_ =	swait.ge [sflag:s12], $0x2000  }
0x83: {  	[sflag:s12] =	ssyncset.done $0x0  }
0x84: {  	s26 =	sshra.s32 s28, $0x2;
	[sflag:s12] =	ssyncadd.s32 $0xFFFFE000  }
0x85: {  	v0 =	vld [tilespmem:s26+$0x14080];
	_ =	sdelay $0x4  }
0x86: {  	v1 =	vand.u32 $0xFFFF, v0;
	v0 =	vshrl.u32 v0, $0x10  }
0x87: {  	[tilespmem:$0x19080] =	vst v1  }
0x88: {  	[tilespmem:$0x19180] =	vst v0  }
0x89: {  	v0 =	vld [tilespmem:s26+$0x14090];
	_ =	sdelay $0x4  }
0x8a: {  	v1 =	vand.u32 $0xFFFF, v0;
	v0 =	vshrl.u32 v0, $0x10  }
0x8b: {  	[tilespmem:$0x19090] =	vst v1  }
0x8c: {  	[tilespmem:$0x19190] =	vst v0  }
0x8d: {  	v0 =	vld [tilespmem:s26+$0x140A0];
	_ =	sdelay $0x4  }
0x8e: {  	v1 =	vand.u32 $0xFFFF, v0;
	v0 =	vshrl.u32 v0, $0x10  }
0x8f: {  	[tilespmem:$0x190A0] =	vst v1  }
0x90: {  	[tilespmem:$0x191A0] =	vst v0  }
0x91: {  	v0 =	vld [tilespmem:s26+$0x140B0];
	_ =	sdelay $0x4  }
0x92: {  	v1 =	vand.u32 $0xFFFF, v0;
	v0 =	vshrl.u32 v0, $0x10  }
0x93: {  	[tilespmem:$0x190B0] =	vst v1  }
0x94: {  	[tilespmem:$0x191B0] =	vst v0  }
0x95: {  	v0 =	vld [tilespmem:s26+$0x140C0];
	_ =	sdelay $0x4  }
0x96: {  	v1 =	vand.u32 $0xFFFF, v0;
	v0 =	vshrl.u32 v0, $0x10  }
0x97: {  	[tilespmem:$0x190C0] =	vst v1  }
0x98: {  	[tilespmem:$0x191C0] =	vst v0  }
0x99: {  	v0 =	vld [tilespmem:s26+$0x140D0];
	_ =	sdelay $0x4  }
0x9a: {  	v1 =	vand.u32 $0xFFFF, v0;
	v0 =	vshrl.u32 v0, $0x10  }
0x9b: {  	[tilespmem:$0x190D0] =	vst v1  }
0x9c: {  	[tilespmem:$0x191D0] =	vst v0  }
0x9d: {  	v0 =	vld [tilespmem:s26+$0x140E0];
	_ =	sdelay $0x4  }
0x9e: {  	v1 =	vand.u32 $0xFFFF, v0;
	v0 =	vshrl.u32 v0, $0x10  }
0x9f: {  	[tilespmem:$0x190E0] =	vst v1  }
0xa0: {  	[tilespmem:$0x191E0] =	vst v0  }
0xa1: {  	v0 =	vld [tilespmem:s26+$0x140F0];
	_ =	sdelay $0x4  }
0xa2: {  	v1 =	vand.u32 $0xFFFF, v0;
	v0 =	vshrl.u32 v0, $0x10  }
0xa3: {  	p1 =	seq.s32 s28, $0x13C00;
	[tilespmem:$0x190F0] =	vst v1  }
0xa4: {  	s26 =	sshra.s32 @!p1 s28, $0x2;
	[tilespmem:$0x191F0] =	vst v0  }
0xa5: {  	[tilespmem:s19], [sflag:$0x2] =	stream.indirect.gather [spmem:s2], $0x40, s18, s15, $0xb8;
	[tilespmem:$0x1D200] =	vst v63  }
0xa6: {  	_ =	swait.ge [sflag:s20], $0x2000  }
0xa7: {  	[sflag:s20] =	ssyncset.done $0x0  }
0xa8: {  	[sflag:s20] =	ssyncadd.s32 $0xFFFFE000  }
0xa9: {  	[spmem:s3] =	stream.indirect.scatter.add.f32 [tilespmem:s17], [sflag:$0x3], $0x40, s21, s15, $0xb8;
	[tilespmem:$0x1D200] =	vst v63  }
0xaa: {  	_ =	swait.ge [sflag:s12], $0x2000  }
0xab: {  	[sflag:s12] =	ssyncset.done $0x0  }
0xac: {  	[sflag:s12] =	ssyncadd.s32 $0xFFFFE000  }
0xad: {  	v0 =	vld @!p1 [tilespmem:s26+$0x14100];
	_ =	sdelay $0x4  }
0xae: {  	v1 =	vand.u32 @!p1 $0xFFFF, v0;
	v0 =	vshrl.u32 @!p1 v0, $0x10  }
0xaf: {  	[tilespmem:$0x19000] =	vst @!p1 v1  }
0xb0: {  	[tilespmem:$0x19100] =	vst @!p1 v0  }
0xb1: {  	v0 =	vld @!p1 [tilespmem:s26+$0x14110];
	_ =	sdelay $0x4  }
0xb2: {  	v1 =	vand.u32 @!p1 $0xFFFF, v0;
	v0 =	vshrl.u32 @!p1 v0, $0x10  }
0xb3: {  	[tilespmem:$0x19010] =	vst @!p1 v1  }
0xb4: {  	[tilespmem:$0x19110] =	vst @!p1 v0  }
0xb5: {  	v0 =	vld @!p1 [tilespmem:s26+$0x14120];
	_ =	sdelay $0x4  }
0xb6: {  	v1 =	vand.u32 @!p1 $0xFFFF, v0;
	v0 =	vshrl.u32 @!p1 v0, $0x10  }
0xb7: {  	[tilespmem:$0x19020] =	vst @!p1 v1  }
0xb8: {  	[tilespmem:$0x19120] =	vst @!p1 v0  }
0xb9: {  	v0 =	vld @!p1 [tilespmem:s26+$0x14130];
	_ =	sdelay $0x4  }
0xba: {  	v1 =	vand.u32 @!p1 $0xFFFF, v0;
	v0 =	vshrl.u32 @!p1 v0, $0x10  }
0xbb: {  	[tilespmem:$0x19030] =	vst @!p1 v1  }
0xbc: {  	[tilespmem:$0x19130] =	vst @!p1 v0  }
0xbd: {  	v0 =	vld @!p1 [tilespmem:s26+$0x14140];
	_ =	sdelay $0x4  }
0xbe: {  	v1 =	vand.u32 @!p1 $0xFFFF, v0;
	v0 =	vshrl.u32 @!p1 v0, $0x10  }
0xbf: {  	[tilespmem:$0x19040] =	vst @!p1 v1  }
0xc0: {  	[tilespmem:$0x19140] =	vst @!p1 v0  }
0xc1: {  	v0 =	vld @!p1 [tilespmem:s26+$0x14150];
	_ =	sdelay $0x4  }
0xc2: {  	v1 =	vand.u32 @!p1 $0xFFFF, v0;
	v0 =	vshrl.u32 @!p1 v0, $0x10  }
0xc3: {  	[tilespmem:$0x19050] =	vst @!p1 v1  }
0xc4: {  	s29 =	simm.s32 @!p1 $0x80;
	s30 =	simm.s32 @!p1 $0x19000;
	s31 =	simm.s32 @!p1 $0x19200;
	[tilespmem:$0x19150] =	vst @!p1 v0  }
0xc5: {  	v0 =	vld @!p1 [tilespmem:s26+$0x14160];
	_ =	sdelay $0x1  }
.Ltmp0:
0xc6: {  	(pc) =	sbr.rel @p0 .LBB2_2-.Ltmp0, $3  }
0xc7: {  	_ =	sdelay $0x1  }
0xc8: {  	v1 =	vand.u32 @!p1 $0xFFFF, v0;
	v0 =	vshrl.u32 @!p1 v0, $0x10  }
0xc9: {  	[tilespmem:$0x19060] =	vst @!p1 v1  }
0xca: {  	[tilespmem:$0x19160] =	vst @!p1 v0  }
0xcb: {  	v0 =	vld @!p1 [tilespmem:s26+$0x14170];
	_ =	sdelay $0x4  }
0xcc: {  	v1 =	vand.u32 @!p1 $0xFFFF, v0  }
0xcd: {  	v0 =	vshrl.u32 @!p1 v0, $0x10;
	[tilespmem:$0x19070] =	vst @!p1 v1  }
0xce: {  	[tilespmem:$0x19170] =	vst @!p1 v0  }
0xcf: {  	[tilespmem:s31], [sflag:$0x1] =	stream.indirect.gather @!p1 [spmem:s2], $0x40, s30, s29, $0xb8;
	[tilespmem:$0x1D200] =	vst v63  }
0xd0: {  	_ =	swait.ge [sflag:s22], $0x2000  }
0xd1: {  	[sflag:s22] =	ssyncset.done $0x0  }
0xd2: {  	[sflag:s22] =	ssyncadd.s32 $0xFFFFE000  }
0xd3: {  	[spmem:s3] =	stream.indirect.scatter.add.f32 [tilespmem:s19], [sflag:$0x3], $0x40, s23, s15, $0xb8;
	[tilespmem:$0x1D200] =	vst v63  }
0xd4: {  	_ =	swait.ge [sflag:s12], $0x2000  }
0xd5: {  	s24 =	sadd.s32 $0x1, s24;
	[sflag:s12] =	ssyncset.done $0x0  }
0xd6: {  	p0 =	sne.s32 s24, s8;
	[sflag:s12] =	ssyncadd.s32 $0xFFFFE000  }
.Ltmp1:
0xd7: {  	[bflag:$0x0] =	sbarrier.arrive $0xFFFF;
	(pc) =	sbr.rel @p0 .LBB2_1-.Ltmp1, $4  }
0xd8: {  	[hbm:s7], [sflag:s10] =	dma.local [spmem:s13], $0x1400  }
0xd9: {  	_ =	swait.ge [sflag:s12], $0x1400  }
0xda: {  	[sflag:s12] =	ssyncset.done $0x0  }
0xdb: {  	[sflag:s12] =	ssyncadd.s32 $0xFFFFEC00  }
0xdc: {  	_ =	sfence.sel $0x180000  }
0xdd: {  	[bflag:$0x0] =	sbarrier.arrive $0xFFFF  }
0xde: {  	p0 =	sne.s32 s0, $0x0;
	_ =	strace $0x9000004D  }
0xdf: {  	s0 =	sadd.s32 @!p0 $0x100000, s1;
	[bflag:$0x2] =	sbarrier.arrive $0xFFFF  }
0xe0: {  	[sflag:s0] =	ssyncadd.tile.s32 @!p0 $0x1;
	_ =	shalt  }
.Lfunc_end2:
_tile_overlayer_lowered:
.L_overlay_start_2:
0xe1: {  	(tag) =	ssettag $0x2  }
0xe2: {  	s0 =	rddreg [dreg:$0x0];
	s2 =	stileid.u32  }
0xe3: {  	s1 =	rddreg [dreg:$0x1];
	p0 =	sne.s32 s2, $0x0  }
0xe4: {  	s3 =	rddreg [dreg:$0x2];
	[bflag:$0x3] =	sbarrier.arrive $0xFFFF;
	s2 =	simm.s32 @!p0 $0x1C03  }
0xe5: {  	[timem:s3], [sflag:s2] =	dma.local @!p0 [hbm:s0], s1  }
0xe6: {  	s0 =	simm.s32 @!p0 $0x3  }
0xe7: {  	_ =	swait.ge @!p0 [sflag:s0], s1  }
0xe8: {  	s1 =	ssub.s32 @!p0 $0x0, s1;
	[sflag:s0] =	ssyncset.done @!p0 $0x0  }
0xe9: {  	[sflag:s0] =	ssyncadd.s32 @!p0 s1  }
0xea: {  	[bflag:$0x3] =	sbarrier.arrive $0xFFFF  }
0xeb: {  	_ =	shalt  }

// kernel: kernel.8.cloned.1.call-start
scs
__scs_entry_jumppad:
0x0: {  	(pc) =	sbr.rel $0x88, $3  }
0x1: {  	(tag) =	ssettag $0x0;
	lr =	simm.s32 $0x1  }
0x2: {  	[smem:$0x3F99] =	sst lr;
	_ =	strace $0xD0000000  }
0x3: {  	_ = 	snop  }
0x4: {  	_ = 	snop  }
0x5: {  	_ = 	snop  }
0x6: {  	_ = 	snop  }
0x7: {  	_ = 	snop  }
__scs_overlays_trampoline_lowered:
0x8: {  	[smem:$0x3FA8] =	sst s0  }
0x9: {  	[smem:$0x3FA9] =	sst s1  }
0xa: {  	[smem:$0x3FAA] =	sst s2  }
0xb: {  	[smem:$0x3FAB] =	sst s3  }
0xc: {  	[smem:$0x3FAC] =	sst s4  }
0xd: {  	[smem:$0x3FAD] =	sst s5  }
0xe: {  	[smem:$0x3FAE] =	sst s6  }
0xf: {  	[smem:$0x3FAF] =	sst s7  }
0x10: {  	[smem:$0x3FB0] =	sst s8  }
0x11: {  	[smem:$0x3FB1] =	sst s9;
	s0 =	simm.s32 @!p0 $0x0  }
0x12: {  	s1 =	sld [smem:$0x3F97];
	s0 =	simm.s32 @p0 $0x1  }
0x13: {  	[smem:$0x3FB2] =	sst s0;
	s0 =	simm.s32 @!p1 $0x0  }
0x14: {  	s2 =	sld [smem:$0x3F96];
	s0 =	simm.s32 @p1 $0x1  }
0x15: {  	[smem:$0x3FB3] =	sst s0;
	s0 =	simm.s32 @!p2 $0x0  }
0x16: {  	s3 =	sld [smem:$0x3FDB];
	s0 =	simm.s32 @p2 $0x1  }
0x17: {  	s4 =	simm.s32 $0x1BF5;
	[smem:$0x3FB5] =	sst s0  }
0x18: {  	s0 =	sld [smem:$0x3F98];
	_ =	swait.ge [sflag:s4], $0x0  }
0x19: {  	s7 =	sld [smem:$0x3F99]  }
0x1a: {  	s8 =	sadd.s32 $0xFFFFE003, lr  }
0x1b: {  	s9 =	sadd.s32 $0xFFFFFEF7, lr;
	s5 =	simm.s32 $0xFFFFFFFF;
	p2 =	slt.u32 s8, $0xFFFFF086  }
0x1c: {  	p1 =	slt.u32 s9, $0xF7A;
	s5 =	simm.s32 @!p2 $0x0  }
0x1d: {  	s5 =	simm.s32 @p1 $0x1;
	p0 =	seq.s32 s7, s2  }
0x1e: {  	s7 =	smul.u32 @!p0 $0xF7A, s2;
	p2 =	seq.s32 @!p0 s5, $0x0  }
0x1f: {  	s9 =	smul.u32 $0xF7A, s1;
	s8 =	simm.s32 @!p0 $0x1BF5;
	p2 =	por !p2, p0  }
0x20: {  	[sflag:s8] =	ssyncset.s32 @!p0 $0xFFFFF086;
	s6 =	sadd.s32 @!p0 s3, s7;
	s7 =	simm.s32 @!p0 $0x108  }
0x21: {  	s3 =	sadd.s32 s3, s9;
	s6 =	sadd.s32 @!p0 $0x88, s6;
	s7 =	simm.s32 @p2 $0x1082  }
0x22: {  	[simem:s7], [sflag:s8] =	dma.local @!p0 [hbm:s6], $0xF7A  }
0x23: {  	s9 =	sor.u32 $0xD0000000, s2;
	s6 =	simm.s32 $0x108;
	_ =	swait.ge @!p0 [sflag:s8], $0x0  }
0x24: {  	s3 =	sadd.s32 $0x88, s3;
	s6 =	simm.s32 @!p1 $0x1082;
	[sflag:s4] =	ssyncset.s32 $0xFFFFF086  }
0x25: {  	[simem:s6], [sflag:s4] =	dma.local [hbm:s3], $0xF7A  }
0x26: {  	[smem:$0x3F99] =	sst s1;
	(tag) =	ssettag s2;
	_ =	strace s9  }
0x27: {  	s1 =	sld [smem:$0x3FA9]  }
0x28: {  	s2 =	sld [smem:$0x3FAA]  }
0x29: {  	s4 =	sld [smem:$0x3FAC]  }
0x2a: {  	p0 =	seq.s32 s5, $0x0;
	s5 =	sld [smem:$0x3FAD]  }
0x2b: {  	s6 =	sld [smem:$0x3FAE]  }
0x2c: {  	s7 =	sld [smem:$0x3FAF]  }
0x2d: {  	s3 =	simm.s32 $0x108;
	s8 =	sld [smem:$0x3FB0]  }
0x2e: {  	s3 =	simm.s32 @!p0 $0x1082;
	s9 =	sld [smem:$0x3FB1]  }
0x2f: {  	lr =	sadd.s32 s0, s3;
	s0 =	sld [smem:$0x3FA8]  }
0x30: {  	s3 =	sld [smem:$0x3FAB]  }
0x31: {  	[smem:$0x3FB4] =	sst s10  }
0x32: {  	s10 =	sld [smem:$0x3FB2];
	_ =	sdelay $0x3  }
0x33: {  	p0 =	seq.s32 s10, $0x1;
	s10 =	sld [smem:$0x3FB4];
	_ =	sdelay $0x3  }
0x34: {  	[smem:$0x3FB4] =	sst s10  }
0x35: {  	s10 =	sld [smem:$0x3FB3];
	_ =	sdelay $0x3  }
0x36: {  	p1 =	seq.s32 s10, $0x1;
	s10 =	sld [smem:$0x3FB4];
	_ =	sdelay $0x3  }
0x37: {  	[smem:$0x3FB4] =	sst s10  }
0x38: {  	s10 =	sld [smem:$0x3FB5]  }
0x39: {  	_ = 	snop;
	(pc) =	sbr.ind lr, $3  }
0x3a: {  	_ = 	snop  }
0x3b: {  	_ = 	snop  }
0x3c: {  	p2 =	seq.s32 s10, $0x1;
	s10 =	sld [smem:$0x3FB4]  }
0x3d: {  	_ =	shalt  }
0x3e: {  	_ =	shalt  }
0x3f: {  	_ =	shalt  }
0x40: {  	_ =	shalt  }
0x41: {  	_ =	shalt  }
0x42: {  	_ =	shalt  }
0x43: {  	_ =	shalt  }
0x44: {  	_ =	shalt  }
0x45: {  	_ =	shalt  }
0x46: {  	_ =	shalt  }
0x47: {  	_ =	shalt  }
0x48: {  	_ =	shalt  }
0x49: {  	_ =	shalt  }
0x4a: {  	_ =	shalt  }
0x4b: {  	_ =	shalt  }
0x4c: {  	_ =	shalt  }
0x4d: {  	_ =	shalt  }
0x4e: {  	_ =	shalt  }
0x4f: {  	_ =	shalt  }
0x50: {  	_ =	shalt  }
0x51: {  	_ =	shalt  }
0x52: {  	_ =	shalt  }
0x53: {  	_ =	shalt  }
0x54: {  	_ =	shalt  }
0x55: {  	_ =	shalt  }
0x56: {  	_ =	shalt  }
0x57: {  	_ =	shalt  }
0x58: {  	_ =	shalt  }
0x59: {  	_ =	shalt  }
0x5a: {  	_ =	shalt  }
0x5b: {  	_ =	shalt  }
0x5c: {  	_ =	shalt  }
0x5d: {  	_ =	shalt  }
0x5e: {  	_ =	shalt  }
0x5f: {  	_ =	shalt  }
0x60: {  	_ =	shalt  }
0x61: {  	_ =	shalt  }
0x62: {  	_ =	shalt  }
0x63: {  	_ =	shalt  }
0x64: {  	_ =	shalt  }
0x65: {  	_ =	shalt  }
0x66: {  	_ =	shalt  }
0x67: {  	_ =	shalt  }
0x68: {  	_ =	shalt  }
0x69: {  	_ =	shalt  }
0x6a: {  	_ =	shalt  }
0x6b: {  	_ =	shalt  }
0x6c: {  	_ =	shalt  }
0x6d: {  	_ =	shalt  }
0x6e: {  	_ =	shalt  }
0x6f: {  	_ =	shalt  }
0x70: {  	_ =	shalt  }
0x71: {  	_ =	shalt  }
0x72: {  	_ =	shalt  }
0x73: {  	_ =	shalt  }
0x74: {  	_ =	shalt  }
0x75: {  	_ =	shalt  }
0x76: {  	_ =	shalt  }
0x77: {  	_ =	shalt  }
0x78: {  	_ =	shalt  }
0x79: {  	_ =	shalt  }
0x7a: {  	_ =	shalt  }
0x7b: {  	_ =	shalt  }
0x7c: {  	_ =	shalt  }
0x7d: {  	_ =	shalt  }
0x7e: {  	_ =	shalt  }
0x7f: {  	_ =	shalt  }
0x80: {  	_ =	shalt  }
0x81: {  	_ =	shalt  }
0x82: {  	_ =	shalt  }
0x83: {  	_ =	shalt  }
0x84: {  	_ =	shalt  }
0x85: {  	_ =	shalt  }
0x86: {  	_ =	shalt  }
0x87: {  	_ =	shalt  }
.Lfunc_end0:
.L_simem_size_0:
called_computation_lowered:
.L_overlay_start_0:
0x88: {  	s2 =	sld [smem:$0x3FD9]  }
0x89: {  	s3 =	sld [smem:$0x3FFE];
	_ =	sdelay $0x1  }
0x8a: {  	s1 =	srdreg.scid  }
0x8b: {  	s0 =	sand.u32 $0x1, s1  }
0x8c: {  	s17 =	sshll.u32 s0, $0xA;
	s2 =	sadd.s32 s3, s2  }
0x8d: {  	s2 =	sadd.s32 s2, s17  }
0x8e: {  	[smem:$0x3FC0] =	sst s2  }
0x8f: {  	_ = 	snop  }
0x90: {  	s2 =	sld [smem:$0x3FD0];
	(tm) =	ssettm $0x1  }
0x91: {  	s18 =	sld [smem:$0x3FFB];
	_ =	sdelay $0x3  }
0x92: {  	_ =	strace s18  }
0x93: {  	s3 =	sld [smem:$0x3FFC];
	_ =	sdelay $0x3  }
0x94: {  	_ =	strace s3  }
0x95: {  	s3 =	sld [smem:$0x3FFD];
	_ =	sdelay $0x3  }
0x96: {  	_ =	strace s3  }
0x97: {  	_ =	strace $0x8FFFFFFF  }
0x98: {  	s19 =	sld [smem:$0x3FDB];
	_ =	sdelay $0x1  }
0x99: {  	s4 =	simm.s32 $_scs_section_size  }
0x9a: {  	s5 =	simm.s32 $_size__tile_overlayer_lowered;
	s6 =	simm.s32 $_tile_overlayer_lowered  }
0x9b: {  	s22 =	simm.s32 $0x1BFF;
	s21 =	sshll.u32 s6, $0x1;
	s3 =	sadd.s32 s4, s19  }
0x9c: {  	s7 =	simm.s32 $0x0;
	s20 =	sshll.u32 s5, $0x1;
	s5 =	sadd.s32 s21, s3  }
0x9d: {  	[timem:s7], [sflag:s22] =	dma.local [hbm:s5], s20  }
0x9e: {  	_ =	swait.ge [sflag:s22], s20  }
0x9f: {  	s4 =	ssub.s32 $0x0, s20;
	[sflag:s22] =	ssyncset.done $0x0  }
0xa0: {  	[sflag:s22] =	ssyncadd.s32 s4;
	_ =	sdelay $0x1  }
0xa1: {  	s23 =	simm.s32 $0x1B8B  }
0xa2: {  	_ =	swait.ge [sflag:s23], $0x1  }
0xa3: {  	[sflag:s23] =	ssyncset.done $0x0  }
0xa4: {  	s25 =	simm.s32 $0x1B8E;
	s24 =	sld [smem:$0x3FFE];
	[sflag:s23] =	ssyncadd.s32 $0xFFFFFFFF  }
0xa5: {  	s26 =	simm.s32 $execute0_lowered;
	[smem:$0x3FD2] =	sst s25  }
0xa6: {  	s5 =	sshll.u32 s26, $0x1;
	_ =	strace $0x80000046;
	[dreg:$0x1] =	wrdreg $0xFFFFFFFF  }
0xa7: {  	s28 =	simm.s32 $_size_execute0_lowered;
	s3 =	sadd.s32 s3, s5;
	[dreg:$0x0] =	wrdreg $0x0  }
0xa8: {  	s5 =	sshll.u32 s28, $0x1;
	[dreg:$0x2] =	wrdreg s3  }
0xa9: {  	[dreg:$0x3] =	wrdreg s5  }
0xaa: {  	[dreg:$0x4] =	wrdreg $0xC0  }
0xab: {  	_ =	task [dreg:s7], $0x5FFFF  }
0xac: {  	[dreg:$0x1] =	wrdreg $0xFFFFFFFF  }
0xad: {  	[dreg:$0x0] =	wrdreg $0x60  }
0xae: {  	[dreg:$0x2] =	wrdreg s2  }
0xaf: {  	[dreg:$0x3] =	wrdreg s24  }
0xb0: {  	[dreg:$0x4] =	wrdreg $0x0  }
0xb1: {  	[dreg:$0x5] =	wrdreg $0x9  }
0xb2: {  	_ =	task.clear_ibuf [dreg:s7], $0x6FFFF;
	_ =	strace $0x90000046  }
0xb3: {  	s29 =	simm.s32 $0x9;
	_ =	strace $0x80000048  }
0xb4: {  	_ =	swait.ge [sflag:s29], $0x1  }
0xb5: {  	[sflag:s29] =	ssyncadd.s32 $0xFFFFFFFF  }
0xb6: {  	_ =	strace $0x90000048  }
0xb7: {  	_ =	sfence  }
0xb8: {  	s30 =	sld [smem:$0x0];
	_ =	sdelay $0x2  }
0xb9: {  	s31 =	sshll.u32 s1, $0xD;
	s1 =	sshrl.u32 s1, $0x2  }
0xba: {  	s3 =	sand.u32 $0x4000, s31;
	s1 =	sadd.s32 s1, s30  }
0xbb: {  	s0 =	sor.u32 s3, s0;
	s1 =	sshll.u32 s1, $0x11  }
0xbc: {  	s0 =	sor.u32 s1, s0  }
0xbd: {  	s0 =	sadd.s32 $0x8F2B, s0  }
0xbe: {  	[sflag:s0] =	ssyncadd.remote.s32 $0x1  }
0xbf: {  	_ =	sfence.sel $0xFFFF  }
0xc0: {  	[dreg:$0x0] =	wrdreg $0xFFFFFFFF;
	(pc) =	sbr.abs _section_cstart, $3  }
0xc1: {  	[dreg:$0x1] =	wrdreg $0xFFFFFFFF  }
0xc2: {  	_ =	task.clear_ibuf [dreg:s7], $0x2FFFF;
	_ =	strace $0x9FFFFFFF  }
0xc3: {  	(tm) =	ssettm $0x7FFFFFFF  }
tec
execute0_lowered:
.L_overlay_start_1:
0x0: {  	(tag) =	ssettag $0x1  }
0x1: {  	s4 =	rddreg [dreg:$0x0]  }
0x2: {  	s5 =	rddreg [dreg:$0x1]  }
0x3: {  	s1 =	rddreg [dreg:$0x2]  }
0x4: {  	s0 =	rddreg [dreg:$0x3]  }
0x5: {  	s3 =	srdreg.scid;
	s6 =	stileid.u32  }
0x6: {  	s2 =	simm.s32 $0x0;
	s10 =	simm.s32 $0x280;
	s11 =	simm.s32 $0x50  }
0x7: {  	s12 =	simm.s32 $0x5280;
	s13 =	simm.s32 $0x0;
	s3 =	sand.u32 $0x1, s3  }
0x8: {  	s7 =	sshll.u32 s6, $0x1;
	[smem:$0x7FF] =	sst s2;
	p0 =	sne.s32 s6, $0x0  }
0x9: {  	s8 =	smul.u32 $0x500, s3;
	s7 =	sor.u32 s3, s7;
	s9 =	ssub.s32 $0x2, s3  }
0xa: {  	_ =	strace $0x80000047;
	s7 =	smul.u32 $0x500, s7;
	s31 =	sshrl.u32 s9, $0x1  }
0xb: {  	v0 =	vlaneseq.u32;
	s3 =	sadd.s32 $0x3A00, s5;
	s5 =	sadd.s32 s8, s5;
	s8 =	ssub.s32 s9, s31  }
0xc: {  	v1 =	vor.u32 $0x10, v0;
	s9 =	simm.s32 $0x1;
	s4 =	sadd.s32 s4, s7;
	s5 =	sadd.s32 $0x4000, s5  }
0xd: {  	v2 =	vor.u32 $0x20, v0;
	v3 =	vor.u32 $0x30, v0;
	v4 =	vor.u32 $0x40, v0;
	s6 =	smax.u32 s8, $0x1;
	s7 =	sshrl.u32 @!p0 s1, $0x3;
	s8 =	simm.s32 $0x2A80  }
.LBB2_1:
0xe: {  	s14 =	simm.s32 @!p0 $0x1C01  }
0xf: {  	[spmem:s7], [sflag:s14] =	dma.local @!p0 [hbm:s3], $0x500  }
0x10: {  	s14 =	simm.s32 @!p0 $0x1  }
0x11: {  	_ =	swait.ge @!p0 [sflag:s14], $0x500  }
0x12: {  	[sflag:s14] =	ssyncset.done @!p0 $0x0  }
0x13: {  	[sflag:s14] =	ssyncadd.s32 @!p0 $0xFFFFFB00  }
0x14: {  	[tilespmem:s8], [sflag:$0x1] =	stream.linear.gather [hbm4b:s3+s2], $0x2800, $0x38;
	[tilespmem:$0x5300] =	vst v63  }
0x15: {  	_ =	swait.ge [sflag:s9], $0x2800  }
0x16: {  	[sflag:s9] =	ssyncset.done $0x0  }
0x17: {  	[sflag:s9] =	ssyncadd.s32 $0xFFFFD800  }
0x18: {  	[tilespmem:s10], [sflag:$0x1] =	stream.linear.gather [hbm4b:s4+s2], $0x2800, $0x38;
	[tilespmem:$0x5300] =	vst v63  }
0x19: {  	_ =	swait.ge [sflag:s9], $0x2800  }
0x1a: {  	[sflag:s9] =	ssyncset.done $0x0  }
0x1b: {  	[sflag:s9] =	ssyncadd.s32 $0xFFFFD800  }
0x1c: {  	[tilespmem:$0x5280] =	vst v0  }
0x1d: {  	[tilespmem:$0x5290] =	vst v1  }
0x1e: {  	[tilespmem:$0x52A0] =	vst v2  }
0x1f: {  	[tilespmem:$0x52B0] =	vst v3  }
0x20: {  	[tilespmem:$0x52C0] =	vst v4  }
0x21: {  	s14 =	simm.s32 $0x0;
	[bflag:$0x0] =	sbarrier.arrive $0xFFFF  }
.LBB2_2:
0x22: {  	s15 =	sshra.s32 s14, $0x2  }
0x23: {  	v5 =	vld [tilespmem:s15+$0x280];
	_ =	sdelay $0x4  }
0x24: {  	v5 =	vshrl.u32 v5, $0x10  }
0x25: {  	(xrf1) =	vunique.msk.u32 $0xffff, v5;
	_ =	sdelay $0xd  }
0x26: {  	_, v6, vm0 =	vpop (xrf1);
	_ =	sdelay $0x3  }
0x27: {  	v6 =	vcvt.s32.f32 v6;
	_ =	sdelay $0x1  }
0x28: {  	[tilespmem:v5+s8+$0x0] =	vst.idx.add.f32.msk vm0, v6  }
0x29: {  	v5 =	vld [tilespmem:s15+$0x290];
	_ =	sdelay $0x4  }
0x2a: {  	v5 =	vshrl.u32 v5, $0x10  }
0x2b: {  	(xrf1) =	vunique.msk.u32 $0xffff, v5;
	_ =	sdelay $0xd  }
0x2c: {  	_, v6, vm0 =	vpop (xrf1);
	_ =	sdelay $0x3  }
0x2d: {  	v6 =	vcvt.s32.f32 v6;
	_ =	sdelay $0x1  }
0x2e: {  	[tilespmem:v5+s8+$0x0] =	vst.idx.add.f32.msk vm0, v6  }
0x2f: {  	v5 =	vld [tilespmem:s15+$0x2A0];
	_ =	sdelay $0x4  }
0x30: {  	v5 =	vshrl.u32 v5, $0x10  }
0x31: {  	(xrf1) =	vunique.msk.u32 $0xffff, v5;
	_ =	sdelay $0xd  }
0x32: {  	_, v6, vm0 =	vpop (xrf1);
	_ =	sdelay $0x3  }
0x33: {  	v6 =	vcvt.s32.f32 v6;
	_ =	sdelay $0x1  }
0x34: {  	[tilespmem:v5+s8+$0x0] =	vst.idx.add.f32.msk vm0, v6  }
0x35: {  	v5 =	vld [tilespmem:s15+$0x2B0];
	_ =	sdelay $0x4  }
0x36: {  	v5 =	vshrl.u32 v5, $0x10  }
0x37: {  	(xrf1) =	vunique.msk.u32 $0xffff, v5;
	_ =	sdelay $0xd  }
0x38: {  	_, v6, vm0 =	vpop (xrf1);
	_ =	sdelay $0x3  }
0x39: {  	v6 =	vcvt.s32.f32 v6;
	_ =	sdelay $0x1  }
0x3a: {  	[tilespmem:v5+s8+$0x0] =	vst.idx.add.f32.msk vm0, v6  }
0x3b: {  	v5 =	vld [tilespmem:s15+$0x2C0];
	_ =	sdelay $0x4  }
0x3c: {  	v5 =	vshrl.u32 v5, $0x10  }
0x3d: {  	(xrf1) =	vunique.msk.u32 $0xffff, v5;
	_ =	sdelay $0xd  }
0x3e: {  	_, v6, vm0 =	vpop (xrf1);
	_ =	sdelay $0x3  }
0x3f: {  	v6 =	vcvt.s32.f32 v6;
	_ =	sdelay $0x1  }
0x40: {  	[tilespmem:v5+s8+$0x0] =	vst.idx.add.f32.msk vm0, v6  }
0x41: {  	v5 =	vld [tilespmem:s15+$0x2D0];
	_ =	sdelay $0x4  }
0x42: {  	v5 =	vshrl.u32 v5, $0x10  }
0x43: {  	(xrf1) =	vunique.msk.u32 $0xffff, v5;
	_ =	sdelay $0xd  }
0x44: {  	_, v6, vm0 =	vpop (xrf1);
	_ =	sdelay $0x3  }
0x45: {  	v6 =	vcvt.s32.f32 v6;
	_ =	sdelay $0x1  }
0x46: {  	[tilespmem:v5+s8+$0x0] =	vst.idx.add.f32.msk vm0, v6  }
0x47: {  	v5 =	vld [tilespmem:s15+$0x2E0];
	_ =	sdelay $0x4  }
0x48: {  	v5 =	vshrl.u32 v5, $0x10  }
0x49: {  	(xrf1) =	vunique.msk.u32 $0xffff, v5;
	_ =	sdelay $0xd  }
0x4a: {  	_, v6, vm0 =	vpop (xrf1);
	_ =	sdelay $0x3  }
0x4b: {  	v6 =	vcvt.s32.f32 v6;
	_ =	sdelay $0x1  }
0x4c: {  	[tilespmem:v5+s8+$0x0] =	vst.idx.add.f32.msk vm0, v6  }
0x4d: {  	v5 =	vld [tilespmem:s15+$0x2F0];
	_ =	sdelay $0x4  }
0x4e: {  	v5 =	vshrl.u32 v5, $0x10  }
0x4f: {  	(xrf1) =	vunique.msk.u32 $0xffff, v5;
	_ =	sdelay $0xd  }
0x50: {  	_, v6, vm0 =	vpop (xrf1)  }
0x51: {  	p1 =	sne.s32 s14, $0x9E00  }
.Ltmp0:
0x52: {  	_ = 	snop;
	(pc) =	sbr.rel @p1 .LBB2_2-.Ltmp0, $3  }
0x53: {  	_ = 	snop  }
0x54: {  	v6 =	vcvt.s32.f32 v6;
	_ =	sdelay $0x1  }
0x55: {  	s14 =	sadd.s32 $0x200, s14;
	[tilespmem:v5+s8+$0x0] =	vst.idx.add.f32.msk vm0, v6  }
0x56: {  	[spmem:s1] =	stream.indirect.scatter.add.f32 [tilespmem:s8], [sflag:$0x1], $0x80, s12, s11, $0xb8;
	[tilespmem:$0x5300] =	vst v63  }
0x57: {  	_ =	swait.ge [sflag:s9], $0x2800  }
0x58: {  	[sflag:s9] =	ssyncset.done $0x0  }
0x59: {  	s13 =	sadd.s32 $0x1, s13;
	[sflag:s9] =	ssyncadd.s32 $0xFFFFD800  }
0x5a: {  	s14 =	simm.s32 @!p0 $0x1C01;
	p1 =	sne.s32 s13, s6;
	[bflag:$0x0] =	sbarrier.arrive $0xFFFF  }
0x5b: {  	[hbm:s5], [sflag:s14] =	dma.local @!p0 [spmem:s7], $0x500  }
.Ltmp1:
0x5c: {  	_ = 	snop;
	(pc) =	sbr.rel @p1 .LBB2_1-.Ltmp1, $4  }
0x5d: {  	s14 =	simm.s32 @!p0 $0x1  }
0x5e: {  	_ =	swait.ge @!p0 [sflag:s14], $0x500  }
0x5f: {  	[sflag:s14] =	ssyncset.done @!p0 $0x0  }
0x60: {  	[sflag:s14] =	ssyncadd.s32 @!p0 $0xFFFFFB00  }
0x61: {  	_ =	sfence.sel $0x180000  }
0x62: {  	[bflag:$0x0] =	sbarrier.arrive $0xFFFF  }
0x63: {  	_ =	strace $0x90000047  }
0x64: {  	s0 =	sadd.s32 @!p0 $0x100000, s0;
	[bflag:$0x2] =	sbarrier.arrive $0xFFFF  }
0x65: {  	[sflag:s0] =	ssyncadd.tile.s32 @!p0 $0x1;
	_ =	shalt  }
.Lfunc_end2:
_tile_overlayer_lowered:
.L_overlay_start_2:
0x66: {  	(tag) =	ssettag $0x2  }
0x67: {  	s0 =	rddreg [dreg:$0x0];
	s2 =	stileid.u32  }
0x68: {  	s1 =	rddreg [dreg:$0x1];
	p0 =	sne.s32 s2, $0x0  }
0x69: {  	s3 =	rddreg [dreg:$0x2];
	[bflag:$0x3] =	sbarrier.arrive $0xFFFF;
	s2 =	simm.s32 @!p0 $0x1C01  }
0x6a: {  	[timem:s3], [sflag:s2] =	dma.local @!p0 [hbm:s0], s1  }
0x6b: {  	s0 =	simm.s32 @!p0 $0x1  }
0x6c: {  	_ =	swait.ge @!p0 [sflag:s0], s1  }
0x6d: {  	s1 =	ssub.s32 @!p0 $0x0, s1;
	[sflag:s0] =	ssyncset.done @!p0 $0x0  }
0x6e: {  	[sflag:s0] =	ssyncadd.s32 @!p0 s1  }
0x6f: {  	[bflag:$0x3] =	sbarrier.arrive $0xFFFF  }
0x70: {  	_ =	shalt  }

</sc_bundles>
